<compile_context>
chip_gen: v7x
topology: tpu7x:2x2x1
jax: 0.10.2.dev20260603
libtpu: 0.0.44.dev20260713+nightly
codegen_flags: <defaults>
</compile_context>

<pallas_src>
import functools

import jax
import numpy as np
import jax.numpy as jnp
from jax import lax
from jax.experimental import pallas as pl
from jax.experimental.pallas import tpu as pltpu
from jax.experimental.pallas import tpu_sc as plsc

N_USERS = 3000
N_ITEMS = 7000
N_NODES = N_USERS + N_ITEMS
D = 128
N_LAYERS = 3
E = 320000

NC = 2
NS = 16
NW = NC * NS
EPW = E // NW
NPAD = 10240
EPWP = 10240
PADW = EPWP - EPW
PCH = 112
PEPW = 10080
PNCHUNK = PEPW // PCH
PIB = 6
PNBLK = PNCHUNK // PIB
PNB = 3
CH = 128
NCHUNK = EPWP // CH
NBUF = 4
RPS = NPAD // NS


def _sc_pass():
    mesh = plsc.VectorSubcoreMesh(core_axis_name="c", subcore_axis_name="s")

    @functools.partial(
        pl.kernel,
        mesh=mesh,
        out_type=jax.ShapeDtypeStruct((NC, NPAD, D), jnp.float32),
        scratch_types=[
            pltpu.VMEM((2, PIB, PCH), jnp.int32),
            pltpu.VMEM((2, PIB, PCH), jnp.int32),
            pltpu.VMEM((PNB, PCH, D), jnp.float32),
            pltpu.VMEM_SHARED((NPAD, D), jnp.float32),
            pltpu.SemaphoreType.DMA,
            pltpu.SemaphoreType.DMA,
            pltpu.SemaphoreType.DMA,
            pltpu.SemaphoreType.DMA,
        ],
    )
    def sc_pass(src_hbm, dst_hbm, x_hbm, zrow_hbm, p_out,
                src_v, dst_v, rows_v, acc_sh, sem0, sem1, sem2, isem):
        c = lax.axis_index("c")
        s = lax.axis_index("s")
        w = c * NS + s
        sems = [sem0, sem1, sem2]

        pltpu.sync_copy(src_hbm.at[w, 0], src_v.at[0])
        pltpu.sync_copy(dst_hbm.at[w, 0], dst_v.at[0])
        pltpu.sync_copy(zrow_hbm, acc_sh.at[pl.ds(s * RPS, RPS)])
        plsc.subcore_barrier()

        def gwait(slot, local, buf):
            pltpu.make_async_copy(x_hbm.at[src_v.at[slot, local]],
                                  rows_v.at[buf], sems[buf]).wait()

        def swait(slot, local, buf):
            pltpu.make_async_copy(rows_v.at[buf],
                                  acc_sh.at[dst_v.at[slot, local]],
                                  sems[buf]).wait()

        pltpu.async_copy(x_hbm.at[src_v.at[0, 0]], rows_v.at[0], sems[0])
        pltpu.async_copy(x_hbm.at[src_v.at[0, 1]], rows_v.at[1], sems[1])

        def block(k, carry):
            slot = lax.rem(k, 2)
            nslot = lax.rem(k + 1, 2)

            @pl.when(k + 1 < PNBLK)
            def _():
                pltpu.async_copy(src_hbm.at[w, k + 1], src_v.at[nslot], isem)
                pltpu.async_copy(dst_hbm.at[w, k + 1], dst_v.at[nslot], isem)

            for local in range(PIB):
                buf = local % PNB
                nbuf = (local + 2) % PNB
                gwait(slot, local, buf)
                pltpu.async_copy(rows_v.at[buf],
                                 acc_sh.at[dst_v.at[slot, local]],
                                 sems[buf], add=True)
                if local == 0:
                    @pl.when(k > 0)
                    def _(slot=slot, nbuf=nbuf):
                        swait(slot, 0, nbuf)
                else:
                    swait(slot, local, nbuf)
                if local < PIB - 2:
                    pltpu.async_copy(x_hbm.at[src_v.at[slot, local + 2]],
                                     rows_v.at[nbuf], sems[nbuf])
                else:
                    if local == PIB - 2:
                        @pl.when(k + 1 < PNBLK)
                        def _(nslot=nslot):
                            pltpu.make_async_copy(src_hbm.at[w, k + 1],
                                                  src_v.at[nslot], isem).wait()
                            pltpu.make_async_copy(dst_hbm.at[w, k + 1],
                                                  dst_v.at[nslot], isem).wait()

                    @pl.when(k + 1 < PNBLK)
                    def _(nslot=nslot, local=local, nbuf=nbuf):
                        pltpu.async_copy(
                            x_hbm.at[src_v.at[nslot, local + 2 - PIB]],
                            rows_v.at[nbuf], sems[nbuf])

            return carry

        lax.fori_loop(0, PNBLK, block, 0)
        swait(lax.rem(PNBLK - 1, 2), PIB - 1, (PIB - 1) % PNB)
        plsc.subcore_barrier()

        pltpu.sync_copy(acc_sh.at[pl.ds(s * RPS, RPS)],
                        p_out.at[c, pl.ds(s * RPS, RPS)])

    return sc_pass


def _sc_counts():
    mesh = plsc.VectorSubcoreMesh(core_axis_name="c", subcore_axis_name="s")

    @functools.partial(
        pl.kernel,
        mesh=mesh,
        out_type=jax.ShapeDtypeStruct((NC, NPAD, D), jnp.float32),
        scratch_types=[
            pltpu.VMEM((NCHUNK, CH), jnp.int32),
            pltpu.VMEM((CH, D), jnp.float32),
            pltpu.VMEM_SHARED((NPAD, D), jnp.float32),
            pltpu.SemaphoreType.DMA,
        ],
    )
    def sc_counts(dst_hbm, zrow_hbm, ones_hbm, c_out,
                  dst_v, ones_v, cacc_sh, ssem):
        c = lax.axis_index("c")
        s = lax.axis_index("s")
        w = c * NS + s

        pltpu.sync_copy(dst_hbm.at[w], dst_v)
        pltpu.sync_copy(ones_hbm, ones_v)
        pltpu.sync_copy(zrow_hbm, cacc_sh.at[pl.ds(s * RPS, RPS)])
        plsc.subcore_barrier()

        def body(g, carry):
            base = g * NBUF
            sds = [
                pltpu.async_copy(ones_v, cacc_sh.at[dst_v.at[base + b]],
                                 ssem, add=True)
                for b in range(NBUF)
            ]
            for d in sds:
                d.wait()
            return carry

        lax.fori_loop(0, NCHUNK // NBUF, body, 0)
        plsc.subcore_barrier()

        pltpu.sync_copy(cacc_sh.at[pl.ds(s * RPS, RPS)],
                        c_out.at[c, pl.ds(s * RPS, RPS)])

    return sc_counts


def _tc_combine_mid():
    BR = 2048

    def body(p_ref, c_ref, x_ref):
        cnt = c_ref[0, :, 0:1] + c_ref[1, :, 0:1]
        x_ref[...] = (p_ref[0] + p_ref[1]) / jnp.maximum(cnt, 1.0)

    return pl.pallas_call(
        body,
        grid=(NPAD // BR,),
        in_specs=[
            pl.BlockSpec((NC, BR, D), lambda i: (0, i, 0)),
            pl.BlockSpec((NC, BR, D), lambda i: (0, i, 0)),
        ],
        out_specs=pl.BlockSpec((BR, D), lambda i: (i, 0)),
        out_shape=jax.ShapeDtypeStruct((NPAD, D), jnp.float32),
    )


def _tc_combine_final():
    BR = 2048

    def body(p_ref, c_ref, x0_ref, x1_ref, x2_ref, out_ref):
        cnt = c_ref[0, :, 0:1] + c_ref[1, :, 0:1]
        x3 = (p_ref[0] + p_ref[1]) / jnp.maximum(cnt, 1.0)
        out_ref[...] = (x0_ref[...] + x1_ref[...] + x2_ref[...] + x3) * 0.25

    return pl.pallas_call(
        body,
        grid=(NPAD // BR,),
        in_specs=[
            pl.BlockSpec((NC, BR, D), lambda i: (0, i, 0)),
            pl.BlockSpec((NC, BR, D), lambda i: (0, i, 0)),
            pl.BlockSpec((BR, D), lambda i: (i, 0)),
            pl.BlockSpec((BR, D), lambda i: (i, 0)),
            pl.BlockSpec((BR, D), lambda i: (i, 0)),
        ],
        out_specs=pl.BlockSpec((BR, D), lambda i: (i, 0)),
        out_shape=jax.ShapeDtypeStruct((NPAD, D), jnp.float32),
    )


def kernel(edge_index, user_table, item_table):
    srcr = edge_index[0].astype(jnp.int32).reshape(NW, EPW)
    dstr = edge_index[1].astype(jnp.int32).reshape(NW, EPW)

    wids = np.arange(NW, dtype=np.int32)[:, None]

    ppad = PEPW - EPW
    pidx = np.arange(ppad, dtype=np.int32)[None, :]
    pad_src = jnp.asarray((wids * 97 + pidx * 13) % N_NODES)
    pad_dst = jnp.asarray(
        np.broadcast_to(N_NODES + pidx % (NPAD - N_NODES), (NW, ppad)))

    cidx = np.arange(PADW, dtype=np.int32)[None, :]
    cpad_dst = jnp.asarray(
        np.broadcast_to(N_NODES + cidx % (NPAD - N_NODES), (NW, PADW)))

    zrow = jnp.zeros((RPS, D), jnp.float32)
    ones = jnp.ones((CH, D), jnp.float32)

    sc_pass = _sc_pass()
    sc_counts = _sc_counts()
    comb_mid = _tc_combine_mid()
    comb_final = _tc_combine_final()

    dst3 = jnp.concatenate([dstr, cpad_dst], axis=1).reshape(NW, NCHUNK, CH)
    cp = sc_counts(dst3, zrow, ones)

    src4 = jnp.concatenate([srcr, pad_src], axis=1).reshape(
        NW, PNBLK, PIB, PCH)
    dst4 = jnp.concatenate([dstr, pad_dst], axis=1).reshape(
        NW, PNBLK, PIB, PCH)

    x0 = jnp.zeros((NPAD, D), jnp.float32)
    x0 = lax.dynamic_update_slice(x0, user_table, (0, 0))
    x0 = lax.dynamic_update_slice(x0, item_table, (N_USERS, 0))

    x0g, _ = lax.optimization_barrier((x0, cp))

    p1 = sc_pass(src4, dst4, x0g, zrow)
    x1 = comb_mid(p1, cp)
    p2 = sc_pass(src4, dst4, x1, zrow)
    x2 = comb_mid(p2, cp)
    p3 = sc_pass(src4, dst4, x2, zrow)
    acc = comb_final(p3, cp, x0, x1, x2)

    final = acc[:N_NODES]
    return (final[:N_USERS], final[N_USERS:])

# --- scband reference (transcript-rebuilt; emitter-appended) ---
"""Pipeline reference for scband-sim-gcl-74904229642737 (READ-ONLY COPY).

The authoritative reference and input builder live on the scoring server;
editing this copy changes nothing except your own understanding.
"""

import jax, jax.numpy as jnp
import numpy as np

N_USERS = 3000
N_ITEMS = 7000
N_NODES = N_USERS + N_ITEMS
EMBED_DIM = 128
N_LAYERS = 3
N_EDGES = 320000


def _xavier_uniform(key, shape):
    fan_in, fan_out = shape[0], shape[1]
    limit = float(np.sqrt(6.0 / (fan_in + fan_out)))
    return jax.random.uniform(key, shape, dtype=jnp.float32, minval=-limit, maxval=limit)


def setup_inputs(seed: int = 0) -> dict:
    key = jax.random.key(seed)
    k1, k2, k3 = jax.random.split(key, 3)
    edge_index = jax.random.randint(k1, (2, N_EDGES), 0, N_NODES, dtype=jnp.int64) if jax.config.jax_enable_x64 else jax.random.randint(k1, (2, N_EDGES), 0, N_NODES, dtype=jnp.int32)
    user_table = _xavier_uniform(k2, (N_USERS, EMBED_DIM))
    item_table = _xavier_uniform(k3, (N_ITEMS, EMBED_DIM))
    return {"edge_index": edge_index, "user_table": user_table, "item_table": item_table}


def _mean_conv(x, src, dst, n_nodes):
    # LightGCN-style conv: message = x_j (source), aggr='mean' at destination.
    msgs = jnp.take(x, src, axis=0)
    summed = jax.ops.segment_sum(msgs, dst, num_segments=n_nodes)
    counts = jax.ops.segment_sum(jnp.ones((src.shape[0],), dtype=x.dtype), dst, num_segments=n_nodes)
    counts = jnp.clip(counts, 1.0, None)
    return summed / counts[:, None]


def reference(edge_index, user_table, item_table):
    # forward(edge_index, perturb=False)
    x = jnp.concatenate([user_table, item_table], axis=0)
    src = edge_index[0]
    dst = edge_index[1]
    all_embs = [x]
    for _ in range(N_LAYERS):
        x = _mean_conv(x, src, dst, N_NODES)
        all_embs.append(x)
    stacked = jnp.stack(all_embs, axis=1)
    final_emb = jnp.mean(stacked, axis=1)
    user_emb = final_emb[:N_USERS]
    item_emb = final_emb[N_USERS:]
    return (user_emb, item_emb)

if __name__ == "__main__":
    import jax
    _d = setup_inputs()
    print(jax.jit(kernel)(*tuple(_d.values())))

</pallas_src>

<mosaic_0001>
#map = affine_map<(d0, d1) -> (0, 0, 0, 0)>
#map1 = affine_map<(d0, d1) -> (0, 0)>
#map2 = affine_map<(d0, d1) -> (0, 0, 0)>
module attributes {stable_mosaic.version = 14 : i64} {
  func.func @sc_pass(%arg0: i32, %arg1: i32, %arg2: memref<32x15x6x112xi32, #tpu.memory_space<hbm>>, %arg3: memref<32x15x6x112xi32, #tpu.memory_space<hbm>>, %arg4: memref<10240x128xf32, #tpu.memory_space<hbm>>, %arg5: memref<640x128xf32, #tpu.memory_space<hbm>>, %arg6: memref<2x10240x128xf32, #tpu.memory_space<hbm>>, %arg7: memref<2x6x112xi32, #tpu.memory_space<vmem>>, %arg8: memref<2x6x112xi32, #tpu.memory_space<vmem>>, %arg9: memref<3x112x128xf32, #tpu.memory_space<vmem>>, %arg10: memref<10240x128xf32, #tpu.memory_space<vmem_shared>>, %arg11: memref<!tpu.dma_semaphore, #tpu.memory_space<semaphore_mem>>, %arg12: memref<!tpu.dma_semaphore, #tpu.memory_space<semaphore_mem>>, %arg13: memref<!tpu.dma_semaphore, #tpu.memory_space<semaphore_mem>>, %arg14: memref<!tpu.dma_semaphore, #tpu.memory_space<semaphore_mem>>) attributes {dimension_semantics = [#tpu.dimension_semantics<core_parallel>, #tpu.dimension_semantics<subcore_parallel>], iteration_bounds = array<i64: 2, 16>, scalar_prefetch = 0 : i64, scratch_operands = 8 : i64, tpu.core_type = #tpu.core_type<sc_vector_subcore>, window_params = [{transform_indices = #map}, {transform_indices = #map}, {transform_indices = #map1}, {transform_indices = #map1}, {transform_indices = #map2}]} {
    %mul3A = arith.constant 16 : i32
    %mul3A_0 = arith.muli %arg0, %mul3A : i32
    %add3A = arith.addi %mul3A_0, %arg1 : i32
    %run_scoped3A = arith.constant 0 : i32
    %run_scoped3A_1 = arith.constant 0 : i32
    "tpu.region"() ({
      %run_scoped3A_54 = tpu.sem_alloc : memref<!tpu.dma_semaphore, #tpu.memory_space<semaphore_mem>>
      %dma_start3A_55 = arith.constant 0 : i32
      %dma_start3A_56 = arith.constant 0 : i32
      %dma_start3A_57 = tpu.memref_slice %arg7[%run_scoped3A_1, %dma_start3A_55, %dma_start3A_56] : memref<2x6x112xi32, #tpu.memory_space<vmem>> -> memref<1x6x112xi32, #tpu.memory_space<vmem>>
      %dma_start3A_58 = tpu.memref_squeeze %dma_start3A_57 : memref<1x6x112xi32, #tpu.memory_space<vmem>> -> memref<6x112xi32, #tpu.memory_space<vmem>>
      %dma_start3A_59 = arith.constant 0 : i32
      %dma_start3A_60 = arith.constant 0 : i32
      %dma_start3A_61 = tpu.memref_slice %arg2[%add3A, %run_scoped3A, %dma_start3A_59, %dma_start3A_60] : memref<32x15x6x112xi32, #tpu.memory_space<hbm>> -> memref<1x1x6x112xi32, #tpu.memory_space<hbm>>
      %dma_start3A_62 = tpu.memref_squeeze %dma_start3A_61 : memref<1x1x6x112xi32, #tpu.memory_space<hbm>> -> memref<6x112xi32, #tpu.memory_space<hbm>>
      %dma_start3A_63 = arith.constant 0 : i32
      %dma_start3A_64 = arith.constant 0 : i32
      %dma_start3A_65 = tpu.memref_slice %arg7[%run_scoped3A_1, %dma_start3A_63, %dma_start3A_64] : memref<2x6x112xi32, #tpu.memory_space<vmem>> -> memref<1x6x112xi32, #tpu.memory_space<vmem>>
      %dma_start3A_66 = tpu.memref_squeeze %dma_start3A_65 : memref<1x6x112xi32, #tpu.memory_space<vmem>> -> memref<6x112xi32, #tpu.memory_space<vmem>>
      %dma_start3A_67 = arith.constant 0 : i32
      %dma_start3A_68 = arith.constant 0 : i32
      %dma_start3A_69 = tpu.memref_slice %arg2[%add3A, %run_scoped3A, %dma_start3A_67, %dma_start3A_68] : memref<32x15x6x112xi32, #tpu.memory_space<hbm>> -> memref<1x1x6x112xi32, #tpu.memory_space<hbm>>
      %dma_start3A_70 = tpu.memref_squeeze %dma_start3A_69 : memref<1x1x6x112xi32, #tpu.memory_space<hbm>> -> memref<6x112xi32, #tpu.memory_space<hbm>>
      tpu.enqueue_dma source(%dma_start3A_70 : memref<6x112xi32, #tpu.memory_space<hbm>>) target(%dma_start3A_66 : memref<6x112xi32, #tpu.memory_space<vmem>>) target_semaphore(%run_scoped3A_54 : memref<!tpu.dma_semaphore, #tpu.memory_space<semaphore_mem>>)
      %dma_wait3A_71 = arith.constant 0 : i32
      %dma_wait3A_72 = arith.constant 0 : i32
      %dma_wait3A_73 = tpu.memref_slice %arg7[%run_scoped3A_1, %dma_wait3A_71, %dma_wait3A_72] : memref<2x6x112xi32, #tpu.memory_space<vmem>> -> memref<1x6x112xi32, #tpu.memory_space<vmem>>
      %dma_wait3A_74 = tpu.memref_squeeze %dma_wait3A_73 : memref<1x6x112xi32, #tpu.memory_space<vmem>> -> memref<6x112xi32, #tpu.memory_space<vmem>>
      %dma_wait3A_75 = arith.constant 0 : i32
      %dma_wait3A_76 = arith.constant 0 : i32
      %dma_wait3A_77 = tpu.memref_slice %arg2[%add3A, %run_scoped3A, %dma_wait3A_75, %dma_wait3A_76] : memref<32x15x6x112xi32, #tpu.memory_space<hbm>> -> memref<1x1x6x112xi32, #tpu.memory_space<hbm>>
      %dma_wait3A_78 = tpu.memref_squeeze %dma_wait3A_77 : memref<1x1x6x112xi32, #tpu.memory_space<hbm>> -> memref<6x112xi32, #tpu.memory_space<hbm>>
      %dma_wait3A_79 = arith.constant 0 : i32
      %dma_wait3A_80 = arith.constant 0 : i32
      %dma_wait3A_81 = tpu.memref_slice %arg7[%run_scoped3A_1, %dma_wait3A_79, %dma_wait3A_80] : memref<2x6x112xi32, #tpu.memory_space<vmem>> -> memref<1x6x112xi32, #tpu.memory_space<vmem>>
      %dma_wait3A_82 = tpu.memref_squeeze %dma_wait3A_81 : memref<1x6x112xi32, #tpu.memory_space<vmem>> -> memref<6x112xi32, #tpu.memory_space<vmem>>
      %dma_wait3A_83 = arith.constant 0 : i32
      %dma_wait3A_84 = arith.constant 0 : i32
      %dma_wait3A_85 = tpu.memref_slice %arg2[%add3A, %run_scoped3A, %dma_wait3A_83, %dma_wait3A_84] : memref<32x15x6x112xi32, #tpu.memory_space<hbm>> -> memref<1x1x6x112xi32, #tpu.memory_space<hbm>>
      %dma_wait3A_86 = tpu.memref_squeeze %dma_wait3A_85 : memref<1x1x6x112xi32, #tpu.memory_space<hbm>> -> memref<6x112xi32, #tpu.memory_space<hbm>>
      tpu.wait_dma2 semaphore(%run_scoped3A_54 : memref<!tpu.dma_semaphore, #tpu.memory_space<semaphore_mem>>) src(%dma_wait3A_86 : memref<6x112xi32, #tpu.memory_space<hbm>>) dst(%dma_wait3A_82 : memref<6x112xi32, #tpu.memory_space<vmem>>)
      tpu.yield
    }) : () -> ()
    %run_scoped3A_2 = arith.constant 0 : i32
    %run_scoped3A_3 = arith.constant 0 : i32
    "tpu.region"() ({
      %run_scoped3A_54 = tpu.sem_alloc : memref<!tpu.dma_semaphore, #tpu.memory_space<semaphore_mem>>
      %dma_start3A_55 = arith.constant 0 : i32
      %dma_start3A_56 = arith.constant 0 : i32
      %dma_start3A_57 = tpu.memref_slice %arg8[%run_scoped3A_3, %dma_start3A_55, %dma_start3A_56] : memref<2x6x112xi32, #tpu.memory_space<vmem>> -> memref<1x6x112xi32, #tpu.memory_space<vmem>>
      %dma_start3A_58 = tpu.memref_squeeze %dma_start3A_57 : memref<1x6x112xi32, #tpu.memory_space<vmem>> -> memref<6x112xi32, #tpu.memory_space<vmem>>
      %dma_start3A_59 = arith.constant 0 : i32
      %dma_start3A_60 = arith.constant 0 : i32
      %dma_start3A_61 = tpu.memref_slice %arg3[%add3A, %run_scoped3A_2, %dma_start3A_59, %dma_start3A_60] : memref<32x15x6x112xi32, #tpu.memory_space<hbm>> -> memref<1x1x6x112xi32, #tpu.memory_space<hbm>>
      %dma_start3A_62 = tpu.memref_squeeze %dma_start3A_61 : memref<1x1x6x112xi32, #tpu.memory_space<hbm>> -> memref<6x112xi32, #tpu.memory_space<hbm>>
      %dma_start3A_63 = arith.constant 0 : i32
      %dma_start3A_64 = arith.constant 0 : i32
      %dma_start3A_65 = tpu.memref_slice %arg8[%run_scoped3A_3, %dma_start3A_63, %dma_start3A_64] : memref<2x6x112xi32, #tpu.memory_space<vmem>> -> memref<1x6x112xi32, #tpu.memory_space<vmem>>
      %dma_start3A_66 = tpu.memref_squeeze %dma_start3A_65 : memref<1x6x112xi32, #tpu.memory_space<vmem>> -> memref<6x112xi32, #tpu.memory_space<vmem>>
      %dma_start3A_67 = arith.constant 0 : i32
      %dma_start3A_68 = arith.constant 0 : i32
      %dma_start3A_69 = tpu.memref_slice %arg3[%add3A, %run_scoped3A_2, %dma_start3A_67, %dma_start3A_68] : memref<32x15x6x112xi32, #tpu.memory_space<hbm>> -> memref<1x1x6x112xi32, #tpu.memory_space<hbm>>
      %dma_start3A_70 = tpu.memref_squeeze %dma_start3A_69 : memref<1x1x6x112xi32, #tpu.memory_space<hbm>> -> memref<6x112xi32, #tpu.memory_space<hbm>>
      tpu.enqueue_dma source(%dma_start3A_70 : memref<6x112xi32, #tpu.memory_space<hbm>>) target(%dma_start3A_66 : memref<6x112xi32, #tpu.memory_space<vmem>>) target_semaphore(%run_scoped3A_54 : memref<!tpu.dma_semaphore, #tpu.memory_space<semaphore_mem>>)
      %dma_wait3A_71 = arith.constant 0 : i32
      %dma_wait3A_72 = arith.constant 0 : i32
      %dma_wait3A_73 = tpu.memref_slice %arg8[%run_scoped3A_3, %dma_wait3A_71, %dma_wait3A_72] : memref<2x6x112xi32, #tpu.memory_space<vmem>> -> memref<1x6x112xi32, #tpu.memory_space<vmem>>
      %dma_wait3A_74 = tpu.memref_squeeze %dma_wait3A_73 : memref<1x6x112xi32, #tpu.memory_space<vmem>> -> memref<6x112xi32, #tpu.memory_space<vmem>>
      %dma_wait3A_75 = arith.constant 0 : i32
      %dma_wait3A_76 = arith.constant 0 : i32
      %dma_wait3A_77 = tpu.memref_slice %arg3[%add3A, %run_scoped3A_2, %dma_wait3A_75, %dma_wait3A_76] : memref<32x15x6x112xi32, #tpu.memory_space<hbm>> -> memref<1x1x6x112xi32, #tpu.memory_space<hbm>>
      %dma_wait3A_78 = tpu.memref_squeeze %dma_wait3A_77 : memref<1x1x6x112xi32, #tpu.memory_space<hbm>> -> memref<6x112xi32, #tpu.memory_space<hbm>>
      %dma_wait3A_79 = arith.constant 0 : i32
      %dma_wait3A_80 = arith.constant 0 : i32
      %dma_wait3A_81 = tpu.memref_slice %arg8[%run_scoped3A_3, %dma_wait3A_79, %dma_wait3A_80] : memref<2x6x112xi32, #tpu.memory_space<vmem>> -> memref<1x6x112xi32, #tpu.memory_space<vmem>>
      %dma_wait3A_82 = tpu.memref_squeeze %dma_wait3A_81 : memref<1x6x112xi32, #tpu.memory_space<vmem>> -> memref<6x112xi32, #tpu.memory_space<vmem>>
      %dma_wait3A_83 = arith.constant 0 : i32
      %dma_wait3A_84 = arith.constant 0 : i32
      %dma_wait3A_85 = tpu.memref_slice %arg3[%add3A, %run_scoped3A_2, %dma_wait3A_83, %dma_wait3A_84] : memref<32x15x6x112xi32, #tpu.memory_space<hbm>> -> memref<1x1x6x112xi32, #tpu.memory_space<hbm>>
      %dma_wait3A_86 = tpu.memref_squeeze %dma_wait3A_85 : memref<1x1x6x112xi32, #tpu.memory_space<hbm>> -> memref<6x112xi32, #tpu.memory_space<hbm>>
      tpu.wait_dma2 semaphore(%run_scoped3A_54 : memref<!tpu.dma_semaphore, #tpu.memory_space<semaphore_mem>>) src(%dma_wait3A_86 : memref<6x112xi32, #tpu.memory_space<hbm>>) dst(%dma_wait3A_82 : memref<6x112xi32, #tpu.memory_space<vmem>>)
      tpu.yield
    }) : () -> ()
    %mul3A_4 = arith.constant 640 : i32
    %mul3A_5 = arith.muli %arg1, %mul3A_4 : i32
    "tpu.region"() ({
      %run_scoped3A_54 = tpu.sem_alloc : memref<!tpu.dma_semaphore, #tpu.memory_space<semaphore_mem>>
      %dma_start3A_55 = arith.constant 0 : i32
      %dma_start3A_56 = tpu.memref_slice %arg10[%mul3A_5, %dma_start3A_55] : memref<10240x128xf32, #tpu.memory_space<vmem_shared>> -> memref<640x128xf32, #tpu.memory_space<vmem_shared>>
      tpu.enqueue_dma source(%arg5 : memref<640x128xf32, #tpu.memory_space<hbm>>) target(%dma_start3A_56 : memref<640x128xf32, #tpu.memory_space<vmem_shared>>) target_semaphore(%run_scoped3A_54 : memref<!tpu.dma_semaphore, #tpu.memory_space<semaphore_mem>>)
      %dma_wait3A_57 = arith.constant 0 : i32
      %dma_wait3A_58 = tpu.memref_slice %arg10[%mul3A_5, %dma_wait3A_57] : memref<10240x128xf32, #tpu.memory_space<vmem_shared>> -> memref<640x128xf32, #tpu.memory_space<vmem_shared>>
      tpu.wait_dma2 semaphore(%run_scoped3A_54 : memref<!tpu.dma_semaphore, #tpu.memory_space<semaphore_mem>>) src(%arg5 : memref<640x128xf32, #tpu.memory_space<hbm>>) dst(%dma_wait3A_58 : memref<640x128xf32, #tpu.memory_space<vmem_shared>>)
      tpu.yield
    }) : () -> ()
    %barrier3A = arith.constant 0 : index
    tpu.barrier barrier_id(%barrier3A)
    %dma_start3A = arith.constant 0 : i32
    %dma_start3A_6 = arith.constant 0 : i32
    %dma_start3A_7 = arith.constant 0 : i32
    %dma_start3A_8 = arith.constant 0 : i32
    %dma_start3A_9 = arith.constant 0 : i32
    %dma_start3A_10 = tpu.memref_slice %arg9[%dma_start3A_7, %dma_start3A_8, %dma_start3A_9] : memref<3x112x128xf32, #tpu.memory_space<vmem>> -> memref<1x112x128xf32, #tpu.memory_space<vmem>>
    %dma_start3A_11 = tpu.memref_squeeze %dma_start3A_10 : memref<1x112x128xf32, #tpu.memory_space<vmem>> -> memref<112x128xf32, #tpu.memory_space<vmem>>
    %dma_start3A_12 = arith.constant 0 : i32
    %dma_start3A_13 = tpu.memref_slice %arg7[%dma_start3A, %dma_start3A_6, %dma_start3A_12] : memref<2x6x112xi32, #tpu.memory_space<vmem>> -> memref<1x1x112xi32, #tpu.memory_space<vmem>>
    %dma_start3A_14 = tpu.memref_squeeze %dma_start3A_13 : memref<1x1x112xi32, #tpu.memory_space<vmem>> -> memref<112xi32, #tpu.memory_space<vmem>>
    %dma_start3A_15 = arith.constant 0 : i32
    %dma_start3A_16 = arith.constant 0 : i32
    %dma_start3A_17 = tpu.memref_slice %arg4[%dma_start3A_15, %dma_start3A_16] : memref<10240x128xf32, #tpu.memory_space<hbm>> -> memref<10240x128xf32, #tpu.memory_space<hbm>>
    tpu.enqueue_indirect_dma source(%dma_start3A_17 : memref<10240x128xf32, #tpu.memory_space<hbm>>) target(%dma_start3A_11 : memref<112x128xf32, #tpu.memory_space<vmem>>) offsets(%dma_start3A_14 : memref<112xi32, #tpu.memory_space<vmem>>) semaphore(%arg11 : memref<!tpu.dma_semaphore, #tpu.memory_space<semaphore_mem>>)
    %dma_start3A_18 = arith.constant 0 : i32
    %dma_start3A_19 = arith.constant 1 : i32
    %dma_start3A_20 = arith.constant 1 : i32
    %dma_start3A_21 = arith.constant 0 : i32
    %dma_start3A_22 = arith.constant 0 : i32
    %dma_start3A_23 = tpu.memref_slice %arg9[%dma_start3A_20, %dma_start3A_21, %dma_start3A_22] : memref<3x112x128xf32, #tpu.memory_space<vmem>> -> memref<1x112x128xf32, #tpu.memory_space<vmem>>
    %dma_start3A_24 = tpu.memref_squeeze %dma_start3A_23 : memref<1x112x128xf32, #tpu.memory_space<vmem>> -> memref<112x128xf32, #tpu.memory_space<vmem>>
    %dma_start3A_25 = arith.constant 0 : i32
    %dma_start3A_26 = tpu.memref_slice %arg7[%dma_start3A_18, %dma_start3A_19, %dma_start3A_25] : memref<2x6x112xi32, #tpu.memory_space<vmem>> -> memref<1x1x112xi32, #tpu.memory_space<vmem>>
    %dma_start3A_27 = tpu.memref_squeeze %dma_start3A_26 : memref<1x1x112xi32, #tpu.memory_space<vmem>> -> memref<112xi32, #tpu.memory_space<vmem>>
    %dma_start3A_28 = arith.constant 0 : i32
    %dma_start3A_29 = arith.constant 0 : i32
    %dma_start3A_30 = tpu.memref_slice %arg4[%dma_start3A_28, %dma_start3A_29] : memref<10240x128xf32, #tpu.memory_space<hbm>> -> memref<10240x128xf32, #tpu.memory_space<hbm>>
    tpu.enqueue_indirect_dma source(%dma_start3A_30 : memref<10240x128xf32, #tpu.memory_space<hbm>>) target(%dma_start3A_24 : memref<112x128xf32, #tpu.memory_space<vmem>>) offsets(%dma_start3A_27 : memref<112xi32, #tpu.memory_space<vmem>>) semaphore(%arg12 : memref<!tpu.dma_semaphore, #tpu.memory_space<semaphore_mem>>)
    %scan3A = arith.constant 0 : i32
    %scan3A_31 = arith.constant 0 : i32
    %scan3A_32 = arith.constant 15 : i32
    %scan3A_33 = arith.addi %scan3A_31, %scan3A_32 : i32
    %scan3A_34 = arith.constant 1 : i32
    scf.for %scan3A_54 = %scan3A_31 to %scan3A_33 step %scan3A_34  : i32 {
      %rem3A_55 = arith.constant 2 : i32
      %rem3A_56 = arith.remsi %scan3A_54, %rem3A_55 : i32
      %add3A_57 = arith.constant 1 : i32
      %add3A_58 = arith.addi %scan3A_54, %add3A_57 : i32
      %rem3A_59 = arith.constant 2 : i32
      %rem3A_60 = arith.remsi %add3A_58, %rem3A_59 : i32
      %add3A_61 = arith.constant 1 : i32
      %add3A_62 = arith.addi %scan3A_54, %add3A_61 : i32
      %lt3A = arith.constant 15 : i32
      %lt3A_63 = arith.cmpi slt, %add3A_62, %lt3A : i32
      %convert_element_type3A = arith.extui %lt3A_63 : i1 to i32
      %cond3A = arith.constant 0 : i32
      %cond3A_64 = arith.cmpi ne, %convert_element_type3A, %cond3A : i32
      scf.if %cond3A_64 {
        %add3A_342 = arith.constant 1 : i32
        %add3A_343 = arith.addi %scan3A_54, %add3A_342 : i32
        %dma_start3A_344 = arith.constant 0 : i32
        %dma_start3A_345 = arith.constant 0 : i32
        %dma_start3A_346 = tpu.memref_slice %arg7[%rem3A_60, %dma_start3A_344, %dma_start3A_345] : memref<2x6x112xi32, #tpu.memory_space<vmem>> -> memref<1x6x112xi32, #tpu.memory_space<vmem>>
        %dma_start3A_347 = tpu.memref_squeeze %dma_start3A_346 : memref<1x6x112xi32, #tpu.memory_space<vmem>> -> memref<6x112xi32, #tpu.memory_space<vmem>>
        %dma_start3A_348 = arith.constant 0 : i32
        %dma_start3A_349 = arith.constant 0 : i32
        %dma_start3A_350 = tpu.memref_slice %arg2[%add3A, %add3A_343, %dma_start3A_348, %dma_start3A_349] : memref<32x15x6x112xi32, #tpu.memory_space<hbm>> -> memref<1x1x6x112xi32, #tpu.memory_space<hbm>>
        %dma_start3A_351 = tpu.memref_squeeze %dma_start3A_350 : memref<1x1x6x112xi32, #tpu.memory_space<hbm>> -> memref<6x112xi32, #tpu.memory_space<hbm>>
        %dma_start3A_352 = arith.constant 0 : i32
        %dma_start3A_353 = arith.constant 0 : i32
        %dma_start3A_354 = tpu.memref_slice %arg7[%rem3A_60, %dma_start3A_352, %dma_start3A_353] : memref<2x6x112xi32, #tpu.memory_space<vmem>> -> memref<1x6x112xi32, #tpu.memory_space<vmem>>
        %dma_start3A_355 = tpu.memref_squeeze %dma_start3A_354 : memref<1x6x112xi32, #tpu.memory_space<vmem>> -> memref<6x112xi32, #tpu.memory_space<vmem>>
        %dma_start3A_356 = arith.constant 0 : i32
        %dma_start3A_357 = arith.constant 0 : i32
        %dma_start3A_358 = tpu.memref_slice %arg2[%add3A, %add3A_343, %dma_start3A_356, %dma_start3A_357] : memref<32x15x6x112xi32, #tpu.memory_space<hbm>> -> memref<1x1x6x112xi32, #tpu.memory_space<hbm>>
        %dma_start3A_359 = tpu.memref_squeeze %dma_start3A_358 : memref<1x1x6x112xi32, #tpu.memory_space<hbm>> -> memref<6x112xi32, #tpu.memory_space<hbm>>
        tpu.enqueue_dma source(%dma_start3A_359 : memref<6x112xi32, #tpu.memory_space<hbm>>) target(%dma_start3A_355 : memref<6x112xi32, #tpu.memory_space<vmem>>) target_semaphore(%arg14 : memref<!tpu.dma_semaphore, #tpu.memory_space<semaphore_mem>>)
        %add3A_360 = arith.constant 1 : i32
        %add3A_361 = arith.addi %scan3A_54, %add3A_360 : i32
        %dma_start3A_362 = arith.constant 0 : i32
        %dma_start3A_363 = arith.constant 0 : i32
        %dma_start3A_364 = tpu.memref_slice %arg8[%rem3A_60, %dma_start3A_362, %dma_start3A_363] : memref<2x6x112xi32, #tpu.memory_space<vmem>> -> memref<1x6x112xi32, #tpu.memory_space<vmem>>
        %dma_start3A_365 = tpu.memref_squeeze %dma_start3A_364 : memref<1x6x112xi32, #tpu.memory_space<vmem>> -> memref<6x112xi32, #tpu.memory_space<vmem>>
        %dma_start3A_366 = arith.constant 0 : i32
        %dma_start3A_367 = arith.constant 0 : i32
        %dma_start3A_368 = tpu.memref_slice %arg3[%add3A, %add3A_361, %dma_start3A_366, %dma_start3A_367] : memref<32x15x6x112xi32, #tpu.memory_space<hbm>> -> memref<1x1x6x112xi32, #tpu.memory_space<hbm>>
        %dma_start3A_369 = tpu.memref_squeeze %dma_start3A_368 : memref<1x1x6x112xi32, #tpu.memory_space<hbm>> -> memref<6x112xi32, #tpu.memory_space<hbm>>
        %dma_start3A_370 = arith.constant 0 : i32
        %dma_start3A_371 = arith.constant 0 : i32
        %dma_start3A_372 = tpu.memref_slice %arg8[%rem3A_60, %dma_start3A_370, %dma_start3A_371] : memref<2x6x112xi32, #tpu.memory_space<vmem>> -> memref<1x6x112xi32, #tpu.memory_space<vmem>>
        %dma_start3A_373 = tpu.memref_squeeze %dma_start3A_372 : memref<1x6x112xi32, #tpu.memory_space<vmem>> -> memref<6x112xi32, #tpu.memory_space<vmem>>
        %dma_start3A_374 = arith.constant 0 : i32
        %dma_start3A_375 = arith.constant 0 : i32
        %dma_start3A_376 = tpu.memref_slice %arg3[%add3A, %add3A_361, %dma_start3A_374, %dma_start3A_375] : memref<32x15x6x112xi32, #tpu.memory_space<hbm>> -> memref<1x1x6x112xi32, #tpu.memory_space<hbm>>
        %dma_start3A_377 = tpu.memref_squeeze %dma_start3A_376 : memref<1x1x6x112xi32, #tpu.memory_space<hbm>> -> memref<6x112xi32, #tpu.memory_space<hbm>>
        tpu.enqueue_dma source(%dma_start3A_377 : memref<6x112xi32, #tpu.memory_space<hbm>>) target(%dma_start3A_373 : memref<6x112xi32, #tpu.memory_space<vmem>>) target_semaphore(%arg14 : memref<!tpu.dma_semaphore, #tpu.memory_space<semaphore_mem>>)
      } else {
      }
      %dma_wait3A_65 = arith.constant 0 : i32
      %dma_wait3A_66 = arith.constant 0 : i32
      %dma_wait3A_67 = arith.constant 0 : i32
      %dma_wait3A_68 = arith.constant 0 : i32
      %dma_wait3A_69 = tpu.memref_slice %arg9[%dma_wait3A_66, %dma_wait3A_67, %dma_wait3A_68] : memref<3x112x128xf32, #tpu.memory_space<vmem>> -> memref<1x112x128xf32, #tpu.memory_space<vmem>>
      %dma_wait3A_70 = tpu.memref_squeeze %dma_wait3A_69 : memref<1x112x128xf32, #tpu.memory_space<vmem>> -> memref<112x128xf32, #tpu.memory_space<vmem>>
      %dma_wait3A_71 = arith.constant 0 : i32
      %dma_wait3A_72 = tpu.memref_slice %arg7[%rem3A_56, %dma_wait3A_65, %dma_wait3A_71] : memref<2x6x112xi32, #tpu.memory_space<vmem>> -> memref<1x1x112xi32, #tpu.memory_space<vmem>>
      %dma_wait3A_73 = tpu.memref_squeeze %dma_wait3A_72 : memref<1x1x112xi32, #tpu.memory_space<vmem>> -> memref<112xi32, #tpu.memory_space<vmem>>
      %dma_wait3A_74 = arith.constant 0 : i32
      %dma_wait3A_75 = arith.constant 0 : i32
      %dma_wait3A_76 = tpu.memref_slice %arg4[%dma_wait3A_74, %dma_wait3A_75] : memref<10240x128xf32, #tpu.memory_space<hbm>> -> memref<10240x128xf32, #tpu.memory_space<hbm>>
      tpu.wait_indirect_dma semaphore(%arg11 : memref<!tpu.dma_semaphore, #tpu.memory_space<semaphore_mem>>) src(%dma_wait3A_76 : memref<10240x128xf32, #tpu.memory_space<hbm>>) dst(%dma_wait3A_70 : memref<112x128xf32, #tpu.memory_space<vmem>>)
      %dma_start3A_77 = arith.constant 0 : i32
      %dma_start3A_78 = arith.constant 0 : i32
      %dma_start3A_79 = arith.constant 0 : i32
      %dma_start3A_80 = arith.constant 0 : i32
      %dma_start3A_81 = tpu.memref_slice %arg9[%dma_start3A_77, %dma_start3A_79, %dma_start3A_80] : memref<3x112x128xf32, #tpu.memory_space<vmem>> -> memref<1x112x128xf32, #tpu.memory_space<vmem>>
      %dma_start3A_82 = tpu.memref_squeeze %dma_start3A_81 : memref<1x112x128xf32, #tpu.memory_space<vmem>> -> memref<112x128xf32, #tpu.memory_space<vmem>>
      %dma_start3A_83 = arith.constant 0 : i32
      %dma_start3A_84 = tpu.memref_slice %arg8[%rem3A_56, %dma_start3A_78, %dma_start3A_83] : memref<2x6x112xi32, #tpu.memory_space<vmem>> -> memref<1x1x112xi32, #tpu.memory_space<vmem>>
      %dma_start3A_85 = tpu.memref_squeeze %dma_start3A_84 : memref<1x1x112xi32, #tpu.memory_space<vmem>> -> memref<112xi32, #tpu.memory_space<vmem>>
      %dma_start3A_86 = arith.constant 0 : i32
      %dma_start3A_87 = arith.constant 0 : i32
      %dma_start3A_88 = tpu.memref_slice %arg10[%dma_start3A_86, %dma_start3A_87] : memref<10240x128xf32, #tpu.memory_space<vmem_shared>> -> memref<10240x128xf32, #tpu.memory_space<vmem_shared>>
      tpu.enqueue_indirect_dma source(%dma_start3A_82 : memref<112x128xf32, #tpu.memory_space<vmem>>) target(%dma_start3A_88 : memref<10240x128xf32, #tpu.memory_space<vmem_shared>>) offsets(%dma_start3A_85 : memref<112xi32, #tpu.memory_space<vmem>>) semaphore(%arg11 : memref<!tpu.dma_semaphore, #tpu.memory_space<semaphore_mem>>) {add = true}
      %gt3A = arith.constant 0 : i32
      %gt3A_89 = arith.cmpi sgt, %scan3A_54, %gt3A : i32
      %convert_element_type3A_90 = arith.extui %gt3A_89 : i1 to i32
      %cond3A_91 = arith.constant 0 : i32
      %cond3A_92 = arith.cmpi ne, %convert_element_type3A_90, %cond3A_91 : i32
      scf.if %cond3A_92 {
        %dma_wait3A_342 = arith.constant 2 : i32
        %dma_wait3A_343 = arith.constant 0 : i32
        %dma_wait3A_344 = arith.constant 0 : i32
        %dma_wait3A_345 = arith.constant 0 : i32
        %dma_wait3A_346 = tpu.memref_slice %arg9[%dma_wait3A_342, %dma_wait3A_344, %dma_wait3A_345] : memref<3x112x128xf32, #tpu.memory_space<vmem>> -> memref<1x112x128xf32, #tpu.memory_space<vmem>>
        %dma_wait3A_347 = tpu.memref_squeeze %dma_wait3A_346 : memref<1x112x128xf32, #tpu.memory_space<vmem>> -> memref<112x128xf32, #tpu.memory_space<vmem>>
        %dma_wait3A_348 = arith.constant 0 : i32
        %dma_wait3A_349 = tpu.memref_slice %arg8[%rem3A_56, %dma_wait3A_343, %dma_wait3A_348] : memref<2x6x112xi32, #tpu.memory_space<vmem>> -> memref<1x1x112xi32, #tpu.memory_space<vmem>>
        %dma_wait3A_350 = tpu.memref_squeeze %dma_wait3A_349 : memref<1x1x112xi32, #tpu.memory_space<vmem>> -> memref<112xi32, #tpu.memory_space<vmem>>
        %dma_wait3A_351 = arith.constant 0 : i32
        %dma_wait3A_352 = arith.constant 0 : i32
        %dma_wait3A_353 = tpu.memref_slice %arg10[%dma_wait3A_351, %dma_wait3A_352] : memref<10240x128xf32, #tpu.memory_space<vmem_shared>> -> memref<10240x128xf32, #tpu.memory_space<vmem_shared>>
        tpu.wait_indirect_dma semaphore(%arg13 : memref<!tpu.dma_semaphore, #tpu.memory_space<semaphore_mem>>) src(%dma_wait3A_347 : memref<112x128xf32, #tpu.memory_space<vmem>>) dst(%dma_wait3A_353 : memref<10240x128xf32, #tpu.memory_space<vmem_shared>>)
      } else {
      }
      %dma_start3A_93 = arith.constant 2 : i32
      %dma_start3A_94 = arith.constant 2 : i32
      %dma_start3A_95 = arith.constant 0 : i32
      %dma_start3A_96 = arith.constant 0 : i32
      %dma_start3A_97 = tpu.memref_slice %arg9[%dma_start3A_94, %dma_start3A_95, %dma_start3A_96] : memref<3x112x128xf32, #tpu.memory_space<vmem>> -> memref<1x112x128xf32, #tpu.memory_space<vmem>>
      %dma_start3A_98 = tpu.memref_squeeze %dma_start3A_97 : memref<1x112x128xf32, #tpu.memory_space<vmem>> -> memref<112x128xf32, #tpu.memory_space<vmem>>
      %dma_start3A_99 = arith.constant 0 : i32
      %dma_start3A_100 = tpu.memref_slice %arg7[%rem3A_56, %dma_start3A_93, %dma_start3A_99] : memref<2x6x112xi32, #tpu.memory_space<vmem>> -> memref<1x1x112xi32, #tpu.memory_space<vmem>>
      %dma_start3A_101 = tpu.memref_squeeze %dma_start3A_100 : memref<1x1x112xi32, #tpu.memory_space<vmem>> -> memref<112xi32, #tpu.memory_space<vmem>>
      %dma_start3A_102 = arith.constant 0 : i32
      %dma_start3A_103 = arith.constant 0 : i32
      %dma_start3A_104 = tpu.memref_slice %arg4[%dma_start3A_102, %dma_start3A_103] : memref<10240x128xf32, #tpu.memory_space<hbm>> -> memref<10240x128xf32, #tpu.memory_space<hbm>>
      tpu.enqueue_indirect_dma source(%dma_start3A_104 : memref<10240x128xf32, #tpu.memory_space<hbm>>) target(%dma_start3A_98 : memref<112x128xf32, #tpu.memory_space<vmem>>) offsets(%dma_start3A_101 : memref<112xi32, #tpu.memory_space<vmem>>) semaphore(%arg13 : memref<!tpu.dma_semaphore, #tpu.memory_space<semaphore_mem>>)
      %dma_wait3A_105 = arith.constant 1 : i32
      %dma_wait3A_106 = arith.constant 1 : i32
      %dma_wait3A_107 = arith.constant 0 : i32
      %dma_wait3A_108 = arith.constant 0 : i32
      %dma_wait3A_109 = tpu.memref_slice %arg9[%dma_wait3A_106, %dma_wait3A_107, %dma_wait3A_108] : memref<3x112x128xf32, #tpu.memory_space<vmem>> -> memref<1x112x128xf32, #tpu.memory_space<vmem>>
      %dma_wait3A_110 = tpu.memref_squeeze %dma_wait3A_109 : memref<1x112x128xf32, #tpu.memory_space<vmem>> -> memref<112x128xf32, #tpu.memory_space<vmem>>
      %dma_wait3A_111 = arith.constant 0 : i32
      %dma_wait3A_112 = tpu.memref_slice %arg7[%rem3A_56, %dma_wait3A_105, %dma_wait3A_111] : memref<2x6x112xi32, #tpu.memory_space<vmem>> -> memref<1x1x112xi32, #tpu.memory_space<vmem>>
      %dma_wait3A_113 = tpu.memref_squeeze %dma_wait3A_112 : memref<1x1x112xi32, #tpu.memory_space<vmem>> -> memref<112xi32, #tpu.memory_space<vmem>>
      %dma_wait3A_114 = arith.constant 0 : i32
      %dma_wait3A_115 = arith.constant 0 : i32
      %dma_wait3A_116 = tpu.memref_slice %arg4[%dma_wait3A_114, %dma_wait3A_115] : memref<10240x128xf32, #tpu.memory_space<hbm>> -> memref<10240x128xf32, #tpu.memory_space<hbm>>
      tpu.wait_indirect_dma semaphore(%arg12 : memref<!tpu.dma_semaphore, #tpu.memory_space<semaphore_mem>>) src(%dma_wait3A_116 : memref<10240x128xf32, #tpu.memory_space<hbm>>) dst(%dma_wait3A_110 : memref<112x128xf32, #tpu.memory_space<vmem>>)
      %dma_start3A_117 = arith.constant 1 : i32
      %dma_start3A_118 = arith.constant 1 : i32
      %dma_start3A_119 = arith.constant 0 : i32
      %dma_start3A_120 = arith.constant 0 : i32
      %dma_start3A_121 = tpu.memref_slice %arg9[%dma_start3A_117, %dma_start3A_119, %dma_start3A_120] : memref<3x112x128xf32, #tpu.memory_space<vmem>> -> memref<1x112x128xf32, #tpu.memory_space<vmem>>
      %dma_start3A_122 = tpu.memref_squeeze %dma_start3A_121 : memref<1x112x128xf32, #tpu.memory_space<vmem>> -> memref<112x128xf32, #tpu.memory_space<vmem>>
      %dma_start3A_123 = arith.constant 0 : i32
      %dma_start3A_124 = tpu.memref_slice %arg8[%rem3A_56, %dma_start3A_118, %dma_start3A_123] : memref<2x6x112xi32, #tpu.memory_space<vmem>> -> memref<1x1x112xi32, #tpu.memory_space<vmem>>
      %dma_start3A_125 = tpu.memref_squeeze %dma_start3A_124 : memref<1x1x112xi32, #tpu.memory_space<vmem>> -> memref<112xi32, #tpu.memory_space<vmem>>
      %dma_start3A_126 = arith.constant 0 : i32
      %dma_start3A_127 = arith.constant 0 : i32
      %dma_start3A_128 = tpu.memref_slice %arg10[%dma_start3A_126, %dma_start3A_127] : memref<10240x128xf32, #tpu.memory_space<vmem_shared>> -> memref<10240x128xf32, #tpu.memory_space<vmem_shared>>
      tpu.enqueue_indirect_dma source(%dma_start3A_122 : memref<112x128xf32, #tpu.memory_space<vmem>>) target(%dma_start3A_128 : memref<10240x128xf32, #tpu.memory_space<vmem_shared>>) offsets(%dma_start3A_125 : memref<112xi32, #tpu.memory_space<vmem>>) semaphore(%arg12 : memref<!tpu.dma_semaphore, #tpu.memory_space<semaphore_mem>>) {add = true}
      %dma_wait3A_129 = arith.constant 0 : i32
      %dma_wait3A_130 = arith.constant 1 : i32
      %dma_wait3A_131 = arith.constant 0 : i32
      %dma_wait3A_132 = arith.constant 0 : i32
      %dma_wait3A_133 = tpu.memref_slice %arg9[%dma_wait3A_129, %dma_wait3A_131, %dma_wait3A_132] : memref<3x112x128xf32, #tpu.memory_space<vmem>> -> memref<1x112x128xf32, #tpu.memory_space<vmem>>
      %dma_wait3A_134 = tpu.memref_squeeze %dma_wait3A_133 : memref<1x112x128xf32, #tpu.memory_space<vmem>> -> memref<112x128xf32, #tpu.memory_space<vmem>>
      %dma_wait3A_135 = arith.constant 0 : i32
      %dma_wait3A_136 = tpu.memref_slice %arg8[%rem3A_56, %dma_wait3A_130, %dma_wait3A_135] : memref<2x6x112xi32, #tpu.memory_space<vmem>> -> memref<1x1x112xi32, #tpu.memory_space<vmem>>
      %dma_wait3A_137 = tpu.memref_squeeze %dma_wait3A_136 : memref<1x1x112xi32, #tpu.memory_space<vmem>> -> memref<112xi32, #tpu.memory_space<vmem>>
      %dma_wait3A_138 = arith.constant 0 : i32
      %dma_wait3A_139 = arith.constant 0 : i32
      %dma_wait3A_140 = tpu.memref_slice %arg10[%dma_wait3A_138, %dma_wait3A_139] : memref<10240x128xf32, #tpu.memory_space<vmem_shared>> -> memref<10240x128xf32, #tpu.memory_space<vmem_shared>>
      tpu.wait_indirect_dma semaphore(%arg11 : memref<!tpu.dma_semaphore, #tpu.memory_space<semaphore_mem>>) src(%dma_wait3A_134 : memref<112x128xf32, #tpu.memory_space<vmem>>) dst(%dma_wait3A_140 : memref<10240x128xf32, #tpu.memory_space<vmem_shared>>)
      %dma_start3A_141 = arith.constant 3 : i32
      %dma_start3A_142 = arith.constant 0 : i32
      %dma_start3A_143 = arith.constant 0 : i32
      %dma_start3A_144 = arith.constant 0 : i32
      %dma_start3A_145 = tpu.memref_slice %arg9[%dma_start3A_142, %dma_start3A_143, %dma_start3A_144] : memref<3x112x128xf32, #tpu.memory_space<vmem>> -> memref<1x112x128xf32, #tpu.memory_space<vmem>>
      %dma_start3A_146 = tpu.memref_squeeze %dma_start3A_145 : memref<1x112x128xf32, #tpu.memory_space<vmem>> -> memref<112x128xf32, #tpu.memory_space<vmem>>
      %dma_start3A_147 = arith.constant 0 : i32
      %dma_start3A_148 = tpu.memref_slice %arg7[%rem3A_56, %dma_start3A_141, %dma_start3A_147] : memref<2x6x112xi32, #tpu.memory_space<vmem>> -> memref<1x1x112xi32, #tpu.memory_space<vmem>>
      %dma_start3A_149 = tpu.memref_squeeze %dma_start3A_148 : memref<1x1x112xi32, #tpu.memory_space<vmem>> -> memref<112xi32, #tpu.memory_space<vmem>>
      %dma_start3A_150 = arith.constant 0 : i32
      %dma_start3A_151 = arith.constant 0 : i32
      %dma_start3A_152 = tpu.memref_slice %arg4[%dma_start3A_150, %dma_start3A_151] : memref<10240x128xf32, #tpu.memory_space<hbm>> -> memref<10240x128xf32, #tpu.memory_space<hbm>>
      tpu.enqueue_indirect_dma source(%dma_start3A_152 : memref<10240x128xf32, #tpu.memory_space<hbm>>) target(%dma_start3A_146 : memref<112x128xf32, #tpu.memory_space<vmem>>) offsets(%dma_start3A_149 : memref<112xi32, #tpu.memory_space<vmem>>) semaphore(%arg11 : memref<!tpu.dma_semaphore, #tpu.memory_space<semaphore_mem>>)
      %dma_wait3A_153 = arith.constant 2 : i32
      %dma_wait3A_154 = arith.constant 2 : i32
      %dma_wait3A_155 = arith.constant 0 : i32
      %dma_wait3A_156 = arith.constant 0 : i32
      %dma_wait3A_157 = tpu.memref_slice %arg9[%dma_wait3A_154, %dma_wait3A_155, %dma_wait3A_156] : memref<3x112x128xf32, #tpu.memory_space<vmem>> -> memref<1x112x128xf32, #tpu.memory_space<vmem>>
      %dma_wait3A_158 = tpu.memref_squeeze %dma_wait3A_157 : memref<1x112x128xf32, #tpu.memory_space<vmem>> -> memref<112x128xf32, #tpu.memory_space<vmem>>
      %dma_wait3A_159 = arith.constant 0 : i32
      %dma_wait3A_160 = tpu.memref_slice %arg7[%rem3A_56, %dma_wait3A_153, %dma_wait3A_159] : memref<2x6x112xi32, #tpu.memory_space<vmem>> -> memref<1x1x112xi32, #tpu.memory_space<vmem>>
      %dma_wait3A_161 = tpu.memref_squeeze %dma_wait3A_160 : memref<1x1x112xi32, #tpu.memory_space<vmem>> -> memref<112xi32, #tpu.memory_space<vmem>>
      %dma_wait3A_162 = arith.constant 0 : i32
      %dma_wait3A_163 = arith.constant 0 : i32
      %dma_wait3A_164 = tpu.memref_slice %arg4[%dma_wait3A_162, %dma_wait3A_163] : memref<10240x128xf32, #tpu.memory_space<hbm>> -> memref<10240x128xf32, #tpu.memory_space<hbm>>
      tpu.wait_indirect_dma semaphore(%arg13 : memref<!tpu.dma_semaphore, #tpu.memory_space<semaphore_mem>>) src(%dma_wait3A_164 : memref<10240x128xf32, #tpu.memory_space<hbm>>) dst(%dma_wait3A_158 : memref<112x128xf32, #tpu.memory_space<vmem>>)
      %dma_start3A_165 = arith.constant 2 : i32
      %dma_start3A_166 = arith.constant 2 : i32
      %dma_start3A_167 = arith.constant 0 : i32
      %dma_start3A_168 = arith.constant 0 : i32
      %dma_start3A_169 = tpu.memref_slice %arg9[%dma_start3A_165, %dma_start3A_167, %dma_start3A_168] : memref<3x112x128xf32, #tpu.memory_space<vmem>> -> memref<1x112x128xf32, #tpu.memory_space<vmem>>
      %dma_start3A_170 = tpu.memref_squeeze %dma_start3A_169 : memref<1x112x128xf32, #tpu.memory_space<vmem>> -> memref<112x128xf32, #tpu.memory_space<vmem>>
      %dma_start3A_171 = arith.constant 0 : i32
      %dma_start3A_172 = tpu.memref_slice %arg8[%rem3A_56, %dma_start3A_166, %dma_start3A_171] : memref<2x6x112xi32, #tpu.memory_space<vmem>> -> memref<1x1x112xi32, #tpu.memory_space<vmem>>
      %dma_start3A_173 = tpu.memref_squeeze %dma_start3A_172 : memref<1x1x112xi32, #tpu.memory_space<vmem>> -> memref<112xi32, #tpu.memory_space<vmem>>
      %dma_start3A_174 = arith.constant 0 : i32
      %dma_start3A_175 = arith.constant 0 : i32
      %dma_start3A_176 = tpu.memref_slice %arg10[%dma_start3A_174, %dma_start3A_175] : memref<10240x128xf32, #tpu.memory_space<vmem_shared>> -> memref<10240x128xf32, #tpu.memory_space<vmem_shared>>
      tpu.enqueue_indirect_dma source(%dma_start3A_170 : memref<112x128xf32, #tpu.memory_space<vmem>>) target(%dma_start3A_176 : memref<10240x128xf32, #tpu.memory_space<vmem_shared>>) offsets(%dma_start3A_173 : memref<112xi32, #tpu.memory_space<vmem>>) semaphore(%arg13 : memref<!tpu.dma_semaphore, #tpu.memory_space<semaphore_mem>>) {add = true}
      %dma_wait3A_177 = arith.constant 1 : i32
      %dma_wait3A_178 = arith.constant 2 : i32
      %dma_wait3A_179 = arith.constant 0 : i32
      %dma_wait3A_180 = arith.constant 0 : i32
      %dma_wait3A_181 = tpu.memref_slice %arg9[%dma_wait3A_177, %dma_wait3A_179, %dma_wait3A_180] : memref<3x112x128xf32, #tpu.memory_space<vmem>> -> memref<1x112x128xf32, #tpu.memory_space<vmem>>
      %dma_wait3A_182 = tpu.memref_squeeze %dma_wait3A_181 : memref<1x112x128xf32, #tpu.memory_space<vmem>> -> memref<112x128xf32, #tpu.memory_space<vmem>>
      %dma_wait3A_183 = arith.constant 0 : i32
      %dma_wait3A_184 = tpu.memref_slice %arg8[%rem3A_56, %dma_wait3A_178, %dma_wait3A_183] : memref<2x6x112xi32, #tpu.memory_space<vmem>> -> memref<1x1x112xi32, #tpu.memory_space<vmem>>
      %dma_wait3A_185 = tpu.memref_squeeze %dma_wait3A_184 : memref<1x1x112xi32, #tpu.memory_space<vmem>> -> memref<112xi32, #tpu.memory_space<vmem>>
      %dma_wait3A_186 = arith.constant 0 : i32
      %dma_wait3A_187 = arith.constant 0 : i32
      %dma_wait3A_188 = tpu.memref_slice %arg10[%dma_wait3A_186, %dma_wait3A_187] : memref<10240x128xf32, #tpu.memory_space<vmem_shared>> -> memref<10240x128xf32, #tpu.memory_space<vmem_shared>>
      tpu.wait_indirect_dma semaphore(%arg12 : memref<!tpu.dma_semaphore, #tpu.memory_space<semaphore_mem>>) src(%dma_wait3A_182 : memref<112x128xf32, #tpu.memory_space<vmem>>) dst(%dma_wait3A_188 : memref<10240x128xf32, #tpu.memory_space<vmem_shared>>)
      %dma_start3A_189 = arith.constant 4 : i32
      %dma_start3A_190 = arith.constant 1 : i32
      %dma_start3A_191 = arith.constant 0 : i32
      %dma_start3A_192 = arith.constant 0 : i32
      %dma_start3A_193 = tpu.memref_slice %arg9[%dma_start3A_190, %dma_start3A_191, %dma_start3A_192] : memref<3x112x128xf32, #tpu.memory_space<vmem>> -> memref<1x112x128xf32, #tpu.memory_space<vmem>>
      %dma_start3A_194 = tpu.memref_squeeze %dma_start3A_193 : memref<1x112x128xf32, #tpu.memory_space<vmem>> -> memref<112x128xf32, #tpu.memory_space<vmem>>
      %dma_start3A_195 = arith.constant 0 : i32
      %dma_start3A_196 = tpu.memref_slice %arg7[%rem3A_56, %dma_start3A_189, %dma_start3A_195] : memref<2x6x112xi32, #tpu.memory_space<vmem>> -> memref<1x1x112xi32, #tpu.memory_space<vmem>>
      %dma_start3A_197 = tpu.memref_squeeze %dma_start3A_196 : memref<1x1x112xi32, #tpu.memory_space<vmem>> -> memref<112xi32, #tpu.memory_space<vmem>>
      %dma_start3A_198 = arith.constant 0 : i32
      %dma_start3A_199 = arith.constant 0 : i32
      %dma_start3A_200 = tpu.memref_slice %arg4[%dma_start3A_198, %dma_start3A_199] : memref<10240x128xf32, #tpu.memory_space<hbm>> -> memref<10240x128xf32, #tpu.memory_space<hbm>>
      tpu.enqueue_indirect_dma source(%dma_start3A_200 : memref<10240x128xf32, #tpu.memory_space<hbm>>) target(%dma_start3A_194 : memref<112x128xf32, #tpu.memory_space<vmem>>) offsets(%dma_start3A_197 : memref<112xi32, #tpu.memory_space<vmem>>) semaphore(%arg12 : memref<!tpu.dma_semaphore, #tpu.memory_space<semaphore_mem>>)
      %dma_wait3A_201 = arith.constant 3 : i32
      %dma_wait3A_202 = arith.constant 0 : i32
      %dma_wait3A_203 = arith.constant 0 : i32
      %dma_wait3A_204 = arith.constant 0 : i32
      %dma_wait3A_205 = tpu.memref_slice %arg9[%dma_wait3A_202, %dma_wait3A_203, %dma_wait3A_204] : memref<3x112x128xf32, #tpu.memory_space<vmem>> -> memref<1x112x128xf32, #tpu.memory_space<vmem>>
      %dma_wait3A_206 = tpu.memref_squeeze %dma_wait3A_205 : memref<1x112x128xf32, #tpu.memory_space<vmem>> -> memref<112x128xf32, #tpu.memory_space<vmem>>
      %dma_wait3A_207 = arith.constant 0 : i32
      %dma_wait3A_208 = tpu.memref_slice %arg7[%rem3A_56, %dma_wait3A_201, %dma_wait3A_207] : memref<2x6x112xi32, #tpu.memory_space<vmem>> -> memref<1x1x112xi32, #tpu.memory_space<vmem>>
      %dma_wait3A_209 = tpu.memref_squeeze %dma_wait3A_208 : memref<1x1x112xi32, #tpu.memory_space<vmem>> -> memref<112xi32, #tpu.memory_space<vmem>>
      %dma_wait3A_210 = arith.constant 0 : i32
      %dma_wait3A_211 = arith.constant 0 : i32
      %dma_wait3A_212 = tpu.memref_slice %arg4[%dma_wait3A_210, %dma_wait3A_211] : memref<10240x128xf32, #tpu.memory_space<hbm>> -> memref<10240x128xf32, #tpu.memory_space<hbm>>
      tpu.wait_indirect_dma semaphore(%arg11 : memref<!tpu.dma_semaphore, #tpu.memory_space<semaphore_mem>>) src(%dma_wait3A_212 : memref<10240x128xf32, #tpu.memory_space<hbm>>) dst(%dma_wait3A_206 : memref<112x128xf32, #tpu.memory_space<vmem>>)
      %dma_start3A_213 = arith.constant 0 : i32
      %dma_start3A_214 = arith.constant 3 : i32
      %dma_start3A_215 = arith.constant 0 : i32
      %dma_start3A_216 = arith.constant 0 : i32
      %dma_start3A_217 = tpu.memref_slice %arg9[%dma_start3A_213, %dma_start3A_215, %dma_start3A_216] : memref<3x112x128xf32, #tpu.memory_space<vmem>> -> memref<1x112x128xf32, #tpu.memory_space<vmem>>
      %dma_start3A_218 = tpu.memref_squeeze %dma_start3A_217 : memref<1x112x128xf32, #tpu.memory_space<vmem>> -> memref<112x128xf32, #tpu.memory_space<vmem>>
      %dma_start3A_219 = arith.constant 0 : i32
      %dma_start3A_220 = tpu.memref_slice %arg8[%rem3A_56, %dma_start3A_214, %dma_start3A_219] : memref<2x6x112xi32, #tpu.memory_space<vmem>> -> memref<1x1x112xi32, #tpu.memory_space<vmem>>
      %dma_start3A_221 = tpu.memref_squeeze %dma_start3A_220 : memref<1x1x112xi32, #tpu.memory_space<vmem>> -> memref<112xi32, #tpu.memory_space<vmem>>
      %dma_start3A_222 = arith.constant 0 : i32
      %dma_start3A_223 = arith.constant 0 : i32
      %dma_start3A_224 = tpu.memref_slice %arg10[%dma_start3A_222, %dma_start3A_223] : memref<10240x128xf32, #tpu.memory_space<vmem_shared>> -> memref<10240x128xf32, #tpu.memory_space<vmem_shared>>
      tpu.enqueue_indirect_dma source(%dma_start3A_218 : memref<112x128xf32, #tpu.memory_space<vmem>>) target(%dma_start3A_224 : memref<10240x128xf32, #tpu.memory_space<vmem_shared>>) offsets(%dma_start3A_221 : memref<112xi32, #tpu.memory_space<vmem>>) semaphore(%arg11 : memref<!tpu.dma_semaphore, #tpu.memory_space<semaphore_mem>>) {add = true}
      %dma_wait3A_225 = arith.constant 2 : i32
      %dma_wait3A_226 = arith.constant 3 : i32
      %dma_wait3A_227 = arith.constant 0 : i32
      %dma_wait3A_228 = arith.constant 0 : i32
      %dma_wait3A_229 = tpu.memref_slice %arg9[%dma_wait3A_225, %dma_wait3A_227, %dma_wait3A_228] : memref<3x112x128xf32, #tpu.memory_space<vmem>> -> memref<1x112x128xf32, #tpu.memory_space<vmem>>
      %dma_wait3A_230 = tpu.memref_squeeze %dma_wait3A_229 : memref<1x112x128xf32, #tpu.memory_space<vmem>> -> memref<112x128xf32, #tpu.memory_space<vmem>>
      %dma_wait3A_231 = arith.constant 0 : i32
      %dma_wait3A_232 = tpu.memref_slice %arg8[%rem3A_56, %dma_wait3A_226, %dma_wait3A_231] : memref<2x6x112xi32, #tpu.memory_space<vmem>> -> memref<1x1x112xi32, #tpu.memory_space<vmem>>
      %dma_wait3A_233 = tpu.memref_squeeze %dma_wait3A_232 : memref<1x1x112xi32, #tpu.memory_space<vmem>> -> memref<112xi32, #tpu.memory_space<vmem>>
      %dma_wait3A_234 = arith.constant 0 : i32
      %dma_wait3A_235 = arith.constant 0 : i32
      %dma_wait3A_236 = tpu.memref_slice %arg10[%dma_wait3A_234, %dma_wait3A_235] : memref<10240x128xf32, #tpu.memory_space<vmem_shared>> -> memref<10240x128xf32, #tpu.memory_space<vmem_shared>>
      tpu.wait_indirect_dma semaphore(%arg13 : memref<!tpu.dma_semaphore, #tpu.memory_space<semaphore_mem>>) src(%dma_wait3A_230 : memref<112x128xf32, #tpu.memory_space<vmem>>) dst(%dma_wait3A_236 : memref<10240x128xf32, #tpu.memory_space<vmem_shared>>)
      %dma_start3A_237 = arith.constant 5 : i32
      %dma_start3A_238 = arith.constant 2 : i32
      %dma_start3A_239 = arith.constant 0 : i32
      %dma_start3A_240 = arith.constant 0 : i32
      %dma_start3A_241 = tpu.memref_slice %arg9[%dma_start3A_238, %dma_start3A_239, %dma_start3A_240] : memref<3x112x128xf32, #tpu.memory_space<vmem>> -> memref<1x112x128xf32, #tpu.memory_space<vmem>>
      %dma_start3A_242 = tpu.memref_squeeze %dma_start3A_241 : memref<1x112x128xf32, #tpu.memory_space<vmem>> -> memref<112x128xf32, #tpu.memory_space<vmem>>
      %dma_start3A_243 = arith.constant 0 : i32
      %dma_start3A_244 = tpu.memref_slice %arg7[%rem3A_56, %dma_start3A_237, %dma_start3A_243] : memref<2x6x112xi32, #tpu.memory_space<vmem>> -> memref<1x1x112xi32, #tpu.memory_space<vmem>>
      %dma_start3A_245 = tpu.memref_squeeze %dma_start3A_244 : memref<1x1x112xi32, #tpu.memory_space<vmem>> -> memref<112xi32, #tpu.memory_space<vmem>>
      %dma_start3A_246 = arith.constant 0 : i32
      %dma_start3A_247 = arith.constant 0 : i32
      %dma_start3A_248 = tpu.memref_slice %arg4[%dma_start3A_246, %dma_start3A_247] : memref<10240x128xf32, #tpu.memory_space<hbm>> -> memref<10240x128xf32, #tpu.memory_space<hbm>>
      tpu.enqueue_indirect_dma source(%dma_start3A_248 : memref<10240x128xf32, #tpu.memory_space<hbm>>) target(%dma_start3A_242 : memref<112x128xf32, #tpu.memory_space<vmem>>) offsets(%dma_start3A_245 : memref<112xi32, #tpu.memory_space<vmem>>) semaphore(%arg13 : memref<!tpu.dma_semaphore, #tpu.memory_space<semaphore_mem>>)
      %dma_wait3A_249 = arith.constant 4 : i32
      %dma_wait3A_250 = arith.constant 1 : i32
      %dma_wait3A_251 = arith.constant 0 : i32
      %dma_wait3A_252 = arith.constant 0 : i32
      %dma_wait3A_253 = tpu.memref_slice %arg9[%dma_wait3A_250, %dma_wait3A_251, %dma_wait3A_252] : memref<3x112x128xf32, #tpu.memory_space<vmem>> -> memref<1x112x128xf32, #tpu.memory_space<vmem>>
      %dma_wait3A_254 = tpu.memref_squeeze %dma_wait3A_253 : memref<1x112x128xf32, #tpu.memory_space<vmem>> -> memref<112x128xf32, #tpu.memory_space<vmem>>
      %dma_wait3A_255 = arith.constant 0 : i32
      %dma_wait3A_256 = tpu.memref_slice %arg7[%rem3A_56, %dma_wait3A_249, %dma_wait3A_255] : memref<2x6x112xi32, #tpu.memory_space<vmem>> -> memref<1x1x112xi32, #tpu.memory_space<vmem>>
      %dma_wait3A_257 = tpu.memref_squeeze %dma_wait3A_256 : memref<1x1x112xi32, #tpu.memory_space<vmem>> -> memref<112xi32, #tpu.memory_space<vmem>>
      %dma_wait3A_258 = arith.constant 0 : i32
      %dma_wait3A_259 = arith.constant 0 : i32
      %dma_wait3A_260 = tpu.memref_slice %arg4[%dma_wait3A_258, %dma_wait3A_259] : memref<10240x128xf32, #tpu.memory_space<hbm>> -> memref<10240x128xf32, #tpu.memory_space<hbm>>
      tpu.wait_indirect_dma semaphore(%arg12 : memref<!tpu.dma_semaphore, #tpu.memory_space<semaphore_mem>>) src(%dma_wait3A_260 : memref<10240x128xf32, #tpu.memory_space<hbm>>) dst(%dma_wait3A_254 : memref<112x128xf32, #tpu.memory_space<vmem>>)
      %dma_start3A_261 = arith.constant 1 : i32
      %dma_start3A_262 = arith.constant 4 : i32
      %dma_start3A_263 = arith.constant 0 : i32
      %dma_start3A_264 = arith.constant 0 : i32
      %dma_start3A_265 = tpu.memref_slice %arg9[%dma_start3A_261, %dma_start3A_263, %dma_start3A_264] : memref<3x112x128xf32, #tpu.memory_space<vmem>> -> memref<1x112x128xf32, #tpu.memory_space<vmem>>
      %dma_start3A_266 = tpu.memref_squeeze %dma_start3A_265 : memref<1x112x128xf32, #tpu.memory_space<vmem>> -> memref<112x128xf32, #tpu.memory_space<vmem>>
      %dma_start3A_267 = arith.constant 0 : i32
      %dma_start3A_268 = tpu.memref_slice %arg8[%rem3A_56, %dma_start3A_262, %dma_start3A_267] : memref<2x6x112xi32, #tpu.memory_space<vmem>> -> memref<1x1x112xi32, #tpu.memory_space<vmem>>
      %dma_start3A_269 = tpu.memref_squeeze %dma_start3A_268 : memref<1x1x112xi32, #tpu.memory_space<vmem>> -> memref<112xi32, #tpu.memory_space<vmem>>
      %dma_start3A_270 = arith.constant 0 : i32
      %dma_start3A_271 = arith.constant 0 : i32
      %dma_start3A_272 = tpu.memref_slice %arg10[%dma_start3A_270, %dma_start3A_271] : memref<10240x128xf32, #tpu.memory_space<vmem_shared>> -> memref<10240x128xf32, #tpu.memory_space<vmem_shared>>
      tpu.enqueue_indirect_dma source(%dma_start3A_266 : memref<112x128xf32, #tpu.memory_space<vmem>>) target(%dma_start3A_272 : memref<10240x128xf32, #tpu.memory_space<vmem_shared>>) offsets(%dma_start3A_269 : memref<112xi32, #tpu.memory_space<vmem>>) semaphore(%arg12 : memref<!tpu.dma_semaphore, #tpu.memory_space<semaphore_mem>>) {add = true}
      %dma_wait3A_273 = arith.constant 0 : i32
      %dma_wait3A_274 = arith.constant 4 : i32
      %dma_wait3A_275 = arith.constant 0 : i32
      %dma_wait3A_276 = arith.constant 0 : i32
      %dma_wait3A_277 = tpu.memref_slice %arg9[%dma_wait3A_273, %dma_wait3A_275, %dma_wait3A_276] : memref<3x112x128xf32, #tpu.memory_space<vmem>> -> memref<1x112x128xf32, #tpu.memory_space<vmem>>
      %dma_wait3A_278 = tpu.memref_squeeze %dma_wait3A_277 : memref<1x112x128xf32, #tpu.memory_space<vmem>> -> memref<112x128xf32, #tpu.memory_space<vmem>>
      %dma_wait3A_279 = arith.constant 0 : i32
      %dma_wait3A_280 = tpu.memref_slice %arg8[%rem3A_56, %dma_wait3A_274, %dma_wait3A_279] : memref<2x6x112xi32, #tpu.memory_space<vmem>> -> memref<1x1x112xi32, #tpu.memory_space<vmem>>
      %dma_wait3A_281 = tpu.memref_squeeze %dma_wait3A_280 : memref<1x1x112xi32, #tpu.memory_space<vmem>> -> memref<112xi32, #tpu.memory_space<vmem>>
      %dma_wait3A_282 = arith.constant 0 : i32
      %dma_wait3A_283 = arith.constant 0 : i32
      %dma_wait3A_284 = tpu.memref_slice %arg10[%dma_wait3A_282, %dma_wait3A_283] : memref<10240x128xf32, #tpu.memory_space<vmem_shared>> -> memref<10240x128xf32, #tpu.memory_space<vmem_shared>>
      tpu.wait_indirect_dma semaphore(%arg11 : memref<!tpu.dma_semaphore, #tpu.memory_space<semaphore_mem>>) src(%dma_wait3A_278 : memref<112x128xf32, #tpu.memory_space<vmem>>) dst(%dma_wait3A_284 : memref<10240x128xf32, #tpu.memory_space<vmem_shared>>)
      %add3A_285 = arith.constant 1 : i32
      %add3A_286 = arith.addi %scan3A_54, %add3A_285 : i32
      %lt3A_287 = arith.constant 15 : i32
      %lt3A_288 = arith.cmpi slt, %add3A_286, %lt3A_287 : i32
      %convert_element_type3A_289 = arith.extui %lt3A_288 : i1 to i32
      %cond3A_290 = arith.constant 0 : i32
      %cond3A_291 = arith.cmpi ne, %convert_element_type3A_289, %cond3A_290 : i32
      scf.if %cond3A_291 {
        %add3A_342 = arith.constant 1 : i32
        %add3A_343 = arith.addi %scan3A_54, %add3A_342 : i32
        %dma_wait3A_344 = arith.constant 0 : i32
        %dma_wait3A_345 = arith.constant 0 : i32
        %dma_wait3A_346 = tpu.memref_slice %arg7[%rem3A_60, %dma_wait3A_344, %dma_wait3A_345] : memref<2x6x112xi32, #tpu.memory_space<vmem>> -> memref<1x6x112xi32, #tpu.memory_space<vmem>>
        %dma_wait3A_347 = tpu.memref_squeeze %dma_wait3A_346 : memref<1x6x112xi32, #tpu.memory_space<vmem>> -> memref<6x112xi32, #tpu.memory_space<vmem>>
        %dma_wait3A_348 = arith.constant 0 : i32
        %dma_wait3A_349 = arith.constant 0 : i32
        %dma_wait3A_350 = tpu.memref_slice %arg2[%add3A, %add3A_343, %dma_wait3A_348, %dma_wait3A_349] : memref<32x15x6x112xi32, #tpu.memory_space<hbm>> -> memref<1x1x6x112xi32, #tpu.memory_space<hbm>>
        %dma_wait3A_351 = tpu.memref_squeeze %dma_wait3A_350 : memref<1x1x6x112xi32, #tpu.memory_space<hbm>> -> memref<6x112xi32, #tpu.memory_space<hbm>>
        %dma_wait3A_352 = arith.constant 0 : i32
        %dma_wait3A_353 = arith.constant 0 : i32
        %dma_wait3A_354 = tpu.memref_slice %arg7[%rem3A_60, %dma_wait3A_352, %dma_wait3A_353] : memref<2x6x112xi32, #tpu.memory_space<vmem>> -> memref<1x6x112xi32, #tpu.memory_space<vmem>>
        %dma_wait3A_355 = tpu.memref_squeeze %dma_wait3A_354 : memref<1x6x112xi32, #tpu.memory_space<vmem>> -> memref<6x112xi32, #tpu.memory_space<vmem>>
        %dma_wait3A_356 = arith.constant 0 : i32
        %dma_wait3A_357 = arith.constant 0 : i32
        %dma_wait3A_358 = tpu.memref_slice %arg2[%add3A, %add3A_343, %dma_wait3A_356, %dma_wait3A_357] : memref<32x15x6x112xi32, #tpu.memory_space<hbm>> -> memref<1x1x6x112xi32, #tpu.memory_space<hbm>>
        %dma_wait3A_359 = tpu.memref_squeeze %dma_wait3A_358 : memref<1x1x6x112xi32, #tpu.memory_space<hbm>> -> memref<6x112xi32, #tpu.memory_space<hbm>>
        tpu.wait_dma2 semaphore(%arg14 : memref<!tpu.dma_semaphore, #tpu.memory_space<semaphore_mem>>) src(%dma_wait3A_359 : memref<6x112xi32, #tpu.memory_space<hbm>>) dst(%dma_wait3A_355 : memref<6x112xi32, #tpu.memory_space<vmem>>)
        %add3A_360 = arith.constant 1 : i32
        %add3A_361 = arith.addi %scan3A_54, %add3A_360 : i32
        %dma_wait3A_362 = arith.constant 0 : i32
        %dma_wait3A_363 = arith.constant 0 : i32
        %dma_wait3A_364 = tpu.memref_slice %arg8[%rem3A_60, %dma_wait3A_362, %dma_wait3A_363] : memref<2x6x112xi32, #tpu.memory_space<vmem>> -> memref<1x6x112xi32, #tpu.memory_space<vmem>>
        %dma_wait3A_365 = tpu.memref_squeeze %dma_wait3A_364 : memref<1x6x112xi32, #tpu.memory_space<vmem>> -> memref<6x112xi32, #tpu.memory_space<vmem>>
        %dma_wait3A_366 = arith.constant 0 : i32
        %dma_wait3A_367 = arith.constant 0 : i32
        %dma_wait3A_368 = tpu.memref_slice %arg3[%add3A, %add3A_361, %dma_wait3A_366, %dma_wait3A_367] : memref<32x15x6x112xi32, #tpu.memory_space<hbm>> -> memref<1x1x6x112xi32, #tpu.memory_space<hbm>>
        %dma_wait3A_369 = tpu.memref_squeeze %dma_wait3A_368 : memref<1x1x6x112xi32, #tpu.memory_space<hbm>> -> memref<6x112xi32, #tpu.memory_space<hbm>>
        %dma_wait3A_370 = arith.constant 0 : i32
        %dma_wait3A_371 = arith.constant 0 : i32
        %dma_wait3A_372 = tpu.memref_slice %arg8[%rem3A_60, %dma_wait3A_370, %dma_wait3A_371] : memref<2x6x112xi32, #tpu.memory_space<vmem>> -> memref<1x6x112xi32, #tpu.memory_space<vmem>>
        %dma_wait3A_373 = tpu.memref_squeeze %dma_wait3A_372 : memref<1x6x112xi32, #tpu.memory_space<vmem>> -> memref<6x112xi32, #tpu.memory_space<vmem>>
        %dma_wait3A_374 = arith.constant 0 : i32
        %dma_wait3A_375 = arith.constant 0 : i32
        %dma_wait3A_376 = tpu.memref_slice %arg3[%add3A, %add3A_361, %dma_wait3A_374, %dma_wait3A_375] : memref<32x15x6x112xi32, #tpu.memory_space<hbm>> -> memref<1x1x6x112xi32, #tpu.memory_space<hbm>>
        %dma_wait3A_377 = tpu.memref_squeeze %dma_wait3A_376 : memref<1x1x6x112xi32, #tpu.memory_space<hbm>> -> memref<6x112xi32, #tpu.memory_space<hbm>>
        tpu.wait_dma2 semaphore(%arg14 : memref<!tpu.dma_semaphore, #tpu.memory_space<semaphore_mem>>) src(%dma_wait3A_377 : memref<6x112xi32, #tpu.memory_space<hbm>>) dst(%dma_wait3A_373 : memref<6x112xi32, #tpu.memory_space<vmem>>)
      } else {
      }
      %add3A_292 = arith.constant 1 : i32
      %add3A_293 = arith.addi %scan3A_54, %add3A_292 : i32
      %lt3A_294 = arith.constant 15 : i32
      %lt3A_295 = arith.cmpi slt, %add3A_293, %lt3A_294 : i32
      %convert_element_type3A_296 = arith.extui %lt3A_295 : i1 to i32
      %cond3A_297 = arith.constant 0 : i32
      %cond3A_298 = arith.cmpi ne, %convert_element_type3A_296, %cond3A_297 : i32
      scf.if %cond3A_298 {
        %dma_start3A_342 = arith.constant 0 : i32
        %dma_start3A_343 = arith.constant 0 : i32
        %dma_start3A_344 = arith.constant 0 : i32
        %dma_start3A_345 = arith.constant 0 : i32
        %dma_start3A_346 = tpu.memref_slice %arg9[%dma_start3A_343, %dma_start3A_344, %dma_start3A_345] : memref<3x112x128xf32, #tpu.memory_space<vmem>> -> memref<1x112x128xf32, #tpu.memory_space<vmem>>
        %dma_start3A_347 = tpu.memref_squeeze %dma_start3A_346 : memref<1x112x128xf32, #tpu.memory_space<vmem>> -> memref<112x128xf32, #tpu.memory_space<vmem>>
        %dma_start3A_348 = arith.constant 0 : i32
        %dma_start3A_349 = tpu.memref_slice %arg7[%rem3A_60, %dma_start3A_342, %dma_start3A_348] : memref<2x6x112xi32, #tpu.memory_space<vmem>> -> memref<1x1x112xi32, #tpu.memory_space<vmem>>
        %dma_start3A_350 = tpu.memref_squeeze %dma_start3A_349 : memref<1x1x112xi32, #tpu.memory_space<vmem>> -> memref<112xi32, #tpu.memory_space<vmem>>
        %dma_start3A_351 = arith.constant 0 : i32
        %dma_start3A_352 = arith.constant 0 : i32
        %dma_start3A_353 = tpu.memref_slice %arg4[%dma_start3A_351, %dma_start3A_352] : memref<10240x128xf32, #tpu.memory_space<hbm>> -> memref<10240x128xf32, #tpu.memory_space<hbm>>
        tpu.enqueue_indirect_dma source(%dma_start3A_353 : memref<10240x128xf32, #tpu.memory_space<hbm>>) target(%dma_start3A_347 : memref<112x128xf32, #tpu.memory_space<vmem>>) offsets(%dma_start3A_350 : memref<112xi32, #tpu.memory_space<vmem>>) semaphore(%arg11 : memref<!tpu.dma_semaphore, #tpu.memory_space<semaphore_mem>>)
      } else {
      }
      %dma_wait3A_299 = arith.constant 5 : i32
      %dma_wait3A_300 = arith.constant 2 : i32
      %dma_wait3A_301 = arith.constant 0 : i32
      %dma_wait3A_302 = arith.constant 0 : i32
      %dma_wait3A_303 = tpu.memref_slice %arg9[%dma_wait3A_300, %dma_wait3A_301, %dma_wait3A_302] : memref<3x112x128xf32, #tpu.memory_space<vmem>> -> memref<1x112x128xf32, #tpu.memory_space<vmem>>
      %dma_wait3A_304 = tpu.memref_squeeze %dma_wait3A_303 : memref<1x112x128xf32, #tpu.memory_space<vmem>> -> memref<112x128xf32, #tpu.memory_space<vmem>>
      %dma_wait3A_305 = arith.constant 0 : i32
      %dma_wait3A_306 = tpu.memref_slice %arg7[%rem3A_56, %dma_wait3A_299, %dma_wait3A_305] : memref<2x6x112xi32, #tpu.memory_space<vmem>> -> memref<1x1x112xi32, #tpu.memory_space<vmem>>
      %dma_wait3A_307 = tpu.memref_squeeze %dma_wait3A_306 : memref<1x1x112xi32, #tpu.memory_space<vmem>> -> memref<112xi32, #tpu.memory_space<vmem>>
      %dma_wait3A_308 = arith.constant 0 : i32
      %dma_wait3A_309 = arith.constant 0 : i32
      %dma_wait3A_310 = tpu.memref_slice %arg4[%dma_wait3A_308, %dma_wait3A_309] : memref<10240x128xf32, #tpu.memory_space<hbm>> -> memref<10240x128xf32, #tpu.memory_space<hbm>>
      tpu.wait_indirect_dma semaphore(%arg13 : memref<!tpu.dma_semaphore, #tpu.memory_space<semaphore_mem>>) src(%dma_wait3A_310 : memref<10240x128xf32, #tpu.memory_space<hbm>>) dst(%dma_wait3A_304 : memref<112x128xf32, #tpu.memory_space<vmem>>)
      %dma_start3A_311 = arith.constant 2 : i32
      %dma_start3A_312 = arith.constant 5 : i32
      %dma_start3A_313 = arith.constant 0 : i32
      %dma_start3A_314 = arith.constant 0 : i32
      %dma_start3A_315 = tpu.memref_slice %arg9[%dma_start3A_311, %dma_start3A_313, %dma_start3A_314] : memref<3x112x128xf32, #tpu.memory_space<vmem>> -> memref<1x112x128xf32, #tpu.memory_space<vmem>>
      %dma_start3A_316 = tpu.memref_squeeze %dma_start3A_315 : memref<1x112x128xf32, #tpu.memory_space<vmem>> -> memref<112x128xf32, #tpu.memory_space<vmem>>
      %dma_start3A_317 = arith.constant 0 : i32
      %dma_start3A_318 = tpu.memref_slice %arg8[%rem3A_56, %dma_start3A_312, %dma_start3A_317] : memref<2x6x112xi32, #tpu.memory_space<vmem>> -> memref<1x1x112xi32, #tpu.memory_space<vmem>>
      %dma_start3A_319 = tpu.memref_squeeze %dma_start3A_318 : memref<1x1x112xi32, #tpu.memory_space<vmem>> -> memref<112xi32, #tpu.memory_space<vmem>>
      %dma_start3A_320 = arith.constant 0 : i32
      %dma_start3A_321 = arith.constant 0 : i32
      %dma_start3A_322 = tpu.memref_slice %arg10[%dma_start3A_320, %dma_start3A_321] : memref<10240x128xf32, #tpu.memory_space<vmem_shared>> -> memref<10240x128xf32, #tpu.memory_space<vmem_shared>>
      tpu.enqueue_indirect_dma source(%dma_start3A_316 : memref<112x128xf32, #tpu.memory_space<vmem>>) target(%dma_start3A_322 : memref<10240x128xf32, #tpu.memory_space<vmem_shared>>) offsets(%dma_start3A_319 : memref<112xi32, #tpu.memory_space<vmem>>) semaphore(%arg13 : memref<!tpu.dma_semaphore, #tpu.memory_space<semaphore_mem>>) {add = true}
      %dma_wait3A_323 = arith.constant 1 : i32
      %dma_wait3A_324 = arith.constant 5 : i32
      %dma_wait3A_325 = arith.constant 0 : i32
      %dma_wait3A_326 = arith.constant 0 : i32
      %dma_wait3A_327 = tpu.memref_slice %arg9[%dma_wait3A_323, %dma_wait3A_325, %dma_wait3A_326] : memref<3x112x128xf32, #tpu.memory_space<vmem>> -> memref<1x112x128xf32, #tpu.memory_space<vmem>>
      %dma_wait3A_328 = tpu.memref_squeeze %dma_wait3A_327 : memref<1x112x128xf32, #tpu.memory_space<vmem>> -> memref<112x128xf32, #tpu.memory_space<vmem>>
      %dma_wait3A_329 = arith.constant 0 : i32
      %dma_wait3A_330 = tpu.memref_slice %arg8[%rem3A_56, %dma_wait3A_324, %dma_wait3A_329] : memref<2x6x112xi32, #tpu.memory_space<vmem>> -> memref<1x1x112xi32, #tpu.memory_space<vmem>>
      %dma_wait3A_331 = tpu.memref_squeeze %dma_wait3A_330 : memref<1x1x112xi32, #tpu.memory_space<vmem>> -> memref<112xi32, #tpu.memory_space<vmem>>
      %dma_wait3A_332 = arith.constant 0 : i32
      %dma_wait3A_333 = arith.constant 0 : i32
      %dma_wait3A_334 = tpu.memref_slice %arg10[%dma_wait3A_332, %dma_wait3A_333] : memref<10240x128xf32, #tpu.memory_space<vmem_shared>> -> memref<10240x128xf32, #tpu.memory_space<vmem_shared>>
      tpu.wait_indirect_dma semaphore(%arg12 : memref<!tpu.dma_semaphore, #tpu.memory_space<semaphore_mem>>) src(%dma_wait3A_328 : memref<112x128xf32, #tpu.memory_space<vmem>>) dst(%dma_wait3A_334 : memref<10240x128xf32, #tpu.memory_space<vmem_shared>>)
      %add3A_335 = arith.constant 1 : i32
      %add3A_336 = arith.addi %scan3A_54, %add3A_335 : i32
      %lt3A_337 = arith.constant 15 : i32
      %lt3A_338 = arith.cmpi slt, %add3A_336, %lt3A_337 : i32
      %convert_element_type3A_339 = arith.extui %lt3A_338 : i1 to i32
      %cond3A_340 = arith.constant 0 : i32
      %cond3A_341 = arith.cmpi ne, %convert_element_type3A_339, %cond3A_340 : i32
      scf.if %cond3A_341 {
        %dma_start3A_342 = arith.constant 1 : i32
        %dma_start3A_343 = arith.constant 1 : i32
        %dma_start3A_344 = arith.constant 0 : i32
        %dma_start3A_345 = arith.constant 0 : i32
        %dma_start3A_346 = tpu.memref_slice %arg9[%dma_start3A_343, %dma_start3A_344, %dma_start3A_345] : memref<3x112x128xf32, #tpu.memory_space<vmem>> -> memref<1x112x128xf32, #tpu.memory_space<vmem>>
        %dma_start3A_347 = tpu.memref_squeeze %dma_start3A_346 : memref<1x112x128xf32, #tpu.memory_space<vmem>> -> memref<112x128xf32, #tpu.memory_space<vmem>>
        %dma_start3A_348 = arith.constant 0 : i32
        %dma_start3A_349 = tpu.memref_slice %arg7[%rem3A_60, %dma_start3A_342, %dma_start3A_348] : memref<2x6x112xi32, #tpu.memory_space<vmem>> -> memref<1x1x112xi32, #tpu.memory_space<vmem>>
        %dma_start3A_350 = tpu.memref_squeeze %dma_start3A_349 : memref<1x1x112xi32, #tpu.memory_space<vmem>> -> memref<112xi32, #tpu.memory_space<vmem>>
        %dma_start3A_351 = arith.constant 0 : i32
        %dma_start3A_352 = arith.constant 0 : i32
        %dma_start3A_353 = tpu.memref_slice %arg4[%dma_start3A_351, %dma_start3A_352] : memref<10240x128xf32, #tpu.memory_space<hbm>> -> memref<10240x128xf32, #tpu.memory_space<hbm>>
        tpu.enqueue_indirect_dma source(%dma_start3A_353 : memref<10240x128xf32, #tpu.memory_space<hbm>>) target(%dma_start3A_347 : memref<112x128xf32, #tpu.memory_space<vmem>>) offsets(%dma_start3A_350 : memref<112xi32, #tpu.memory_space<vmem>>) semaphore(%arg12 : memref<!tpu.dma_semaphore, #tpu.memory_space<semaphore_mem>>)
      } else {
      }
    }
    %scan3A_35 = arith.constant 15 : i32
    %rem3A = arith.constant 14 : i32
    %rem3A_36 = arith.constant 2 : i32
    %rem3A_37 = arith.remsi %rem3A, %rem3A_36 : i32
    %dma_wait3A = arith.constant 2 : i32
    %dma_wait3A_38 = arith.constant 5 : i32
    %dma_wait3A_39 = arith.constant 0 : i32
    %dma_wait3A_40 = arith.constant 0 : i32
    %dma_wait3A_41 = tpu.memref_slice %arg9[%dma_wait3A, %dma_wait3A_39, %dma_wait3A_40] : memref<3x112x128xf32, #tpu.memory_space<vmem>> -> memref<1x112x128xf32, #tpu.memory_space<vmem>>
    %dma_wait3A_42 = tpu.memref_squeeze %dma_wait3A_41 : memref<1x112x128xf32, #tpu.memory_space<vmem>> -> memref<112x128xf32, #tpu.memory_space<vmem>>
    %dma_wait3A_43 = arith.constant 0 : i32
    %dma_wait3A_44 = tpu.memref_slice %arg8[%rem3A_37, %dma_wait3A_38, %dma_wait3A_43] : memref<2x6x112xi32, #tpu.memory_space<vmem>> -> memref<1x1x112xi32, #tpu.memory_space<vmem>>
    %dma_wait3A_45 = tpu.memref_squeeze %dma_wait3A_44 : memref<1x1x112xi32, #tpu.memory_space<vmem>> -> memref<112xi32, #tpu.memory_space<vmem>>
    %dma_wait3A_46 = arith.constant 0 : i32
    %dma_wait3A_47 = arith.constant 0 : i32
    %dma_wait3A_48 = tpu.memref_slice %arg10[%dma_wait3A_46, %dma_wait3A_47] : memref<10240x128xf32, #tpu.memory_space<vmem_shared>> -> memref<10240x128xf32, #tpu.memory_space<vmem_shared>>
    tpu.wait_indirect_dma semaphore(%arg13 : memref<!tpu.dma_semaphore, #tpu.memory_space<semaphore_mem>>) src(%dma_wait3A_42 : memref<112x128xf32, #tpu.memory_space<vmem>>) dst(%dma_wait3A_48 : memref<10240x128xf32, #tpu.memory_space<vmem_shared>>)
    %barrier3A_49 = arith.constant 0 : index
    tpu.barrier barrier_id(%barrier3A_49)
    %mul3A_50 = arith.constant 640 : i32
    %mul3A_51 = arith.muli %arg1, %mul3A_50 : i32
    %mul3A_52 = arith.constant 640 : i32
    %mul3A_53 = arith.muli %arg1, %mul3A_52 : i32
    "tpu.region"() ({
      %run_scoped3A_54 = tpu.sem_alloc : memref<!tpu.dma_semaphore, #tpu.memory_space<semaphore_mem>>
      %dma_start3A_55 = arith.constant 0 : i32
      %dma_start3A_56 = tpu.memref_slice %arg6[%arg0, %mul3A_53, %dma_start3A_55] : memref<2x10240x128xf32, #tpu.memory_space<hbm>> -> memref<1x640x128xf32, #tpu.memory_space<hbm>>
      %dma_start3A_57 = tpu.memref_squeeze %dma_start3A_56 : memref<1x640x128xf32, #tpu.memory_space<hbm>> -> memref<640x128xf32, #tpu.memory_space<hbm>>
      %dma_start3A_58 = arith.constant 0 : i32
      %dma_start3A_59 = tpu.memref_slice %arg10[%mul3A_51, %dma_start3A_58] : memref<10240x128xf32, #tpu.memory_space<vmem_shared>> -> memref<640x128xf32, #tpu.memory_space<vmem_shared>>
      tpu.enqueue_dma source(%dma_start3A_59 : memref<640x128xf32, #tpu.memory_space<vmem_shared>>) target(%dma_start3A_57 : memref<640x128xf32, #tpu.memory_space<hbm>>) target_semaphore(%run_scoped3A_54 : memref<!tpu.dma_semaphore, #tpu.memory_space<semaphore_mem>>)
      %dma_wait3A_60 = arith.constant 0 : i32
      %dma_wait3A_61 = tpu.memref_slice %arg6[%arg0, %mul3A_53, %dma_wait3A_60] : memref<2x10240x128xf32, #tpu.memory_space<hbm>> -> memref<1x640x128xf32, #tpu.memory_space<hbm>>
      %dma_wait3A_62 = tpu.memref_squeeze %dma_wait3A_61 : memref<1x640x128xf32, #tpu.memory_space<hbm>> -> memref<640x128xf32, #tpu.memory_space<hbm>>
      %dma_wait3A_63 = arith.constant 0 : i32
      %dma_wait3A_64 = tpu.memref_slice %arg10[%mul3A_51, %dma_wait3A_63] : memref<10240x128xf32, #tpu.memory_space<vmem_shared>> -> memref<640x128xf32, #tpu.memory_space<vmem_shared>>
      tpu.wait_dma2 semaphore(%run_scoped3A_54 : memref<!tpu.dma_semaphore, #tpu.memory_space<semaphore_mem>>) src(%dma_wait3A_64 : memref<640x128xf32, #tpu.memory_space<vmem_shared>>) dst(%dma_wait3A_62 : memref<640x128xf32, #tpu.memory_space<hbm>>)
      tpu.yield
    }) : () -> ()
    return
  }
}

#map = affine_map<(d0, d1) -> (0, 0, 0, 0)>
#map1 = affine_map<(d0, d1) -> (0, 0)>
#map2 = affine_map<(d0, d1) -> (0, 0, 0)>
module attributes {stable_mosaic.version = 14 : i64} {
  func.func @sc_pass(%arg0: i32, %arg1: i32, %arg2: memref<32x15x6x112xi32, #tpu.memory_space<hbm>>, %arg3: memref<32x15x6x112xi32, #tpu.memory_space<hbm>>, %arg4: memref<10240x128xf32, #tpu.memory_space<hbm>>, %arg5: memref<640x128xf32, #tpu.memory_space<hbm>>, %arg6: memref<2x10240x128xf32, #tpu.memory_space<hbm>>, %arg7: memref<2x6x112xi32, #tpu.memory_space<vmem>>, %arg8: memref<2x6x112xi32, #tpu.memory_space<vmem>>, %arg9: memref<3x112x128xf32, #tpu.memory_space<vmem>>, %arg10: memref<10240x128xf32, #tpu.memory_space<vmem_shared>>, %arg11: memref<!tpu.dma_semaphore, #tpu.memory_space<semaphore_mem>>, %arg12: memref<!tpu.dma_semaphore, #tpu.memory_space<semaphore_mem>>, %arg13: memref<!tpu.dma_semaphore, #tpu.memory_space<semaphore_mem>>, %arg14: memref<!tpu.dma_semaphore, #tpu.memory_space<semaphore_mem>>) attributes {dimension_semantics = [#tpu.dimension_semantics<core_parallel>, #tpu.dimension_semantics<subcore_parallel>], iteration_bounds = array<i64: 2, 16>, scalar_prefetch = 0 : i64, scratch_operands = 8 : i64, tpu.core_type = #tpu.core_type<sc_vector_subcore>, window_params = [{transform_indices = #map}, {transform_indices = #map}, {transform_indices = #map1}, {transform_indices = #map1}, {transform_indices = #map2}]} {
    %mul3A = arith.constant 16 : i32
    %mul3A_0 = arith.muli %arg0, %mul3A : i32
    %add3A = arith.addi %mul3A_0, %arg1 : i32
    %run_scoped3A = arith.constant 0 : i32
    %run_scoped3A_1 = arith.constant 0 : i32
    "tpu.region"() ({
      %run_scoped3A_54 = tpu.sem_alloc : memref<!tpu.dma_semaphore, #tpu.memory_space<semaphore_mem>>
      %dma_start3A_55 = arith.constant 0 : i32
      %dma_start3A_56 = arith.constant 0 : i32
      %dma_start3A_57 = tpu.memref_slice %arg7[%run_scoped3A_1, %dma_start3A_55, %dma_start3A_56] : memref<2x6x112xi32, #tpu.memory_space<vmem>> -> memref<1x6x112xi32, #tpu.memory_space<vmem>>
      %dma_start3A_58 = tpu.memref_squeeze %dma_start3A_57 : memref<1x6x112xi32, #tpu.memory_space<vmem>> -> memref<6x112xi32, #tpu.memory_space<vmem>>
      %dma_start3A_59 = arith.constant 0 : i32
      %dma_start3A_60 = arith.constant 0 : i32
      %dma_start3A_61 = tpu.memref_slice %arg2[%add3A, %run_scoped3A, %dma_start3A_59, %dma_start3A_60] : memref<32x15x6x112xi32, #tpu.memory_space<hbm>> -> memref<1x1x6x112xi32, #tpu.memory_space<hbm>>
      %dma_start3A_62 = tpu.memref_squeeze %dma_start3A_61 : memref<1x1x6x112xi32, #tpu.memory_space<hbm>> -> memref<6x112xi32, #tpu.memory_space<hbm>>
      %dma_start3A_63 = arith.constant 0 : i32
      %dma_start3A_64 = arith.constant 0 : i32
      %dma_start3A_65 = tpu.memref_slice %arg7[%run_scoped3A_1, %dma_start3A_63, %dma_start3A_64] : memref<2x6x112xi32, #tpu.memory_space<vmem>> -> memref<1x6x112xi32, #tpu.memory_space<vmem>>
      %dma_start3A_66 = tpu.memref_squeeze %dma_start3A_65 : memref<1x6x112xi32, #tpu.memory_space<vmem>> -> memref<6x112xi32, #tpu.memory_space<vmem>>
      %dma_start3A_67 = arith.constant 0 : i32
      %dma_start3A_68 = arith.constant 0 : i32
      %dma_start3A_69 = tpu.memref_slice %arg2[%add3A, %run_scoped3A, %dma_start3A_67, %dma_start3A_68] : memref<32x15x6x112xi32, #tpu.memory_space<hbm>> -> memref<1x1x6x112xi32, #tpu.memory_space<hbm>>
      %dma_start3A_70 = tpu.memref_squeeze %dma_start3A_69 : memref<1x1x6x112xi32, #tpu.memory_space<hbm>> -> memref<6x112xi32, #tpu.memory_space<hbm>>
      tpu.enqueue_dma source(%dma_start3A_70 : memref<6x112xi32, #tpu.memory_space<hbm>>) target(%dma_start3A_66 : memref<6x112xi32, #tpu.memory_space<vmem>>) target_semaphore(%run_scoped3A_54 : memref<!tpu.dma_semaphore, #tpu.memory_space<semaphore_mem>>)
      %dma_wait3A_71 = arith.constant 0 : i32
      %dma_wait3A_72 = arith.constant 0 : i32
      %dma_wait3A_73 = tpu.memref_slice %arg7[%run_scoped3A_1, %dma_wait3A_71, %dma_wait3A_72] : memref<2x6x112xi32, #tpu.memory_space<vmem>> -> memref<1x6x112xi32, #tpu.memory_space<vmem>>
      %dma_wait3A_74 = tpu.memref_squeeze %dma_wait3A_73 : memref<1x6x112xi32, #tpu.memory_space<vmem>> -> memref<6x112xi32, #tpu.memory_space<vmem>>
      %dma_wait3A_75 = arith.constant 0 : i32
      %dma_wait3A_76 = arith.constant 0 : i32
      %dma_wait3A_77 = tpu.memref_slice %arg2[%add3A, %run_scoped3A, %dma_wait3A_75, %dma_wait3A_76] : memref<32x15x6x112xi32, #tpu.memory_space<hbm>> -> memref<1x1x6x112xi32, #tpu.memory_space<hbm>>
      %dma_wait3A_78 = tpu.memref_squeeze %dma_wait3A_77 : memref<1x1x6x112xi32, #tpu.memory_space<hbm>> -> memref<6x112xi32, #tpu.memory_space<hbm>>
      %dma_wait3A_79 = arith.constant 0 : i32
      %dma_wait3A_80 = arith.constant 0 : i32
      %dma_wait3A_81 = tpu.memref_slice %arg7[%run_scoped3A_1, %dma_wait3A_79, %dma_wait3A_80] : memref<2x6x112xi32, #tpu.memory_space<vmem>> -> memref<1x6x112xi32, #tpu.memory_space<vmem>>
      %dma_wait3A_82 = tpu.memref_squeeze %dma_wait3A_81 : memref<1x6x112xi32, #tpu.memory_space<vmem>> -> memref<6x112xi32, #tpu.memory_space<vmem>>
      %dma_wait3A_83 = arith.constant 0 : i32
      %dma_wait3A_84 = arith.constant 0 : i32
      %dma_wait3A_85 = tpu.memref_slice %arg2[%add3A, %run_scoped3A, %dma_wait3A_83, %dma_wait3A_84] : memref<32x15x6x112xi32, #tpu.memory_space<hbm>> -> memref<1x1x6x112xi32, #tpu.memory_space<hbm>>
      %dma_wait3A_86 = tpu.memref_squeeze %dma_wait3A_85 : memref<1x1x6x112xi32, #tpu.memory_space<hbm>> -> memref<6x112xi32, #tpu.memory_space<hbm>>
      tpu.wait_dma2 semaphore(%run_scoped3A_54 : memref<!tpu.dma_semaphore, #tpu.memory_space<semaphore_mem>>) src(%dma_wait3A_86 : memref<6x112xi32, #tpu.memory_space<hbm>>) dst(%dma_wait3A_82 : memref<6x112xi32, #tpu.memory_space<vmem>>)
      tpu.yield
    }) : () -> ()
    %run_scoped3A_2 = arith.constant 0 : i32
    %run_scoped3A_3 = arith.constant 0 : i32
    "tpu.region"() ({
      %run_scoped3A_54 = tpu.sem_alloc : memref<!tpu.dma_semaphore, #tpu.memory_space<semaphore_mem>>
      %dma_start3A_55 = arith.constant 0 : i32
      %dma_start3A_56 = arith.constant 0 : i32
      %dma_start3A_57 = tpu.memref_slice %arg8[%run_scoped3A_3, %dma_start3A_55, %dma_start3A_56] : memref<2x6x112xi32, #tpu.memory_space<vmem>> -> memref<1x6x112xi32, #tpu.memory_space<vmem>>
      %dma_start3A_58 = tpu.memref_squeeze %dma_start3A_57 : memref<1x6x112xi32, #tpu.memory_space<vmem>> -> memref<6x112xi32, #tpu.memory_space<vmem>>
      %dma_start3A_59 = arith.constant 0 : i32
      %dma_start3A_60 = arith.constant 0 : i32
      %dma_start3A_61 = tpu.memref_slice %arg3[%add3A, %run_scoped3A_2, %dma_start3A_59, %dma_start3A_60] : memref<32x15x6x112xi32, #tpu.memory_space<hbm>> -> memref<1x1x6x112xi32, #tpu.memory_space<hbm>>
      %dma_start3A_62 = tpu.memref_squeeze %dma_start3A_61 : memref<1x1x6x112xi32, #tpu.memory_space<hbm>> -> memref<6x112xi32, #tpu.memory_space<hbm>>
      %dma_start3A_63 = arith.constant 0 : i32
      %dma_start3A_64 = arith.constant 0 : i32
      %dma_start3A_65 = tpu.memref_slice %arg8[%run_scoped3A_3, %dma_start3A_63, %dma_start3A_64] : memref<2x6x112xi32, #tpu.memory_space<vmem>> -> memref<1x6x112xi32, #tpu.memory_space<vmem>>
      %dma_start3A_66 = tpu.memref_squeeze %dma_start3A_65 : memref<1x6x112xi32, #tpu.memory_space<vmem>> -> memref<6x112xi32, #tpu.memory_space<vmem>>
      %dma_start3A_67 = arith.constant 0 : i32
      %dma_start3A_68 = arith.constant 0 : i32
      %dma_start3A_69 = tpu.memref_slice %arg3[%add3A, %run_scoped3A_2, %dma_start3A_67, %dma_start3A_68] : memref<32x15x6x112xi32, #tpu.memory_space<hbm>> -> memref<1x1x6x112xi32, #tpu.memory_space<hbm>>
      %dma_start3A_70 = tpu.memref_squeeze %dma_start3A_69 : memref<1x1x6x112xi32, #tpu.memory_space<hbm>> -> memref<6x112xi32, #tpu.memory_space<hbm>>
      tpu.enqueue_dma source(%dma_start3A_70 : memref<6x112xi32, #tpu.memory_space<hbm>>) target(%dma_start3A_66 : memref<6x112xi32, #tpu.memory_space<vmem>>) target_semaphore(%run_scoped3A_54 : memref<!tpu.dma_semaphore, #tpu.memory_space<semaphore_mem>>)
      %dma_wait3A_71 = arith.constant 0 : i32
      %dma_wait3A_72 = arith.constant 0 : i32
      %dma_wait3A_73 = tpu.memref_slice %arg8[%run_scoped3A_3, %dma_wait3A_71, %dma_wait3A_72] : memref<2x6x112xi32, #tpu.memory_space<vmem>> -> memref<1x6x112xi32, #tpu.memory_space<vmem>>
      %dma_wait3A_74 = tpu.memref_squeeze %dma_wait3A_73 : memref<1x6x112xi32, #tpu.memory_space<vmem>> -> memref<6x112xi32, #tpu.memory_space<vmem>>
      %dma_wait3A_75 = arith.constant 0 : i32
      %dma_wait3A_76 = arith.constant 0 : i32
      %dma_wait3A_77 = tpu.memref_slice %arg3[%add3A, %run_scoped3A_2, %dma_wait3A_75, %dma_wait3A_76] : memref<32x15x6x112xi32, #tpu.memory_space<hbm>> -> memref<1x1x6x112xi32, #tpu.memory_space<hbm>>
      %dma_wait3A_78 = tpu.memref_squeeze %dma_wait3A_77 : memref<1x1x6x112xi32, #tpu.memory_space<hbm>> -> memref<6x112xi32, #tpu.memory_space<hbm>>
      %dma_wait3A_79 = arith.constant 0 : i32
      %dma_wait3A_80 = arith.constant 0 : i32
      %dma_wait3A_81 = tpu.memref_slice %arg8[%run_scoped3A_3, %dma_wait3A_79, %dma_wait3A_80] : memref<2x6x112xi32, #tpu.memory_space<vmem>> -> memref<1x6x112xi32, #tpu.memory_space<vmem>>
      %dma_wait3A_82 = tpu.memref_squeeze %dma_wait3A_81 : memref<1x6x112xi32, #tpu.memory_space<vmem>> -> memref<6x112xi32, #tpu.memory_space<vmem>>
      %dma_wait3A_83 = arith.constant 0 : i32
      %dma_wait3A_84 = arith.constant 0 : i32
      %dma_wait3A_85 = tpu.memref_slice %arg3[%add3A, %run_scoped3A_2, %dma_wait3A_83, %dma_wait3A_84] : memref<32x15x6x112xi32, #tpu.memory_space<hbm>> -> memref<1x1x6x112xi32, #tpu.memory_space<hbm>>
      %dma_wait3A_86 = tpu.memref_squeeze %dma_wait3A_85 : memref<1x1x6x112xi32, #tpu.memory_space<hbm>> -> memref<6x112xi32, #tpu.memory_space<hbm>>
      tpu.wait_dma2 semaphore(%run_scoped3A_54 : memref<!tpu.dma_semaphore, #tpu.memory_space<semaphore_mem>>) src(%dma_wait3A_86 : memref<6x112xi32, #tpu.memory_space<hbm>>) dst(%dma_wait3A_82 : memref<6x112xi32, #tpu.memory_space<vmem>>)
      tpu.yield
    }) : () -> ()
    %mul3A_4 = arith.constant 640 : i32
    %mul3A_5 = arith.muli %arg1, %mul3A_4 : i32
    "tpu.region"() ({
      %run_scoped3A_54 = tpu.sem_alloc : memref<!tpu.dma_semaphore, #tpu.memory_space<semaphore_mem>>
      %dma_start3A_55 = arith.constant 0 : i32
      %dma_start3A_56 = tpu.memref_slice %arg10[%mul3A_5, %dma_start3A_55] : memref<10240x128xf32, #tpu.memory_space<vmem_shared>> -> memref<640x128xf32, #tpu.memory_space<vmem_shared>>
      tpu.enqueue_dma source(%arg5 : memref<640x128xf32, #tpu.memory_space<hbm>>) target(%dma_start3A_56 : memref<640x128xf32, #tpu.memory_space<vmem_shared>>) target_semaphore(%run_scoped3A_54 : memref<!tpu.dma_semaphore, #tpu.memory_space<semaphore_mem>>)
      %dma_wait3A_57 = arith.constant 0 : i32
      %dma_wait3A_58 = tpu.memref_slice %arg10[%mul3A_5, %dma_wait3A_57] : memref<10240x128xf32, #tpu.memory_space<vmem_shared>> -> memref<640x128xf32, #tpu.memory_space<vmem_shared>>
      tpu.wait_dma2 semaphore(%run_scoped3A_54 : memref<!tpu.dma_semaphore, #tpu.memory_space<semaphore_mem>>) src(%arg5 : memref<640x128xf32, #tpu.memory_space<hbm>>) dst(%dma_wait3A_58 : memref<640x128xf32, #tpu.memory_space<vmem_shared>>)
      tpu.yield
    }) : () -> ()
    %barrier3A = arith.constant 0 : index
    tpu.barrier barrier_id(%barrier3A)
    %dma_start3A = arith.constant 0 : i32
    %dma_start3A_6 = arith.constant 0 : i32
    %dma_start3A_7 = arith.constant 0 : i32
    %dma_start3A_8 = arith.constant 0 : i32
    %dma_start3A_9 = arith.constant 0 : i32
    %dma_start3A_10 = tpu.memref_slice %arg9[%dma_start3A_7, %dma_start3A_8, %dma_start3A_9] : memref<3x112x128xf32, #tpu.memory_space<vmem>> -> memref<1x112x128xf32, #tpu.memory_space<vmem>>
    %dma_start3A_11 = tpu.memref_squeeze %dma_start3A_10 : memref<1x112x128xf32, #tpu.memory_space<vmem>> -> memref<112x128xf32, #tpu.memory_space<vmem>>
    %dma_start3A_12 = arith.constant 0 : i32
    %dma_start3A_13 = tpu.memref_slice %arg7[%dma_start3A, %dma_start3A_6, %dma_start3A_12] : memref<2x6x112xi32, #tpu.memory_space<vmem>> -> memref<1x1x112xi32, #tpu.memory_space<vmem>>
    %dma_start3A_14 = tpu.memref_squeeze %dma_start3A_13 : memref<1x1x112xi32, #tpu.memory_space<vmem>> -> memref<112xi32, #tpu.memory_space<vmem>>
    %dma_start3A_15 = arith.constant 0 : i32
    %dma_start3A_16 = arith.constant 0 : i32
    %dma_start3A_17 = tpu.memref_slice %arg4[%dma_start3A_15, %dma_start3A_16] : memref<10240x128xf32, #tpu.memory_space<hbm>> -> memref<10240x128xf32, #tpu.memory_space<hbm>>
    tpu.enqueue_indirect_dma source(%dma_start3A_17 : memref<10240x128xf32, #tpu.memory_space<hbm>>) target(%dma_start3A_11 : memref<112x128xf32, #tpu.memory_space<vmem>>) offsets(%dma_start3A_14 : memref<112xi32, #tpu.memory_space<vmem>>) semaphore(%arg11 : memref<!tpu.dma_semaphore, #tpu.memory_space<semaphore_mem>>)
    %dma_start3A_18 = arith.constant 0 : i32
    %dma_start3A_19 = arith.constant 1 : i32
    %dma_start3A_20 = arith.constant 1 : i32
    %dma_start3A_21 = arith.constant 0 : i32
    %dma_start3A_22 = arith.constant 0 : i32
    %dma_start3A_23 = tpu.memref_slice %arg9[%dma_start3A_20, %dma_start3A_21, %dma_start3A_22] : memref<3x112x128xf32, #tpu.memory_space<vmem>> -> memref<1x112x128xf32, #tpu.memory_space<vmem>>
    %dma_start3A_24 = tpu.memref_squeeze %dma_start3A_23 : memref<1x112x128xf32, #tpu.memory_space<vmem>> -> memref<112x128xf32, #tpu.memory_space<vmem>>
    %dma_start3A_25 = arith.constant 0 : i32
    %dma_start3A_26 = tpu.memref_slice %arg7[%dma_start3A_18, %dma_start3A_19, %dma_start3A_25] : memref<2x6x112xi32, #tpu.memory_space<vmem>> -> memref<1x1x112xi32, #tpu.memory_space<vmem>>
    %dma_start3A_27 = tpu.memref_squeeze %dma_start3A_26 : memref<1x1x112xi32, #tpu.memory_space<vmem>> -> memref<112xi32, #tpu.memory_space<vmem>>
    %dma_start3A_28 = arith.constant 0 : i32
    %dma_start3A_29 = arith.constant 0 : i32
    %dma_start3A_30 = tpu.memref_slice %arg4[%dma_start3A_28, %dma_start3A_29] : memref<10240x128xf32, #tpu.memory_space<hbm>> -> memref<10240x128xf32, #tpu.memory_space<hbm>>
    tpu.enqueue_indirect_dma source(%dma_start3A_30 : memref<10240x128xf32, #tpu.memory_space<hbm>>) target(%dma_start3A_24 : memref<112x128xf32, #tpu.memory_space<vmem>>) offsets(%dma_start3A_27 : memref<112xi32, #tpu.memory_space<vmem>>) semaphore(%arg12 : memref<!tpu.dma_semaphore, #tpu.memory_space<semaphore_mem>>)
    %scan3A = arith.constant 0 : i32
    %scan3A_31 = arith.constant 0 : i32
    %scan3A_32 = arith.constant 15 : i32
    %scan3A_33 = arith.addi %scan3A_31, %scan3A_32 : i32
    %scan3A_34 = arith.constant 1 : i32
    scf.for %scan3A_54 = %scan3A_31 to %scan3A_33 step %scan3A_34  : i32 {
      %rem3A_55 = arith.constant 2 : i32
      %rem3A_56 = arith.remsi %scan3A_54, %rem3A_55 : i32
      %add3A_57 = arith.constant 1 : i32
      %add3A_58 = arith.addi %scan3A_54, %add3A_57 : i32
      %rem3A_59 = arith.constant 2 : i32
      %rem3A_60 = arith.remsi %add3A_58, %rem3A_59 : i32
      %add3A_61 = arith.constant 1 : i32
      %add3A_62 = arith.addi %scan3A_54, %add3A_61 : i32
      %lt3A = arith.constant 15 : i32
      %lt3A_63 = arith.cmpi slt, %add3A_62, %lt3A : i32
      %convert_element_type3A = arith.extui %lt3A_63 : i1 to i32
      %cond3A = arith.constant 0 : i32
      %cond3A_64 = arith.cmpi ne, %convert_element_type3A, %cond3A : i32
      scf.if %cond3A_64 {
        %add3A_342 = arith.constant 1 : i32
        %add3A_343 = arith.addi %scan3A_54, %add3A_342 : i32
        %dma_start3A_344 = arith.constant 0 : i32
        %dma_start3A_345 = arith.constant 0 : i32
        %dma_start3A_346 = tpu.memref_slice %arg7[%rem3A_60, %dma_start3A_344, %dma_start3A_345] : memref<2x6x112xi32, #tpu.memory_space<vmem>> -> memref<1x6x112xi32, #tpu.memory_space<vmem>>
        %dma_start3A_347 = tpu.memref_squeeze %dma_start3A_346 : memref<1x6x112xi32, #tpu.memory_space<vmem>> -> memref<6x112xi32, #tpu.memory_space<vmem>>
        %dma_start3A_348 = arith.constant 0 : i32
        %dma_start3A_349 = arith.constant 0 : i32
        %dma_start3A_350 = tpu.memref_slice %arg2[%add3A, %add3A_343, %dma_start3A_348, %dma_start3A_349] : memref<32x15x6x112xi32, #tpu.memory_space<hbm>> -> memref<1x1x6x112xi32, #tpu.memory_space<hbm>>
        %dma_start3A_351 = tpu.memref_squeeze %dma_start3A_350 : memref<1x1x6x112xi32, #tpu.memory_space<hbm>> -> memref<6x112xi32, #tpu.memory_space<hbm>>
        %dma_start3A_352 = arith.constant 0 : i32
        %dma_start3A_353 = arith.constant 0 : i32
        %dma_start3A_354 = tpu.memref_slice %arg7[%rem3A_60, %dma_start3A_352, %dma_start3A_353] : memref<2x6x112xi32, #tpu.memory_space<vmem>> -> memref<1x6x112xi32, #tpu.memory_space<vmem>>
        %dma_start3A_355 = tpu.memref_squeeze %dma_start3A_354 : memref<1x6x112xi32, #tpu.memory_space<vmem>> -> memref<6x112xi32, #tpu.memory_space<vmem>>
        %dma_start3A_356 = arith.constant 0 : i32
        %dma_start3A_357 = arith.constant 0 : i32
        %dma_start3A_358 = tpu.memref_slice %arg2[%add3A, %add3A_343, %dma_start3A_356, %dma_start3A_357] : memref<32x15x6x112xi32, #tpu.memory_space<hbm>> -> memref<1x1x6x112xi32, #tpu.memory_space<hbm>>
        %dma_start3A_359 = tpu.memref_squeeze %dma_start3A_358 : memref<1x1x6x112xi32, #tpu.memory_space<hbm>> -> memref<6x112xi32, #tpu.memory_space<hbm>>
        tpu.enqueue_dma source(%dma_start3A_359 : memref<6x112xi32, #tpu.memory_space<hbm>>) target(%dma_start3A_355 : memref<6x112xi32, #tpu.memory_space<vmem>>) target_semaphore(%arg14 : memref<!tpu.dma_semaphore, #tpu.memory_space<semaphore_mem>>)
        %add3A_360 = arith.constant 1 : i32
        %add3A_361 = arith.addi %scan3A_54, %add3A_360 : i32
        %dma_start3A_362 = arith.constant 0 : i32
        %dma_start3A_363 = arith.constant 0 : i32
        %dma_start3A_364 = tpu.memref_slice %arg8[%rem3A_60, %dma_start3A_362, %dma_start3A_363] : memref<2x6x112xi32, #tpu.memory_space<vmem>> -> memref<1x6x112xi32, #tpu.memory_space<vmem>>
        %dma_start3A_365 = tpu.memref_squeeze %dma_start3A_364 : memref<1x6x112xi32, #tpu.memory_space<vmem>> -> memref<6x112xi32, #tpu.memory_space<vmem>>
        %dma_start3A_366 = arith.constant 0 : i32
        %dma_start3A_367 = arith.constant 0 : i32
        %dma_start3A_368 = tpu.memref_slice %arg3[%add3A, %add3A_361, %dma_start3A_366, %dma_start3A_367] : memref<32x15x6x112xi32, #tpu.memory_space<hbm>> -> memref<1x1x6x112xi32, #tpu.memory_space<hbm>>
        %dma_start3A_369 = tpu.memref_squeeze %dma_start3A_368 : memref<1x1x6x112xi32, #tpu.memory_space<hbm>> -> memref<6x112xi32, #tpu.memory_space<hbm>>
        %dma_start3A_370 = arith.constant 0 : i32
        %dma_start3A_371 = arith.constant 0 : i32
        %dma_start3A_372 = tpu.memref_slice %arg8[%rem3A_60, %dma_start3A_370, %dma_start3A_371] : memref<2x6x112xi32, #tpu.memory_space<vmem>> -> memref<1x6x112xi32, #tpu.memory_space<vmem>>
        %dma_start3A_373 = tpu.memref_squeeze %dma_start3A_372 : memref<1x6x112xi32, #tpu.memory_space<vmem>> -> memref<6x112xi32, #tpu.memory_space<vmem>>
        %dma_start3A_374 = arith.constant 0 : i32
        %dma_start3A_375 = arith.constant 0 : i32
        %dma_start3A_376 = tpu.memref_slice %arg3[%add3A, %add3A_361, %dma_start3A_374, %dma_start3A_375] : memref<32x15x6x112xi32, #tpu.memory_space<hbm>> -> memref<1x1x6x112xi32, #tpu.memory_space<hbm>>
        %dma_start3A_377 = tpu.memref_squeeze %dma_start3A_376 : memref<1x1x6x112xi32, #tpu.memory_space<hbm>> -> memref<6x112xi32, #tpu.memory_space<hbm>>
        tpu.enqueue_dma source(%dma_start3A_377 : memref<6x112xi32, #tpu.memory_space<hbm>>) target(%dma_start3A_373 : memref<6x112xi32, #tpu.memory_space<vmem>>) target_semaphore(%arg14 : memref<!tpu.dma_semaphore, #tpu.memory_space<semaphore_mem>>)
      } else {
      }
      %dma_wait3A_65 = arith.constant 0 : i32
      %dma_wait3A_66 = arith.constant 0 : i32
      %dma_wait3A_67 = arith.constant 0 : i32
      %dma_wait3A_68 = arith.constant 0 : i32
      %dma_wait3A_69 = tpu.memref_slice %arg9[%dma_wait3A_66, %dma_wait3A_67, %dma_wait3A_68] : memref<3x112x128xf32, #tpu.memory_space<vmem>> -> memref<1x112x128xf32, #tpu.memory_space<vmem>>
      %dma_wait3A_70 = tpu.memref_squeeze %dma_wait3A_69 : memref<1x112x128xf32, #tpu.memory_space<vmem>> -> memref<112x128xf32, #tpu.memory_space<vmem>>
      %dma_wait3A_71 = arith.constant 0 : i32
      %dma_wait3A_72 = tpu.memref_slice %arg7[%rem3A_56, %dma_wait3A_65, %dma_wait3A_71] : memref<2x6x112xi32, #tpu.memory_space<vmem>> -> memref<1x1x112xi32, #tpu.memory_space<vmem>>
      %dma_wait3A_73 = tpu.memref_squeeze %dma_wait3A_72 : memref<1x1x112xi32, #tpu.memory_space<vmem>> -> memref<112xi32, #tpu.memory_space<vmem>>
      %dma_wait3A_74 = arith.constant 0 : i32
      %dma_wait3A_75 = arith.constant 0 : i32
      %dma_wait3A_76 = tpu.memref_slice %arg4[%dma_wait3A_74, %dma_wait3A_75] : memref<10240x128xf32, #tpu.memory_space<hbm>> -> memref<10240x128xf32, #tpu.memory_space<hbm>>
      tpu.wait_indirect_dma semaphore(%arg11 : memref<!tpu.dma_semaphore, #tpu.memory_space<semaphore_mem>>) src(%dma_wait3A_76 : memref<10240x128xf32, #tpu.memory_space<hbm>>) dst(%dma_wait3A_70 : memref<112x128xf32, #tpu.memory_space<vmem>>)
      %dma_start3A_77 = arith.constant 0 : i32
      %dma_start3A_78 = arith.constant 0 : i32
      %dma_start3A_79 = arith.constant 0 : i32
      %dma_start3A_80 = arith.constant 0 : i32
      %dma_start3A_81 = tpu.memref_slice %arg9[%dma_start3A_77, %dma_start3A_79, %dma_start3A_80] : memref<3x112x128xf32, #tpu.memory_space<vmem>> -> memref<1x112x128xf32, #tpu.memory_space<vmem>>
      %dma_start3A_82 = tpu.memref_squeeze %dma_start3A_81 : memref<1x112x128xf32, #tpu.memory_space<vmem>> -> memref<112x128xf32, #tpu.memory_space<vmem>>
      %dma_start3A_83 = arith.constant 0 : i32
      %dma_start3A_84 = tpu.memref_slice %arg8[%rem3A_56, %dma_start3A_78, %dma_start3A_83] : memref<2x6x112xi32, #tpu.memory_space<vmem>> -> memref<1x1x112xi32, #tpu.memory_space<vmem>>
      %dma_start3A_85 = tpu.memref_squeeze %dma_start3A_84 : memref<1x1x112xi32, #tpu.memory_space<vmem>> -> memref<112xi32, #tpu.memory_space<vmem>>
      %dma_start3A_86 = arith.constant 0 : i32
      %dma_start3A_87 = arith.constant 0 : i32
      %dma_start3A_88 = tpu.memref_slice %arg10[%dma_start3A_86, %dma_start3A_87] : memref<10240x128xf32, #tpu.memory_space<vmem_shared>> -> memref<10240x128xf32, #tpu.memory_space<vmem_shared>>
      tpu.enqueue_indirect_dma source(%dma_start3A_82 : memref<112x128xf32, #tpu.memory_space<vmem>>) target(%dma_start3A_88 : memref<10240x128xf32, #tpu.memory_space<vmem_shared>>) offsets(%dma_start3A_85 : memref<112xi32, #tpu.memory_space<vmem>>) semaphore(%arg11 : memref<!tpu.dma_semaphore, #tpu.memory_space<semaphore_mem>>) {add = true}
      %gt3A = arith.constant 0 : i32
      %gt3A_89 = arith.cmpi sgt, %scan3A_54, %gt3A : i32
      %convert_element_type3A_90 = arith.extui %gt3A_89 : i1 to i32
      %cond3A_91 = arith.constant 0 : i32
      %cond3A_92 = arith.cmpi ne, %convert_element_type3A_90, %cond3A_91 : i32
      scf.if %cond3A_92 {
        %dma_wait3A_342 = arith.constant 2 : i32
        %dma_wait3A_343 = arith.constant 0 : i32
        %dma_wait3A_344 = arith.constant 0 : i32
        %dma_wait3A_345 = arith.constant 0 : i32
        %dma_wait3A_346 = tpu.memref_slice %arg9[%dma_wait3A_342, %dma_wait3A_344, %dma_wait3A_345] : memref<3x112x128xf32, #tpu.memory_space<vmem>> -> memref<1x112x128xf32, #tpu.memory_space<vmem>>
        %dma_wait3A_347 = tpu.memref_squeeze %dma_wait3A_346 : memref<1x112x128xf32, #tpu.memory_space<vmem>> -> memref<112x128xf32, #tpu.memory_space<vmem>>
        %dma_wait3A_348 = arith.constant 0 : i32
        %dma_wait3A_349 = tpu.memref_slice %arg8[%rem3A_56, %dma_wait3A_343, %dma_wait3A_348] : memref<2x6x112xi32, #tpu.memory_space<vmem>> -> memref<1x1x112xi32, #tpu.memory_space<vmem>>
        %dma_wait3A_350 = tpu.memref_squeeze %dma_wait3A_349 : memref<1x1x112xi32, #tpu.memory_space<vmem>> -> memref<112xi32, #tpu.memory_space<vmem>>
        %dma_wait3A_351 = arith.constant 0 : i32
        %dma_wait3A_352 = arith.constant 0 : i32
        %dma_wait3A_353 = tpu.memref_slice %arg10[%dma_wait3A_351, %dma_wait3A_352] : memref<10240x128xf32, #tpu.memory_space<vmem_shared>> -> memref<10240x128xf32, #tpu.memory_space<vmem_shared>>
        tpu.wait_indirect_dma semaphore(%arg13 : memref<!tpu.dma_semaphore, #tpu.memory_space<semaphore_mem>>) src(%dma_wait3A_347 : memref<112x128xf32, #tpu.memory_space<vmem>>) dst(%dma_wait3A_353 : memref<10240x128xf32, #tpu.memory_space<vmem_shared>>)
      } else {
      }
      %dma_start3A_93 = arith.constant 2 : i32
      %dma_start3A_94 = arith.constant 2 : i32
      %dma_start3A_95 = arith.constant 0 : i32
      %dma_start3A_96 = arith.constant 0 : i32
      %dma_start3A_97 = tpu.memref_slice %arg9[%dma_start3A_94, %dma_start3A_95, %dma_start3A_96] : memref<3x112x128xf32, #tpu.memory_space<vmem>> -> memref<1x112x128xf32, #tpu.memory_space<vmem>>
      %dma_start3A_98 = tpu.memref_squeeze %dma_start3A_97 : memref<1x112x128xf32, #tpu.memory_space<vmem>> -> memref<112x128xf32, #tpu.memory_space<vmem>>
      %dma_start3A_99 = arith.constant 0 : i32
      %dma_start3A_100 = tpu.memref_slice %arg7[%rem3A_56, %dma_start3A_93, %dma_start3A_99] : memref<2x6x112xi32, #tpu.memory_space<vmem>> -> memref<1x1x112xi32, #tpu.memory_space<vmem>>
      %dma_start3A_101 = tpu.memref_squeeze %dma_start3A_100 : memref<1x1x112xi32, #tpu.memory_space<vmem>> -> memref<112xi32, #tpu.memory_space<vmem>>
      %dma_start3A_102 = arith.constant 0 : i32
      %dma_start3A_103 = arith.constant 0 : i32
      %dma_start3A_104 = tpu.memref_slice %arg4[%dma_start3A_102, %dma_start3A_103] : memref<10240x128xf32, #tpu.memory_space<hbm>> -> memref<10240x128xf32, #tpu.memory_space<hbm>>
      tpu.enqueue_indirect_dma source(%dma_start3A_104 : memref<10240x128xf32, #tpu.memory_space<hbm>>) target(%dma_start3A_98 : memref<112x128xf32, #tpu.memory_space<vmem>>) offsets(%dma_start3A_101 : memref<112xi32, #tpu.memory_space<vmem>>) semaphore(%arg13 : memref<!tpu.dma_semaphore, #tpu.memory_space<semaphore_mem>>)
      %dma_wait3A_105 = arith.constant 1 : i32
      %dma_wait3A_106 = arith.constant 1 : i32
      %dma_wait3A_107 = arith.constant 0 : i32
      %dma_wait3A_108 = arith.constant 0 : i32
      %dma_wait3A_109 = tpu.memref_slice %arg9[%dma_wait3A_106, %dma_wait3A_107, %dma_wait3A_108] : memref<3x112x128xf32, #tpu.memory_space<vmem>> -> memref<1x112x128xf32, #tpu.memory_space<vmem>>
      %dma_wait3A_110 = tpu.memref_squeeze %dma_wait3A_109 : memref<1x112x128xf32, #tpu.memory_space<vmem>> -> memref<112x128xf32, #tpu.memory_space<vmem>>
      %dma_wait3A_111 = arith.constant 0 : i32
      %dma_wait3A_112 = tpu.memref_slice %arg7[%rem3A_56, %dma_wait3A_105, %dma_wait3A_111] : memref<2x6x112xi32, #tpu.memory_space<vmem>> -> memref<1x1x112xi32, #tpu.memory_space<vmem>>
      %dma_wait3A_113 = tpu.memref_squeeze %dma_wait3A_112 : memref<1x1x112xi32, #tpu.memory_space<vmem>> -> memref<112xi32, #tpu.memory_space<vmem>>
      %dma_wait3A_114 = arith.constant 0 : i32
      %dma_wait3A_115 = arith.constant 0 : i32
      %dma_wait3A_116 = tpu.memref_slice %arg4[%dma_wait3A_114, %dma_wait3A_115] : memref<10240x128xf32, #tpu.memory_space<hbm>> -> memref<10240x128xf32, #tpu.memory_space<hbm>>
      tpu.wait_indirect_dma semaphore(%arg12 : memref<!tpu.dma_semaphore, #tpu.memory_space<semaphore_mem>>) src(%dma_wait3A_116 : memref<10240x128xf32, #tpu.memory_space<hbm>>) dst(%dma_wait3A_110 : memref<112x128xf32, #tpu.memory_space<vmem>>)
      %dma_start3A_117 = arith.constant 1 : i32
      %dma_start3A_118 = arith.constant 1 : i32
      %dma_start3A_119 = arith.constant 0 : i32
      %dma_start3A_120 = arith.constant 0 : i32
      %dma_start3A_121 = tpu.memref_slice %arg9[%dma_start3A_117, %dma_start3A_119, %dma_start3A_120] : memref<3x112x128xf32, #tpu.memory_space<vmem>> -> memref<1x112x128xf32, #tpu.memory_space<vmem>>
      %dma_start3A_122 = tpu.memref_squeeze %dma_start3A_121 : memref<1x112x128xf32, #tpu.memory_space<vmem>> -> memref<112x128xf32, #tpu.memory_space<vmem>>
      %dma_start3A_123 = arith.constant 0 : i32
      %dma_start3A_124 = tpu.memref_slice %arg8[%rem3A_56, %dma_start3A_118, %dma_start3A_123] : memref<2x6x112xi32, #tpu.memory_space<vmem>> -> memref<1x1x112xi32, #tpu.memory_space<vmem>>
      %dma_start3A_125 = tpu.memref_squeeze %dma_start3A_124 : memref<1x1x112xi32, #tpu.memory_space<vmem>> -> memref<112xi32, #tpu.memory_space<vmem>>
      %dma_start3A_126 = arith.constant 0 : i32
      %dma_start3A_127 = arith.constant 0 : i32
      %dma_start3A_128 = tpu.memref_slice %arg10[%dma_start3A_126, %dma_start3A_127] : memref<10240x128xf32, #tpu.memory_space<vmem_shared>> -> memref<10240x128xf32, #tpu.memory_space<vmem_shared>>
      tpu.enqueue_indirect_dma source(%dma_start3A_122 : memref<112x128xf32, #tpu.memory_space<vmem>>) target(%dma_start3A_128 : memref<10240x128xf32, #tpu.memory_space<vmem_shared>>) offsets(%dma_start3A_125 : memref<112xi32, #tpu.memory_space<vmem>>) semaphore(%arg12 : memref<!tpu.dma_semaphore, #tpu.memory_space<semaphore_mem>>) {add = true}
      %dma_wait3A_129 = arith.constant 0 : i32
      %dma_wait3A_130 = arith.constant 1 : i32
      %dma_wait3A_131 = arith.constant 0 : i32
      %dma_wait3A_132 = arith.constant 0 : i32
      %dma_wait3A_133 = tpu.memref_slice %arg9[%dma_wait3A_129, %dma_wait3A_131, %dma_wait3A_132] : memref<3x112x128xf32, #tpu.memory_space<vmem>> -> memref<1x112x128xf32, #tpu.memory_space<vmem>>
      %dma_wait3A_134 = tpu.memref_squeeze %dma_wait3A_133 : memref<1x112x128xf32, #tpu.memory_space<vmem>> -> memref<112x128xf32, #tpu.memory_space<vmem>>
      %dma_wait3A_135 = arith.constant 0 : i32
      %dma_wait3A_136 = tpu.memref_slice %arg8[%rem3A_56, %dma_wait3A_130, %dma_wait3A_135] : memref<2x6x112xi32, #tpu.memory_space<vmem>> -> memref<1x1x112xi32, #tpu.memory_space<vmem>>
      %dma_wait3A_137 = tpu.memref_squeeze %dma_wait3A_136 : memref<1x1x112xi32, #tpu.memory_space<vmem>> -> memref<112xi32, #tpu.memory_space<vmem>>
      %dma_wait3A_138 = arith.constant 0 : i32
      %dma_wait3A_139 = arith.constant 0 : i32
      %dma_wait3A_140 = tpu.memref_slice %arg10[%dma_wait3A_138, %dma_wait3A_139] : memref<10240x128xf32, #tpu.memory_space<vmem_shared>> -> memref<10240x128xf32, #tpu.memory_space<vmem_shared>>
      tpu.wait_indirect_dma semaphore(%arg11 : memref<!tpu.dma_semaphore, #tpu.memory_space<semaphore_mem>>) src(%dma_wait3A_134 : memref<112x128xf32, #tpu.memory_space<vmem>>) dst(%dma_wait3A_140 : memref<10240x128xf32, #tpu.memory_space<vmem_shared>>)
      %dma_start3A_141 = arith.constant 3 : i32
      %dma_start3A_142 = arith.constant 0 : i32
      %dma_start3A_143 = arith.constant 0 : i32
      %dma_start3A_144 = arith.constant 0 : i32
      %dma_start3A_145 = tpu.memref_slice %arg9[%dma_start3A_142, %dma_start3A_143, %dma_start3A_144] : memref<3x112x128xf32, #tpu.memory_space<vmem>> -> memref<1x112x128xf32, #tpu.memory_space<vmem>>
      %dma_start3A_146 = tpu.memref_squeeze %dma_start3A_145 : memref<1x112x128xf32, #tpu.memory_space<vmem>> -> memref<112x128xf32, #tpu.memory_space<vmem>>
      %dma_start3A_147 = arith.constant 0 : i32
      %dma_start3A_148 = tpu.memref_slice %arg7[%rem3A_56, %dma_start3A_141, %dma_start3A_147] : memref<2x6x112xi32, #tpu.memory_space<vmem>> -> memref<1x1x112xi32, #tpu.memory_space<vmem>>
      %dma_start3A_149 = tpu.memref_squeeze %dma_start3A_148 : memref<1x1x112xi32, #tpu.memory_space<vmem>> -> memref<112xi32, #tpu.memory_space<vmem>>
      %dma_start3A_150 = arith.constant 0 : i32
      %dma_start3A_151 = arith.constant 0 : i32
      %dma_start3A_152 = tpu.memref_slice %arg4[%dma_start3A_150, %dma_start3A_151] : memref<10240x128xf32, #tpu.memory_space<hbm>> -> memref<10240x128xf32, #tpu.memory_space<hbm>>
      tpu.enqueue_indirect_dma source(%dma_start3A_152 : memref<10240x128xf32, #tpu.memory_space<hbm>>) target(%dma_start3A_146 : memref<112x128xf32, #tpu.memory_space<vmem>>) offsets(%dma_start3A_149 : memref<112xi32, #tpu.memory_space<vmem>>) semaphore(%arg11 : memref<!tpu.dma_semaphore, #tpu.memory_space<semaphore_mem>>)
      %dma_wait3A_153 = arith.constant 2 : i32
      %dma_wait3A_154 = arith.constant 2 : i32
      %dma_wait3A_155 = arith.constant 0 : i32
      %dma_wait3A_156 = arith.constant 0 : i32
      %dma_wait3A_157 = tpu.memref_slice %arg9[%dma_wait3A_154, %dma_wait3A_155, %dma_wait3A_156] : memref<3x112x128xf32, #tpu.memory_space<vmem>> -> memref<1x112x128xf32, #tpu.memory_space<vmem>>
      %dma_wait3A_158 = tpu.memref_squeeze %dma_wait3A_157 : memref<1x112x128xf32, #tpu.memory_space<vmem>> -> memref<112x128xf32, #tpu.memory_space<vmem>>
      %dma_wait3A_159 = arith.constant 0 : i32
      %dma_wait3A_160 = tpu.memref_slice %arg7[%rem3A_56, %dma_wait3A_153, %dma_wait3A_159] : memref<2x6x112xi32, #tpu.memory_space<vmem>> -> memref<1x1x112xi32, #tpu.memory_space<vmem>>
      %dma_wait3A_161 = tpu.memref_squeeze %dma_wait3A_160 : memref<1x1x112xi32, #tpu.memory_space<vmem>> -> memref<112xi32, #tpu.memory_space<vmem>>
      %dma_wait3A_162 = arith.constant 0 : i32
      %dma_wait3A_163 = arith.constant 0 : i32
      %dma_wait3A_164 = tpu.memref_slice %arg4[%dma_wait3A_162, %dma_wait3A_163] : memref<10240x128xf32, #tpu.memory_space<hbm>> -> memref<10240x128xf32, #tpu.memory_space<hbm>>
      tpu.wait_indirect_dma semaphore(%arg13 : memref<!tpu.dma_semaphore, #tpu.memory_space<semaphore_mem>>) src(%dma_wait3A_164 : memref<10240x128xf32, #tpu.memory_space<hbm>>) dst(%dma_wait3A_158 : memref<112x128xf32, #tpu.memory_space<vmem>>)
      %dma_start3A_165 = arith.constant 2 : i32
      %dma_start3A_166 = arith.constant 2 : i32
      %dma_start3A_167 = arith.constant 0 : i32
      %dma_start3A_168 = arith.constant 0 : i32
      %dma_start3A_169 = tpu.memref_slice %arg9[%dma_start3A_165, %dma_start3A_167, %dma_start3A_168] : memref<3x112x128xf32, #tpu.memory_space<vmem>> -> memref<1x112x128xf32, #tpu.memory_space<vmem>>
      %dma_start3A_170 = tpu.memref_squeeze %dma_start3A_169 : memref<1x112x128xf32, #tpu.memory_space<vmem>> -> memref<112x128xf32, #tpu.memory_space<vmem>>
      %dma_start3A_171 = arith.constant 0 : i32
      %dma_start3A_172 = tpu.memref_slice %arg8[%rem3A_56, %dma_start3A_166, %dma_start3A_171] : memref<2x6x112xi32, #tpu.memory_space<vmem>> -> memref<1x1x112xi32, #tpu.memory_space<vmem>>
      %dma_start3A_173 = tpu.memref_squeeze %dma_start3A_172 : memref<1x1x112xi32, #tpu.memory_space<vmem>> -> memref<112xi32, #tpu.memory_space<vmem>>
      %dma_start3A_174 = arith.constant 0 : i32
      %dma_start3A_175 = arith.constant 0 : i32
      %dma_start3A_176 = tpu.memref_slice %arg10[%dma_start3A_174, %dma_start3A_175] : memref<10240x128xf32, #tpu.memory_space<vmem_shared>> -> memref<10240x128xf32, #tpu.memory_space<vmem_shared>>
      tpu.enqueue_indirect_dma source(%dma_start3A_170 : memref<112x128xf32, #tpu.memory_space<vmem>>) target(%dma_start3A_176 : memref<10240x128xf32, #tpu.memory_space<vmem_shared>>) offsets(%dma_start3A_173 : memref<112xi32, #tpu.memory_space<vmem>>) semaphore(%arg13 : memref<!tpu.dma_semaphore, #tpu.memory_space<semaphore_mem>>) {add = true}
      %dma_wait3A_177 = arith.constant 1 : i32
      %dma_wait3A_178 = arith.constant 2 : i32
      %dma_wait3A_179 = arith.constant 0 : i32
      %dma_wait3A_180 = arith.constant 0 : i32
      %dma_wait3A_181 = tpu.memref_slice %arg9[%dma_wait3A_177, %dma_wait3A_179, %dma_wait3A_180] : memref<3x112x128xf32, #tpu.memory_space<vmem>> -> memref<1x112x128xf32, #tpu.memory_space<vmem>>
      %dma_wait3A_182 = tpu.memref_squeeze %dma_wait3A_181 : memref<1x112x128xf32, #tpu.memory_space<vmem>> -> memref<112x128xf32, #tpu.memory_space<vmem>>
      %dma_wait3A_183 = arith.constant 0 : i32
      %dma_wait3A_184 = tpu.memref_slice %arg8[%rem3A_56, %dma_wait3A_178, %dma_wait3A_183] : memref<2x6x112xi32, #tpu.memory_space<vmem>> -> memref<1x1x112xi32, #tpu.memory_space<vmem>>
      %dma_wait3A_185 = tpu.memref_squeeze %dma_wait3A_184 : memref<1x1x112xi32, #tpu.memory_space<vmem>> -> memref<112xi32, #tpu.memory_space<vmem>>
      %dma_wait3A_186 = arith.constant 0 : i32
      %dma_wait3A_187 = arith.constant 0 : i32
      %dma_wait3A_188 = tpu.memref_slice %arg10[%dma_wait3A_186, %dma_wait3A_187] : memref<10240x128xf32, #tpu.memory_space<vmem_shared>> -> memref<10240x128xf32, #tpu.memory_space<vmem_shared>>
      tpu.wait_indirect_dma semaphore(%arg12 : memref<!tpu.dma_semaphore, #tpu.memory_space<semaphore_mem>>) src(%dma_wait3A_182 : memref<112x128xf32, #tpu.memory_space<vmem>>) dst(%dma_wait3A_188 : memref<10240x128xf32, #tpu.memory_space<vmem_shared>>)
      %dma_start3A_189 = arith.constant 4 : i32
      %dma_start3A_190 = arith.constant 1 : i32
      %dma_start3A_191 = arith.constant 0 : i32
      %dma_start3A_192 = arith.constant 0 : i32
      %dma_start3A_193 = tpu.memref_slice %arg9[%dma_start3A_190, %dma_start3A_191, %dma_start3A_192] : memref<3x112x128xf32, #tpu.memory_space<vmem>> -> memref<1x112x128xf32, #tpu.memory_space<vmem>>
      %dma_start3A_194 = tpu.memref_squeeze %dma_start3A_193 : memref<1x112x128xf32, #tpu.memory_space<vmem>> -> memref<112x128xf32, #tpu.memory_space<vmem>>
      %dma_start3A_195 = arith.constant 0 : i32
      %dma_start3A_196 = tpu.memref_slice %arg7[%rem3A_56, %dma_start3A_189, %dma_start3A_195] : memref<2x6x112xi32, #tpu.memory_space<vmem>> -> memref<1x1x112xi32, #tpu.memory_space<vmem>>
      %dma_start3A_197 = tpu.memref_squeeze %dma_start3A_196 : memref<1x1x112xi32, #tpu.memory_space<vmem>> -> memref<112xi32, #tpu.memory_space<vmem>>
      %dma_start3A_198 = arith.constant 0 : i32
      %dma_start3A_199 = arith.constant 0 : i32
      %dma_start3A_200 = tpu.memref_slice %arg4[%dma_start3A_198, %dma_start3A_199] : memref<10240x128xf32, #tpu.memory_space<hbm>> -> memref<10240x128xf32, #tpu.memory_space<hbm>>
      tpu.enqueue_indirect_dma source(%dma_start3A_200 : memref<10240x128xf32, #tpu.memory_space<hbm>>) target(%dma_start3A_194 : memref<112x128xf32, #tpu.memory_space<vmem>>) offsets(%dma_start3A_197 : memref<112xi32, #tpu.memory_space<vmem>>) semaphore(%arg12 : memref<!tpu.dma_semaphore, #tpu.memory_space<semaphore_mem>>)
      %dma_wait3A_201 = arith.constant 3 : i32
      %dma_wait3A_202 = arith.constant 0 : i32
      %dma_wait3A_203 = arith.constant 0 : i32
      %dma_wait3A_204 = arith.constant 0 : i32
      %dma_wait3A_205 = tpu.memref_slice %arg9[%dma_wait3A_202, %dma_wait3A_203, %dma_wait3A_204] : memref<3x112x128xf32, #tpu.memory_space<vmem>> -> memref<1x112x128xf32, #tpu.memory_space<vmem>>
      %dma_wait3A_206 = tpu.memref_squeeze %dma_wait3A_205 : memref<1x112x128xf32, #tpu.memory_space<vmem>> -> memref<112x128xf32, #tpu.memory_space<vmem>>
      %dma_wait3A_207 = arith.constant 0 : i32
      %dma_wait3A_208 = tpu.memref_slice %arg7[%rem3A_56, %dma_wait3A_201, %dma_wait3A_207] : memref<2x6x112xi32, #tpu.memory_space<vmem>> -> memref<1x1x112xi32, #tpu.memory_space<vmem>>
      %dma_wait3A_209 = tpu.memref_squeeze %dma_wait3A_208 : memref<1x1x112xi32, #tpu.memory_space<vmem>> -> memref<112xi32, #tpu.memory_space<vmem>>
      %dma_wait3A_210 = arith.constant 0 : i32
      %dma_wait3A_211 = arith.constant 0 : i32
      %dma_wait3A_212 = tpu.memref_slice %arg4[%dma_wait3A_210, %dma_wait3A_211] : memref<10240x128xf32, #tpu.memory_space<hbm>> -> memref<10240x128xf32, #tpu.memory_space<hbm>>
      tpu.wait_indirect_dma semaphore(%arg11 : memref<!tpu.dma_semaphore, #tpu.memory_space<semaphore_mem>>) src(%dma_wait3A_212 : memref<10240x128xf32, #tpu.memory_space<hbm>>) dst(%dma_wait3A_206 : memref<112x128xf32, #tpu.memory_space<vmem>>)
      %dma_start3A_213 = arith.constant 0 : i32
      %dma_start3A_214 = arith.constant 3 : i32
      %dma_start3A_215 = arith.constant 0 : i32
      %dma_start3A_216 = arith.constant 0 : i32
      %dma_start3A_217 = tpu.memref_slice %arg9[%dma_start3A_213, %dma_start3A_215, %dma_start3A_216] : memref<3x112x128xf32, #tpu.memory_space<vmem>> -> memref<1x112x128xf32, #tpu.memory_space<vmem>>
      %dma_start3A_218 = tpu.memref_squeeze %dma_start3A_217 : memref<1x112x128xf32, #tpu.memory_space<vmem>> -> memref<112x128xf32, #tpu.memory_space<vmem>>
      %dma_start3A_219 = arith.constant 0 : i32
      %dma_start3A_220 = tpu.memref_slice %arg8[%rem3A_56, %dma_start3A_214, %dma_start3A_219] : memref<2x6x112xi32, #tpu.memory_space<vmem>> -> memref<1x1x112xi32, #tpu.memory_space<vmem>>
      %dma_start3A_221 = tpu.memref_squeeze %dma_start3A_220 : memref<1x1x112xi32, #tpu.memory_space<vmem>> -> memref<112xi32, #tpu.memory_space<vmem>>
      %dma_start3A_222 = arith.constant 0 : i32
      %dma_start3A_223 = arith.constant 0 : i32
      %dma_start3A_224 = tpu.memref_slice %arg10[%dma_start3A_222, %dma_start3A_223] : memref<10240x128xf32, #tpu.memory_space<vmem_shared>> -> memref<10240x128xf32, #tpu.memory_space<vmem_shared>>
      tpu.enqueue_indirect_dma source(%dma_start3A_218 : memref<112x128xf32, #tpu.memory_space<vmem>>) target(%dma_start3A_224 : memref<10240x128xf32, #tpu.memory_space<vmem_shared>>) offsets(%dma_start3A_221 : memref<112xi32, #tpu.memory_space<vmem>>) semaphore(%arg11 : memref<!tpu.dma_semaphore, #tpu.memory_space<semaphore_mem>>) {add = true}
      %dma_wait3A_225 = arith.constant 2 : i32
      %dma_wait3A_226 = arith.constant 3 : i32
      %dma_wait3A_227 = arith.constant 0 : i32
      %dma_wait3A_228 = arith.constant 0 : i32
      %dma_wait3A_229 = tpu.memref_slice %arg9[%dma_wait3A_225, %dma_wait3A_227, %dma_wait3A_228] : memref<3x112x128xf32, #tpu.memory_space<vmem>> -> memref<1x112x128xf32, #tpu.memory_space<vmem>>
      %dma_wait3A_230 = tpu.memref_squeeze %dma_wait3A_229 : memref<1x112x128xf32, #tpu.memory_space<vmem>> -> memref<112x128xf32, #tpu.memory_space<vmem>>
      %dma_wait3A_231 = arith.constant 0 : i32
      %dma_wait3A_232 = tpu.memref_slice %arg8[%rem3A_56, %dma_wait3A_226, %dma_wait3A_231] : memref<2x6x112xi32, #tpu.memory_space<vmem>> -> memref<1x1x112xi32, #tpu.memory_space<vmem>>
      %dma_wait3A_233 = tpu.memref_squeeze %dma_wait3A_232 : memref<1x1x112xi32, #tpu.memory_space<vmem>> -> memref<112xi32, #tpu.memory_space<vmem>>
      %dma_wait3A_234 = arith.constant 0 : i32
      %dma_wait3A_235 = arith.constant 0 : i32
      %dma_wait3A_236 = tpu.memref_slice %arg10[%dma_wait3A_234, %dma_wait3A_235] : memref<10240x128xf32, #tpu.memory_space<vmem_shared>> -> memref<10240x128xf32, #tpu.memory_space<vmem_shared>>
      tpu.wait_indirect_dma semaphore(%arg13 : memref<!tpu.dma_semaphore, #tpu.memory_space<semaphore_mem>>) src(%dma_wait3A_230 : memref<112x128xf32, #tpu.memory_space<vmem>>) dst(%dma_wait3A_236 : memref<10240x128xf32, #tpu.memory_space<vmem_shared>>)
      %dma_start3A_237 = arith.constant 5 : i32
      %dma_start3A_238 = arith.constant 2 : i32
      %dma_start3A_239 = arith.constant 0 : i32
      %dma_start3A_240 = arith.constant 0 : i32
      %dma_start3A_241 = tpu.memref_slice %arg9[%dma_start3A_238, %dma_start3A_239, %dma_start3A_240] : memref<3x112x128xf32, #tpu.memory_space<vmem>> -> memref<1x112x128xf32, #tpu.memory_space<vmem>>
      %dma_start3A_242 = tpu.memref_squeeze %dma_start3A_241 : memref<1x112x128xf32, #tpu.memory_space<vmem>> -> memref<112x128xf32, #tpu.memory_space<vmem>>
      %dma_start3A_243 = arith.constant 0 : i32
      %dma_start3A_244 = tpu.memref_slice %arg7[%rem3A_56, %dma_start3A_237, %dma_start3A_243] : memref<2x6x112xi32, #tpu.memory_space<vmem>> -> memref<1x1x112xi32, #tpu.memory_space<vmem>>
      %dma_start3A_245 = tpu.memref_squeeze %dma_start3A_244 : memref<1x1x112xi32, #tpu.memory_space<vmem>> -> memref<112xi32, #tpu.memory_space<vmem>>
      %dma_start3A_246 = arith.constant 0 : i32
      %dma_start3A_247 = arith.constant 0 : i32
      %dma_start3A_248 = tpu.memref_slice %arg4[%dma_start3A_246, %dma_start3A_247] : memref<10240x128xf32, #tpu.memory_space<hbm>> -> memref<10240x128xf32, #tpu.memory_space<hbm>>
      tpu.enqueue_indirect_dma source(%dma_start3A_248 : memref<10240x128xf32, #tpu.memory_space<hbm>>) target(%dma_start3A_242 : memref<112x128xf32, #tpu.memory_space<vmem>>) offsets(%dma_start3A_245 : memref<112xi32, #tpu.memory_space<vmem>>) semaphore(%arg13 : memref<!tpu.dma_semaphore, #tpu.memory_space<semaphore_mem>>)
      %dma_wait3A_249 = arith.constant 4 : i32
      %dma_wait3A_250 = arith.constant 1 : i32
      %dma_wait3A_251 = arith.constant 0 : i32
      %dma_wait3A_252 = arith.constant 0 : i32
      %dma_wait3A_253 = tpu.memref_slice %arg9[%dma_wait3A_250, %dma_wait3A_251, %dma_wait3A_252] : memref<3x112x128xf32, #tpu.memory_space<vmem>> -> memref<1x112x128xf32, #tpu.memory_space<vmem>>
      %dma_wait3A_254 = tpu.memref_squeeze %dma_wait3A_253 : memref<1x112x128xf32, #tpu.memory_space<vmem>> -> memref<112x128xf32, #tpu.memory_space<vmem>>
      %dma_wait3A_255 = arith.constant 0 : i32
      %dma_wait3A_256 = tpu.memref_slice %arg7[%rem3A_56, %dma_wait3A_249, %dma_wait3A_255] : memref<2x6x112xi32, #tpu.memory_space<vmem>> -> memref<1x1x112xi32, #tpu.memory_space<vmem>>
      %dma_wait3A_257 = tpu.memref_squeeze %dma_wait3A_256 : memref<1x1x112xi32, #tpu.memory_space<vmem>> -> memref<112xi32, #tpu.memory_space<vmem>>
      %dma_wait3A_258 = arith.constant 0 : i32
      %dma_wait3A_259 = arith.constant 0 : i32
      %dma_wait3A_260 = tpu.memref_slice %arg4[%dma_wait3A_258, %dma_wait3A_259] : memref<10240x128xf32, #tpu.memory_space<hbm>> -> memref<10240x128xf32, #tpu.memory_space<hbm>>
      tpu.wait_indirect_dma semaphore(%arg12 : memref<!tpu.dma_semaphore, #tpu.memory_space<semaphore_mem>>) src(%dma_wait3A_260 : memref<10240x128xf32, #tpu.memory_space<hbm>>) dst(%dma_wait3A_254 : memref<112x128xf32, #tpu.memory_space<vmem>>)
      %dma_start3A_261 = arith.constant 1 : i32
      %dma_start3A_262 = arith.constant 4 : i32
      %dma_start3A_263 = arith.constant 0 : i32
      %dma_start3A_264 = arith.constant 0 : i32
      %dma_start3A_265 = tpu.memref_slice %arg9[%dma_start3A_261, %dma_start3A_263, %dma_start3A_264] : memref<3x112x128xf32, #tpu.memory_space<vmem>> -> memref<1x112x128xf32, #tpu.memory_space<vmem>>
      %dma_start3A_266 = tpu.memref_squeeze %dma_start3A_265 : memref<1x112x128xf32, #tpu.memory_space<vmem>> -> memref<112x128xf32, #tpu.memory_space<vmem>>
      %dma_start3A_267 = arith.constant 0 : i32
      %dma_start3A_268 = tpu.memref_slice %arg8[%rem3A_56, %dma_start3A_262, %dma_start3A_267] : memref<2x6x112xi32, #tpu.memory_space<vmem>> -> memref<1x1x112xi32, #tpu.memory_space<vmem>>
      %dma_start3A_269 = tpu.memref_squeeze %dma_start3A_268 : memref<1x1x112xi32, #tpu.memory_space<vmem>> -> memref<112xi32, #tpu.memory_space<vmem>>
      %dma_start3A_270 = arith.constant 0 : i32
      %dma_start3A_271 = arith.constant 0 : i32
      %dma_start3A_272 = tpu.memref_slice %arg10[%dma_start3A_270, %dma_start3A_271] : memref<10240x128xf32, #tpu.memory_space<vmem_shared>> -> memref<10240x128xf32, #tpu.memory_space<vmem_shared>>
      tpu.enqueue_indirect_dma source(%dma_start3A_266 : memref<112x128xf32, #tpu.memory_space<vmem>>) target(%dma_start3A_272 : memref<10240x128xf32, #tpu.memory_space<vmem_shared>>) offsets(%dma_start3A_269 : memref<112xi32, #tpu.memory_space<vmem>>) semaphore(%arg12 : memref<!tpu.dma_semaphore, #tpu.memory_space<semaphore_mem>>) {add = true}
      %dma_wait3A_273 = arith.constant 0 : i32
      %dma_wait3A_274 = arith.constant 4 : i32
      %dma_wait3A_275 = arith.constant 0 : i32
      %dma_wait3A_276 = arith.constant 0 : i32
      %dma_wait3A_277 = tpu.memref_slice %arg9[%dma_wait3A_273, %dma_wait3A_275, %dma_wait3A_276] : memref<3x112x128xf32, #tpu.memory_space<vmem>> -> memref<1x112x128xf32, #tpu.memory_space<vmem>>
      %dma_wait3A_278 = tpu.memref_squeeze %dma_wait3A_277 : memref<1x112x128xf32, #tpu.memory_space<vmem>> -> memref<112x128xf32, #tpu.memory_space<vmem>>
      %dma_wait3A_279 = arith.constant 0 : i32
      %dma_wait3A_280 = tpu.memref_slice %arg8[%rem3A_56, %dma_wait3A_274, %dma_wait3A_279] : memref<2x6x112xi32, #tpu.memory_space<vmem>> -> memref<1x1x112xi32, #tpu.memory_space<vmem>>
      %dma_wait3A_281 = tpu.memref_squeeze %dma_wait3A_280 : memref<1x1x112xi32, #tpu.memory_space<vmem>> -> memref<112xi32, #tpu.memory_space<vmem>>
      %dma_wait3A_282 = arith.constant 0 : i32
      %dma_wait3A_283 = arith.constant 0 : i32
      %dma_wait3A_284 = tpu.memref_slice %arg10[%dma_wait3A_282, %dma_wait3A_283] : memref<10240x128xf32, #tpu.memory_space<vmem_shared>> -> memref<10240x128xf32, #tpu.memory_space<vmem_shared>>
      tpu.wait_indirect_dma semaphore(%arg11 : memref<!tpu.dma_semaphore, #tpu.memory_space<semaphore_mem>>) src(%dma_wait3A_278 : memref<112x128xf32, #tpu.memory_space<vmem>>) dst(%dma_wait3A_284 : memref<10240x128xf32, #tpu.memory_space<vmem_shared>>)
      %add3A_285 = arith.constant 1 : i32
      %add3A_286 = arith.addi %scan3A_54, %add3A_285 : i32
      %lt3A_287 = arith.constant 15 : i32
      %lt3A_288 = arith.cmpi slt, %add3A_286, %lt3A_287 : i32
      %convert_element_type3A_289 = arith.extui %lt3A_288 : i1 to i32
      %cond3A_290 = arith.constant 0 : i32
      %cond3A_291 = arith.cmpi ne, %convert_element_type3A_289, %cond3A_290 : i32
      scf.if %cond3A_291 {
        %add3A_342 = arith.constant 1 : i32
        %add3A_343 = arith.addi %scan3A_54, %add3A_342 : i32
        %dma_wait3A_344 = arith.constant 0 : i32
        %dma_wait3A_345 = arith.constant 0 : i32
        %dma_wait3A_346 = tpu.memref_slice %arg7[%rem3A_60, %dma_wait3A_344, %dma_wait3A_345] : memref<2x6x112xi32, #tpu.memory_space<vmem>> -> memref<1x6x112xi32, #tpu.memory_space<vmem>>
        %dma_wait3A_347 = tpu.memref_squeeze %dma_wait3A_346 : memref<1x6x112xi32, #tpu.memory_space<vmem>> -> memref<6x112xi32, #tpu.memory_space<vmem>>
        %dma_wait3A_348 = arith.constant 0 : i32
        %dma_wait3A_349 = arith.constant 0 : i32
        %dma_wait3A_350 = tpu.memref_slice %arg2[%add3A, %add3A_343, %dma_wait3A_348, %dma_wait3A_349] : memref<32x15x6x112xi32, #tpu.memory_space<hbm>> -> memref<1x1x6x112xi32, #tpu.memory_space<hbm>>
        %dma_wait3A_351 = tpu.memref_squeeze %dma_wait3A_350 : memref<1x1x6x112xi32, #tpu.memory_space<hbm>> -> memref<6x112xi32, #tpu.memory_space<hbm>>
        %dma_wait3A_352 = arith.constant 0 : i32
        %dma_wait3A_353 = arith.constant 0 : i32
        %dma_wait3A_354 = tpu.memref_slice %arg7[%rem3A_60, %dma_wait3A_352, %dma_wait3A_353] : memref<2x6x112xi32, #tpu.memory_space<vmem>> -> memref<1x6x112xi32, #tpu.memory_space<vmem>>
        %dma_wait3A_355 = tpu.memref_squeeze %dma_wait3A_354 : memref<1x6x112xi32, #tpu.memory_space<vmem>> -> memref<6x112xi32, #tpu.memory_space<vmem>>
        %dma_wait3A_356 = arith.constant 0 : i32
        %dma_wait3A_357 = arith.constant 0 : i32
        %dma_wait3A_358 = tpu.memref_slice %arg2[%add3A, %add3A_343, %dma_wait3A_356, %dma_wait3A_357] : memref<32x15x6x112xi32, #tpu.memory_space<hbm>> -> memref<1x1x6x112xi32, #tpu.memory_space<hbm>>
        %dma_wait3A_359 = tpu.memref_squeeze %dma_wait3A_358 : memref<1x1x6x112xi32, #tpu.memory_space<hbm>> -> memref<6x112xi32, #tpu.memory_space<hbm>>
        tpu.wait_dma2 semaphore(%arg14 : memref<!tpu.dma_semaphore, #tpu.memory_space<semaphore_mem>>) src(%dma_wait3A_359 : memref<6x112xi32, #tpu.memory_space<hbm>>) dst(%dma_wait3A_355 : memref<6x112xi32, #tpu.memory_space<vmem>>)
        %add3A_360 = arith.constant 1 : i32
        %add3A_361 = arith.addi %scan3A_54, %add3A_360 : i32
        %dma_wait3A_362 = arith.constant 0 : i32
        %dma_wait3A_363 = arith.constant 0 : i32
        %dma_wait3A_364 = tpu.memref_slice %arg8[%rem3A_60, %dma_wait3A_362, %dma_wait3A_363] : memref<2x6x112xi32, #tpu.memory_space<vmem>> -> memref<1x6x112xi32, #tpu.memory_space<vmem>>
        %dma_wait3A_365 = tpu.memref_squeeze %dma_wait3A_364 : memref<1x6x112xi32, #tpu.memory_space<vmem>> -> memref<6x112xi32, #tpu.memory_space<vmem>>
        %dma_wait3A_366 = arith.constant 0 : i32
        %dma_wait3A_367 = arith.constant 0 : i32
        %dma_wait3A_368 = tpu.memref_slice %arg3[%add3A, %add3A_361, %dma_wait3A_366, %dma_wait3A_367] : memref<32x15x6x112xi32, #tpu.memory_space<hbm>> -> memref<1x1x6x112xi32, #tpu.memory_space<hbm>>
        %dma_wait3A_369 = tpu.memref_squeeze %dma_wait3A_368 : memref<1x1x6x112xi32, #tpu.memory_space<hbm>> -> memref<6x112xi32, #tpu.memory_space<hbm>>
        %dma_wait3A_370 = arith.constant 0 : i32
        %dma_wait3A_371 = arith.constant 0 : i32
        %dma_wait3A_372 = tpu.memref_slice %arg8[%rem3A_60, %dma_wait3A_370, %dma_wait3A_371] : memref<2x6x112xi32, #tpu.memory_space<vmem>> -> memref<1x6x112xi32, #tpu.memory_space<vmem>>
        %dma_wait3A_373 = tpu.memref_squeeze %dma_wait3A_372 : memref<1x6x112xi32, #tpu.memory_space<vmem>> -> memref<6x112xi32, #tpu.memory_space<vmem>>
        %dma_wait3A_374 = arith.constant 0 : i32
        %dma_wait3A_375 = arith.constant 0 : i32
        %dma_wait3A_376 = tpu.memref_slice %arg3[%add3A, %add3A_361, %dma_wait3A_374, %dma_wait3A_375] : memref<32x15x6x112xi32, #tpu.memory_space<hbm>> -> memref<1x1x6x112xi32, #tpu.memory_space<hbm>>
        %dma_wait3A_377 = tpu.memref_squeeze %dma_wait3A_376 : memref<1x1x6x112xi32, #tpu.memory_space<hbm>> -> memref<6x112xi32, #tpu.memory_space<hbm>>
        tpu.wait_dma2 semaphore(%arg14 : memref<!tpu.dma_semaphore, #tpu.memory_space<semaphore_mem>>) src(%dma_wait3A_377 : memref<6x112xi32, #tpu.memory_space<hbm>>) dst(%dma_wait3A_373 : memref<6x112xi32, #tpu.memory_space<vmem>>)
      } else {
      }
      %add3A_292 = arith.constant 1 : i32
      %add3A_293 = arith.addi %scan3A_54, %add3A_292 : i32
      %lt3A_294 = arith.constant 15 : i32
      %lt3A_295 = arith.cmpi slt, %add3A_293, %lt3A_294 : i32
      %convert_element_type3A_296 = arith.extui %lt3A_295 : i1 to i32
      %cond3A_297 = arith.constant 0 : i32
      %cond3A_298 = arith.cmpi ne, %convert_element_type3A_296, %cond3A_297 : i32
      scf.if %cond3A_298 {
        %dma_start3A_342 = arith.constant 0 : i32
        %dma_start3A_343 = arith.constant 0 : i32
        %dma_start3A_344 = arith.constant 0 : i32
        %dma_start3A_345 = arith.constant 0 : i32
        %dma_start3A_346 = tpu.memref_slice %arg9[%dma_start3A_343, %dma_start3A_344, %dma_start3A_345] : memref<3x112x128xf32, #tpu.memory_space<vmem>> -> memref<1x112x128xf32, #tpu.memory_space<vmem>>
        %dma_start3A_347 = tpu.memref_squeeze %dma_start3A_346 : memref<1x112x128xf32, #tpu.memory_space<vmem>> -> memref<112x128xf32, #tpu.memory_space<vmem>>
        %dma_start3A_348 = arith.constant 0 : i32
        %dma_start3A_349 = tpu.memref_slice %arg7[%rem3A_60, %dma_start3A_342, %dma_start3A_348] : memref<2x6x112xi32, #tpu.memory_space<vmem>> -> memref<1x1x112xi32, #tpu.memory_space<vmem>>
        %dma_start3A_350 = tpu.memref_squeeze %dma_start3A_349 : memref<1x1x112xi32, #tpu.memory_space<vmem>> -> memref<112xi32, #tpu.memory_space<vmem>>
        %dma_start3A_351 = arith.constant 0 : i32
        %dma_start3A_352 = arith.constant 0 : i32
        %dma_start3A_353 = tpu.memref_slice %arg4[%dma_start3A_351, %dma_start3A_352] : memref<10240x128xf32, #tpu.memory_space<hbm>> -> memref<10240x128xf32, #tpu.memory_space<hbm>>
        tpu.enqueue_indirect_dma source(%dma_start3A_353 : memref<10240x128xf32, #tpu.memory_space<hbm>>) target(%dma_start3A_347 : memref<112x128xf32, #tpu.memory_space<vmem>>) offsets(%dma_start3A_350 : memref<112xi32, #tpu.memory_space<vmem>>) semaphore(%arg11 : memref<!tpu.dma_semaphore, #tpu.memory_space<semaphore_mem>>)
      } else {
      }
      %dma_wait3A_299 = arith.constant 5 : i32
      %dma_wait3A_300 = arith.constant 2 : i32
      %dma_wait3A_301 = arith.constant 0 : i32
      %dma_wait3A_302 = arith.constant 0 : i32
      %dma_wait3A_303 = tpu.memref_slice %arg9[%dma_wait3A_300, %dma_wait3A_301, %dma_wait3A_302] : memref<3x112x128xf32, #tpu.memory_space<vmem>> -> memref<1x112x128xf32, #tpu.memory_space<vmem>>
      %dma_wait3A_304 = tpu.memref_squeeze %dma_wait3A_303 : memref<1x112x128xf32, #tpu.memory_space<vmem>> -> memref<112x128xf32, #tpu.memory_space<vmem>>
      %dma_wait3A_305 = arith.constant 0 : i32
      %dma_wait3A_306 = tpu.memref_slice %arg7[%rem3A_56, %dma_wait3A_299, %dma_wait3A_305] : memref<2x6x112xi32, #tpu.memory_space<vmem>> -> memref<1x1x112xi32, #tpu.memory_space<vmem>>
      %dma_wait3A_307 = tpu.memref_squeeze %dma_wait3A_306 : memref<1x1x112xi32, #tpu.memory_space<vmem>> -> memref<112xi32, #tpu.memory_space<vmem>>
      %dma_wait3A_308 = arith.constant 0 : i32
      %dma_wait3A_309 = arith.constant 0 : i32
      %dma_wait3A_310 = tpu.memref_slice %arg4[%dma_wait3A_308, %dma_wait3A_309] : memref<10240x128xf32, #tpu.memory_space<hbm>> -> memref<10240x128xf32, #tpu.memory_space<hbm>>
      tpu.wait_indirect_dma semaphore(%arg13 : memref<!tpu.dma_semaphore, #tpu.memory_space<semaphore_mem>>) src(%dma_wait3A_310 : memref<10240x128xf32, #tpu.memory_space<hbm>>) dst(%dma_wait3A_304 : memref<112x128xf32, #tpu.memory_space<vmem>>)
      %dma_start3A_311 = arith.constant 2 : i32
      %dma_start3A_312 = arith.constant 5 : i32
      %dma_start3A_313 = arith.constant 0 : i32
      %dma_start3A_314 = arith.constant 0 : i32
      %dma_start3A_315 = tpu.memref_slice %arg9[%dma_start3A_311, %dma_start3A_313, %dma_start3A_314] : memref<3x112x128xf32, #tpu.memory_space<vmem>> -> memref<1x112x128xf32, #tpu.memory_space<vmem>>
      %dma_start3A_316 = tpu.memref_squeeze %dma_start3A_315 : memref<1x112x128xf32, #tpu.memory_space<vmem>> -> memref<112x128xf32, #tpu.memory_space<vmem>>
      %dma_start3A_317 = arith.constant 0 : i32
      %dma_start3A_318 = tpu.memref_slice %arg8[%rem3A_56, %dma_start3A_312, %dma_start3A_317] : memref<2x6x112xi32, #tpu.memory_space<vmem>> -> memref<1x1x112xi32, #tpu.memory_space<vmem>>
      %dma_start3A_319 = tpu.memref_squeeze %dma_start3A_318 : memref<1x1x112xi32, #tpu.memory_space<vmem>> -> memref<112xi32, #tpu.memory_space<vmem>>
      %dma_start3A_320 = arith.constant 0 : i32
      %dma_start3A_321 = arith.constant 0 : i32
      %dma_start3A_322 = tpu.memref_slice %arg10[%dma_start3A_320, %dma_start3A_321] : memref<10240x128xf32, #tpu.memory_space<vmem_shared>> -> memref<10240x128xf32, #tpu.memory_space<vmem_shared>>
      tpu.enqueue_indirect_dma source(%dma_start3A_316 : memref<112x128xf32, #tpu.memory_space<vmem>>) target(%dma_start3A_322 : memref<10240x128xf32, #tpu.memory_space<vmem_shared>>) offsets(%dma_start3A_319 : memref<112xi32, #tpu.memory_space<vmem>>) semaphore(%arg13 : memref<!tpu.dma_semaphore, #tpu.memory_space<semaphore_mem>>) {add = true}
      %dma_wait3A_323 = arith.constant 1 : i32
      %dma_wait3A_324 = arith.constant 5 : i32
      %dma_wait3A_325 = arith.constant 0 : i32
      %dma_wait3A_326 = arith.constant 0 : i32
      %dma_wait3A_327 = tpu.memref_slice %arg9[%dma_wait3A_323, %dma_wait3A_325, %dma_wait3A_326] : memref<3x112x128xf32, #tpu.memory_space<vmem>> -> memref<1x112x128xf32, #tpu.memory_space<vmem>>
      %dma_wait3A_328 = tpu.memref_squeeze %dma_wait3A_327 : memref<1x112x128xf32, #tpu.memory_space<vmem>> -> memref<112x128xf32, #tpu.memory_space<vmem>>
      %dma_wait3A_329 = arith.constant 0 : i32
      %dma_wait3A_330 = tpu.memref_slice %arg8[%rem3A_56, %dma_wait3A_324, %dma_wait3A_329] : memref<2x6x112xi32, #tpu.memory_space<vmem>> -> memref<1x1x112xi32, #tpu.memory_space<vmem>>
      %dma_wait3A_331 = tpu.memref_squeeze %dma_wait3A_330 : memref<1x1x112xi32, #tpu.memory_space<vmem>> -> memref<112xi32, #tpu.memory_space<vmem>>
      %dma_wait3A_332 = arith.constant 0 : i32
      %dma_wait3A_333 = arith.constant 0 : i32
      %dma_wait3A_334 = tpu.memref_slice %arg10[%dma_wait3A_332, %dma_wait3A_333] : memref<10240x128xf32, #tpu.memory_space<vmem_shared>> -> memref<10240x128xf32, #tpu.memory_space<vmem_shared>>
      tpu.wait_indirect_dma semaphore(%arg12 : memref<!tpu.dma_semaphore, #tpu.memory_space<semaphore_mem>>) src(%dma_wait3A_328 : memref<112x128xf32, #tpu.memory_space<vmem>>) dst(%dma_wait3A_334 : memref<10240x128xf32, #tpu.memory_space<vmem_shared>>)
      %add3A_335 = arith.constant 1 : i32
      %add3A_336 = arith.addi %scan3A_54, %add3A_335 : i32
      %lt3A_337 = arith.constant 15 : i32
      %lt3A_338 = arith.cmpi slt, %add3A_336, %lt3A_337 : i32
      %convert_element_type3A_339 = arith.extui %lt3A_338 : i1 to i32
      %cond3A_340 = arith.constant 0 : i32
      %cond3A_341 = arith.cmpi ne, %convert_element_type3A_339, %cond3A_340 : i32
      scf.if %cond3A_341 {
        %dma_start3A_342 = arith.constant 1 : i32
        %dma_start3A_343 = arith.constant 1 : i32
        %dma_start3A_344 = arith.constant 0 : i32
        %dma_start3A_345 = arith.constant 0 : i32
        %dma_start3A_346 = tpu.memref_slice %arg9[%dma_start3A_343, %dma_start3A_344, %dma_start3A_345] : memref<3x112x128xf32, #tpu.memory_space<vmem>> -> memref<1x112x128xf32, #tpu.memory_space<vmem>>
        %dma_start3A_347 = tpu.memref_squeeze %dma_start3A_346 : memref<1x112x128xf32, #tpu.memory_space<vmem>> -> memref<112x128xf32, #tpu.memory_space<vmem>>
        %dma_start3A_348 = arith.constant 0 : i32
        %dma_start3A_349 = tpu.memref_slice %arg7[%rem3A_60, %dma_start3A_342, %dma_start3A_348] : memref<2x6x112xi32, #tpu.memory_space<vmem>> -> memref<1x1x112xi32, #tpu.memory_space<vmem>>
        %dma_start3A_350 = tpu.memref_squeeze %dma_start3A_349 : memref<1x1x112xi32, #tpu.memory_space<vmem>> -> memref<112xi32, #tpu.memory_space<vmem>>
        %dma_start3A_351 = arith.constant 0 : i32
        %dma_start3A_352 = arith.constant 0 : i32
        %dma_start3A_353 = tpu.memref_slice %arg4[%dma_start3A_351, %dma_start3A_352] : memref<10240x128xf32, #tpu.memory_space<hbm>> -> memref<10240x128xf32, #tpu.memory_space<hbm>>
        tpu.enqueue_indirect_dma source(%dma_start3A_353 : memref<10240x128xf32, #tpu.memory_space<hbm>>) target(%dma_start3A_347 : memref<112x128xf32, #tpu.memory_space<vmem>>) offsets(%dma_start3A_350 : memref<112xi32, #tpu.memory_space<vmem>>) semaphore(%arg12 : memref<!tpu.dma_semaphore, #tpu.memory_space<semaphore_mem>>)
      } else {
      }
    }
    %scan3A_35 = arith.constant 15 : i32
    %rem3A = arith.constant 14 : i32
    %rem3A_36 = arith.constant 2 : i32
    %rem3A_37 = arith.remsi %rem3A, %rem3A_36 : i32
    %dma_wait3A = arith.constant 2 : i32
    %dma_wait3A_38 = arith.constant 5 : i32
    %dma_wait3A_39 = arith.constant 0 : i32
    %dma_wait3A_40 = arith.constant 0 : i32
    %dma_wait3A_41 = tpu.memref_slice %arg9[%dma_wait3A, %dma_wait3A_39, %dma_wait3A_40] : memref<3x112x128xf32, #tpu.memory_space<vmem>> -> memref<1x112x128xf32, #tpu.memory_space<vmem>>
    %dma_wait3A_42 = tpu.memref_squeeze %dma_wait3A_41 : memref<1x112x128xf32, #tpu.memory_space<vmem>> -> memref<112x128xf32, #tpu.memory_space<vmem>>
    %dma_wait3A_43 = arith.constant 0 : i32
    %dma_wait3A_44 = tpu.memref_slice %arg8[%rem3A_37, %dma_wait3A_38, %dma_wait3A_43] : memref<2x6x112xi32, #tpu.memory_space<vmem>> -> memref<1x1x112xi32, #tpu.memory_space<vmem>>
    %dma_wait3A_45 = tpu.memref_squeeze %dma_wait3A_44 : memref<1x1x112xi32, #tpu.memory_space<vmem>> -> memref<112xi32, #tpu.memory_space<vmem>>
    %dma_wait3A_46 = arith.constant 0 : i32
    %dma_wait3A_47 = arith.constant 0 : i32
    %dma_wait3A_48 = tpu.memref_slice %arg10[%dma_wait3A_46, %dma_wait3A_47] : memref<10240x128xf32, #tpu.memory_space<vmem_shared>> -> memref<10240x128xf32, #tpu.memory_space<vmem_shared>>
    tpu.wait_indirect_dma semaphore(%arg13 : memref<!tpu.dma_semaphore, #tpu.memory_space<semaphore_mem>>) src(%dma_wait3A_42 : memref<112x128xf32, #tpu.memory_space<vmem>>) dst(%dma_wait3A_48 : memref<10240x128xf32, #tpu.memory_space<vmem_shared>>)
    %barrier3A_49 = arith.constant 0 : index
    tpu.barrier barrier_id(%barrier3A_49)
    %mul3A_50 = arith.constant 640 : i32
    %mul3A_51 = arith.muli %arg1, %mul3A_50 : i32
    %mul3A_52 = arith.constant 640 : i32
    %mul3A_53 = arith.muli %arg1, %mul3A_52 : i32
    "tpu.region"() ({
      %run_scoped3A_54 = tpu.sem_alloc : memref<!tpu.dma_semaphore, #tpu.memory_space<semaphore_mem>>
      %dma_start3A_55 = arith.constant 0 : i32
      %dma_start3A_56 = tpu.memref_slice %arg6[%arg0, %mul3A_53, %dma_start3A_55] : memref<2x10240x128xf32, #tpu.memory_space<hbm>> -> memref<1x640x128xf32, #tpu.memory_space<hbm>>
      %dma_start3A_57 = tpu.memref_squeeze %dma_start3A_56 : memref<1x640x128xf32, #tpu.memory_space<hbm>> -> memref<640x128xf32, #tpu.memory_space<hbm>>
      %dma_start3A_58 = arith.constant 0 : i32
      %dma_start3A_59 = tpu.memref_slice %arg10[%mul3A_51, %dma_start3A_58] : memref<10240x128xf32, #tpu.memory_space<vmem_shared>> -> memref<640x128xf32, #tpu.memory_space<vmem_shared>>
      tpu.enqueue_dma source(%dma_start3A_59 : memref<640x128xf32, #tpu.memory_space<vmem_shared>>) target(%dma_start3A_57 : memref<640x128xf32, #tpu.memory_space<hbm>>) target_semaphore(%run_scoped3A_54 : memref<!tpu.dma_semaphore, #tpu.memory_space<semaphore_mem>>)
      %dma_wait3A_60 = arith.constant 0 : i32
      %dma_wait3A_61 = tpu.memref_slice %arg6[%arg0, %mul3A_53, %dma_wait3A_60] : memref<2x10240x128xf32, #tpu.memory_space<hbm>> -> memref<1x640x128xf32, #tpu.memory_space<hbm>>
      %dma_wait3A_62 = tpu.memref_squeeze %dma_wait3A_61 : memref<1x640x128xf32, #tpu.memory_space<hbm>> -> memref<640x128xf32, #tpu.memory_space<hbm>>
      %dma_wait3A_63 = arith.constant 0 : i32
      %dma_wait3A_64 = tpu.memref_slice %arg10[%mul3A_51, %dma_wait3A_63] : memref<10240x128xf32, #tpu.memory_space<vmem_shared>> -> memref<640x128xf32, #tpu.memory_space<vmem_shared>>
      tpu.wait_dma2 semaphore(%run_scoped3A_54 : memref<!tpu.dma_semaphore, #tpu.memory_space<semaphore_mem>>) src(%dma_wait3A_64 : memref<640x128xf32, #tpu.memory_space<vmem_shared>>) dst(%dma_wait3A_62 : memref<640x128xf32, #tpu.memory_space<hbm>>)
      tpu.yield
    }) : () -> ()
    return
  }
}

#map = affine_map<(d0, d1) -> (0, 0, 0)>
#map1 = affine_map<(d0, d1) -> (0, 0)>
module attributes {stable_mosaic.version = 14 : i64} {
  func.func @sc_counts(%arg0: i32, %arg1: i32, %arg2: memref<32x80x128xi32, #tpu.memory_space<hbm>>, %arg3: memref<640x128xf32, #tpu.memory_space<hbm>>, %arg4: memref<128x128xf32, #tpu.memory_space<hbm>>, %arg5: memref<2x10240x128xf32, #tpu.memory_space<hbm>>, %arg6: memref<80x128xi32, #tpu.memory_space<vmem>>, %arg7: memref<128x128xf32, #tpu.memory_space<vmem>>, %arg8: memref<10240x128xf32, #tpu.memory_space<vmem_shared>>, %arg9: memref<!tpu.dma_semaphore, #tpu.memory_space<semaphore_mem>>) attributes {dimension_semantics = [#tpu.dimension_semantics<core_parallel>, #tpu.dimension_semantics<subcore_parallel>], iteration_bounds = array<i64: 2, 16>, scalar_prefetch = 0 : i64, scratch_operands = 4 : i64, tpu.core_type = #tpu.core_type<sc_vector_subcore>, window_params = [{transform_indices = #map}, {transform_indices = #map1}, {transform_indices = #map1}, {transform_indices = #map}]} {
    %mul3A = arith.constant 16 : i32
    %mul3A_0 = arith.muli %arg0, %mul3A : i32
    %add3A = arith.addi %mul3A_0, %arg1 : i32
    "tpu.region"() ({
      %run_scoped3A = tpu.sem_alloc : memref<!tpu.dma_semaphore, #tpu.memory_space<semaphore_mem>>
      %dma_start3A = arith.constant 0 : i32
      %dma_start3A_13 = arith.constant 0 : i32
      %dma_start3A_14 = tpu.memref_slice %arg2[%add3A, %dma_start3A, %dma_start3A_13] : memref<32x80x128xi32, #tpu.memory_space<hbm>> -> memref<1x80x128xi32, #tpu.memory_space<hbm>>
      %dma_start3A_15 = tpu.memref_squeeze %dma_start3A_14 : memref<1x80x128xi32, #tpu.memory_space<hbm>> -> memref<80x128xi32, #tpu.memory_space<hbm>>
      %dma_start3A_16 = arith.constant 0 : i32
      %dma_start3A_17 = arith.constant 0 : i32
      %dma_start3A_18 = tpu.memref_slice %arg2[%add3A, %dma_start3A_16, %dma_start3A_17] : memref<32x80x128xi32, #tpu.memory_space<hbm>> -> memref<1x80x128xi32, #tpu.memory_space<hbm>>
      %dma_start3A_19 = tpu.memref_squeeze %dma_start3A_18 : memref<1x80x128xi32, #tpu.memory_space<hbm>> -> memref<80x128xi32, #tpu.memory_space<hbm>>
      tpu.enqueue_dma source(%dma_start3A_19 : memref<80x128xi32, #tpu.memory_space<hbm>>) target(%arg6 : memref<80x128xi32, #tpu.memory_space<vmem>>) target_semaphore(%run_scoped3A : memref<!tpu.dma_semaphore, #tpu.memory_space<semaphore_mem>>)
      %dma_wait3A = arith.constant 0 : i32
      %dma_wait3A_20 = arith.constant 0 : i32
      %dma_wait3A_21 = tpu.memref_slice %arg2[%add3A, %dma_wait3A, %dma_wait3A_20] : memref<32x80x128xi32, #tpu.memory_space<hbm>> -> memref<1x80x128xi32, #tpu.memory_space<hbm>>
      %dma_wait3A_22 = tpu.memref_squeeze %dma_wait3A_21 : memref<1x80x128xi32, #tpu.memory_space<hbm>> -> memref<80x128xi32, #tpu.memory_space<hbm>>
      %dma_wait3A_23 = arith.constant 0 : i32
      %dma_wait3A_24 = arith.constant 0 : i32
      %dma_wait3A_25 = tpu.memref_slice %arg2[%add3A, %dma_wait3A_23, %dma_wait3A_24] : memref<32x80x128xi32, #tpu.memory_space<hbm>> -> memref<1x80x128xi32, #tpu.memory_space<hbm>>
      %dma_wait3A_26 = tpu.memref_squeeze %dma_wait3A_25 : memref<1x80x128xi32, #tpu.memory_space<hbm>> -> memref<80x128xi32, #tpu.memory_space<hbm>>
      tpu.wait_dma2 semaphore(%run_scoped3A : memref<!tpu.dma_semaphore, #tpu.memory_space<semaphore_mem>>) src(%dma_wait3A_26 : memref<80x128xi32, #tpu.memory_space<hbm>>) dst(%arg6 : memref<80x128xi32, #tpu.memory_space<vmem>>)
      tpu.yield
    }) : () -> ()
    "tpu.region"() ({
      %run_scoped3A = tpu.sem_alloc : memref<!tpu.dma_semaphore, #tpu.memory_space<semaphore_mem>>
      tpu.enqueue_dma source(%arg4 : memref<128x128xf32, #tpu.memory_space<hbm>>) target(%arg7 : memref<128x128xf32, #tpu.memory_space<vmem>>) target_semaphore(%run_scoped3A : memref<!tpu.dma_semaphore, #tpu.memory_space<semaphore_mem>>)
      tpu.wait_dma2 semaphore(%run_scoped3A : memref<!tpu.dma_semaphore, #tpu.memory_space<semaphore_mem>>) src(%arg4 : memref<128x128xf32, #tpu.memory_space<hbm>>) dst(%arg7 : memref<128x128xf32, #tpu.memory_space<vmem>>)
      tpu.yield
    }) : () -> ()
    %mul3A_1 = arith.constant 640 : i32
    %mul3A_2 = arith.muli %arg1, %mul3A_1 : i32
    "tpu.region"() ({
      %run_scoped3A = tpu.sem_alloc : memref<!tpu.dma_semaphore, #tpu.memory_space<semaphore_mem>>
      %dma_start3A = arith.constant 0 : i32
      %dma_start3A_13 = tpu.memref_slice %arg8[%mul3A_2, %dma_start3A] : memref<10240x128xf32, #tpu.memory_space<vmem_shared>> -> memref<640x128xf32, #tpu.memory_space<vmem_shared>>
      tpu.enqueue_dma source(%arg3 : memref<640x128xf32, #tpu.memory_space<hbm>>) target(%dma_start3A_13 : memref<640x128xf32, #tpu.memory_space<vmem_shared>>) target_semaphore(%run_scoped3A : memref<!tpu.dma_semaphore, #tpu.memory_space<semaphore_mem>>)
      %dma_wait3A = arith.constant 0 : i32
      %dma_wait3A_14 = tpu.memref_slice %arg8[%mul3A_2, %dma_wait3A] : memref<10240x128xf32, #tpu.memory_space<vmem_shared>> -> memref<640x128xf32, #tpu.memory_space<vmem_shared>>
      tpu.wait_dma2 semaphore(%run_scoped3A : memref<!tpu.dma_semaphore, #tpu.memory_space<semaphore_mem>>) src(%arg3 : memref<640x128xf32, #tpu.memory_space<hbm>>) dst(%dma_wait3A_14 : memref<640x128xf32, #tpu.memory_space<vmem_shared>>)
      tpu.yield
    }) : () -> ()
    %barrier3A = arith.constant 0 : index
    tpu.barrier barrier_id(%barrier3A)
    %scan3A = arith.constant 0 : i32
    %scan3A_3 = arith.constant 0 : i32
    %scan3A_4 = arith.constant 20 : i32
    %scan3A_5 = arith.addi %scan3A_3, %scan3A_4 : i32
    %scan3A_6 = arith.constant 1 : i32
    scf.for %scan3A_13 = %scan3A_3 to %scan3A_5 step %scan3A_6  : i32 {
      %mul3A_14 = arith.constant 4 : i32
      %mul3A_15 = arith.muli %scan3A_13, %mul3A_14 : i32
      %add3A_16 = arith.constant 0 : i32
      %add3A_17 = arith.addi %mul3A_15, %add3A_16 : i32
      %dma_start3A = arith.constant 0 : i32
      %dma_start3A_18 = tpu.memref_slice %arg6[%add3A_17, %dma_start3A] : memref<80x128xi32, #tpu.memory_space<vmem>> -> memref<1x128xi32, #tpu.memory_space<vmem>>
      %dma_start3A_19 = tpu.memref_squeeze %dma_start3A_18 : memref<1x128xi32, #tpu.memory_space<vmem>> -> memref<128xi32, #tpu.memory_space<vmem>>
      %dma_start3A_20 = arith.constant 0 : i32
      %dma_start3A_21 = arith.constant 0 : i32
      %dma_start3A_22 = tpu.memref_slice %arg8[%dma_start3A_20, %dma_start3A_21] : memref<10240x128xf32, #tpu.memory_space<vmem_shared>> -> memref<10240x128xf32, #tpu.memory_space<vmem_shared>>
      tpu.enqueue_indirect_dma source(%arg7 : memref<128x128xf32, #tpu.memory_space<vmem>>) target(%dma_start3A_22 : memref<10240x128xf32, #tpu.memory_space<vmem_shared>>) offsets(%dma_start3A_19 : memref<128xi32, #tpu.memory_space<vmem>>) semaphore(%arg9 : memref<!tpu.dma_semaphore, #tpu.memory_space<semaphore_mem>>) {add = true}
      %add3A_23 = arith.constant 1 : i32
      %add3A_24 = arith.addi %mul3A_15, %add3A_23 : i32
      %dma_start3A_25 = arith.constant 0 : i32
      %dma_start3A_26 = tpu.memref_slice %arg6[%add3A_24, %dma_start3A_25] : memref<80x128xi32, #tpu.memory_space<vmem>> -> memref<1x128xi32, #tpu.memory_space<vmem>>
      %dma_start3A_27 = tpu.memref_squeeze %dma_start3A_26 : memref<1x128xi32, #tpu.memory_space<vmem>> -> memref<128xi32, #tpu.memory_space<vmem>>
      %dma_start3A_28 = arith.constant 0 : i32
      %dma_start3A_29 = arith.constant 0 : i32
      %dma_start3A_30 = tpu.memref_slice %arg8[%dma_start3A_28, %dma_start3A_29] : memref<10240x128xf32, #tpu.memory_space<vmem_shared>> -> memref<10240x128xf32, #tpu.memory_space<vmem_shared>>
      tpu.enqueue_indirect_dma source(%arg7 : memref<128x128xf32, #tpu.memory_space<vmem>>) target(%dma_start3A_30 : memref<10240x128xf32, #tpu.memory_space<vmem_shared>>) offsets(%dma_start3A_27 : memref<128xi32, #tpu.memory_space<vmem>>) semaphore(%arg9 : memref<!tpu.dma_semaphore, #tpu.memory_space<semaphore_mem>>) {add = true}
      %add3A_31 = arith.constant 2 : i32
      %add3A_32 = arith.addi %mul3A_15, %add3A_31 : i32
      %dma_start3A_33 = arith.constant 0 : i32
      %dma_start3A_34 = tpu.memref_slice %arg6[%add3A_32, %dma_start3A_33] : memref<80x128xi32, #tpu.memory_space<vmem>> -> memref<1x128xi32, #tpu.memory_space<vmem>>
      %dma_start3A_35 = tpu.memref_squeeze %dma_start3A_34 : memref<1x128xi32, #tpu.memory_space<vmem>> -> memref<128xi32, #tpu.memory_space<vmem>>
      %dma_start3A_36 = arith.constant 0 : i32
      %dma_start3A_37 = arith.constant 0 : i32
      %dma_start3A_38 = tpu.memref_slice %arg8[%dma_start3A_36, %dma_start3A_37] : memref<10240x128xf32, #tpu.memory_space<vmem_shared>> -> memref<10240x128xf32, #tpu.memory_space<vmem_shared>>
      tpu.enqueue_indirect_dma source(%arg7 : memref<128x128xf32, #tpu.memory_space<vmem>>) target(%dma_start3A_38 : memref<10240x128xf32, #tpu.memory_space<vmem_shared>>) offsets(%dma_start3A_35 : memref<128xi32, #tpu.memory_space<vmem>>) semaphore(%arg9 : memref<!tpu.dma_semaphore, #tpu.memory_space<semaphore_mem>>) {add = true}
      %add3A_39 = arith.constant 3 : i32
      %add3A_40 = arith.addi %mul3A_15, %add3A_39 : i32
      %dma_start3A_41 = arith.constant 0 : i32
      %dma_start3A_42 = tpu.memref_slice %arg6[%add3A_40, %dma_start3A_41] : memref<80x128xi32, #tpu.memory_space<vmem>> -> memref<1x128xi32, #tpu.memory_space<vmem>>
      %dma_start3A_43 = tpu.memref_squeeze %dma_start3A_42 : memref<1x128xi32, #tpu.memory_space<vmem>> -> memref<128xi32, #tpu.memory_space<vmem>>
      %dma_start3A_44 = arith.constant 0 : i32
      %dma_start3A_45 = arith.constant 0 : i32
      %dma_start3A_46 = tpu.memref_slice %arg8[%dma_start3A_44, %dma_start3A_45] : memref<10240x128xf32, #tpu.memory_space<vmem_shared>> -> memref<10240x128xf32, #tpu.memory_space<vmem_shared>>
      tpu.enqueue_indirect_dma source(%arg7 : memref<128x128xf32, #tpu.memory_space<vmem>>) target(%dma_start3A_46 : memref<10240x128xf32, #tpu.memory_space<vmem_shared>>) offsets(%dma_start3A_43 : memref<128xi32, #tpu.memory_space<vmem>>) semaphore(%arg9 : memref<!tpu.dma_semaphore, #tpu.memory_space<semaphore_mem>>) {add = true}
      %dma_wait3A = arith.constant 0 : i32
      %dma_wait3A_47 = tpu.memref_slice %arg6[%add3A_17, %dma_wait3A] : memref<80x128xi32, #tpu.memory_space<vmem>> -> memref<1x128xi32, #tpu.memory_space<vmem>>
      %dma_wait3A_48 = tpu.memref_squeeze %dma_wait3A_47 : memref<1x128xi32, #tpu.memory_space<vmem>> -> memref<128xi32, #tpu.memory_space<vmem>>
      %dma_wait3A_49 = arith.constant 0 : i32
      %dma_wait3A_50 = arith.constant 0 : i32
      %dma_wait3A_51 = tpu.memref_slice %arg8[%dma_wait3A_49, %dma_wait3A_50] : memref<10240x128xf32, #tpu.memory_space<vmem_shared>> -> memref<10240x128xf32, #tpu.memory_space<vmem_shared>>
      tpu.wait_indirect_dma semaphore(%arg9 : memref<!tpu.dma_semaphore, #tpu.memory_space<semaphore_mem>>) src(%arg7 : memref<128x128xf32, #tpu.memory_space<vmem>>) dst(%dma_wait3A_51 : memref<10240x128xf32, #tpu.memory_space<vmem_shared>>)
      %dma_wait3A_52 = arith.constant 0 : i32
      %dma_wait3A_53 = tpu.memref_slice %arg6[%add3A_24, %dma_wait3A_52] : memref<80x128xi32, #tpu.memory_space<vmem>> -> memref<1x128xi32, #tpu.memory_space<vmem>>
      %dma_wait3A_54 = tpu.memref_squeeze %dma_wait3A_53 : memref<1x128xi32, #tpu.memory_space<vmem>> -> memref<128xi32, #tpu.memory_space<vmem>>
      %dma_wait3A_55 = arith.constant 0 : i32
      %dma_wait3A_56 = arith.constant 0 : i32
      %dma_wait3A_57 = tpu.memref_slice %arg8[%dma_wait3A_55, %dma_wait3A_56] : memref<10240x128xf32, #tpu.memory_space<vmem_shared>> -> memref<10240x128xf32, #tpu.memory_space<vmem_shared>>
      tpu.wait_indirect_dma semaphore(%arg9 : memref<!tpu.dma_semaphore, #tpu.memory_space<semaphore_mem>>) src(%arg7 : memref<128x128xf32, #tpu.memory_space<vmem>>) dst(%dma_wait3A_57 : memref<10240x128xf32, #tpu.memory_space<vmem_shared>>)
      %dma_wait3A_58 = arith.constant 0 : i32
      %dma_wait3A_59 = tpu.memref_slice %arg6[%add3A_32, %dma_wait3A_58] : memref<80x128xi32, #tpu.memory_space<vmem>> -> memref<1x128xi32, #tpu.memory_space<vmem>>
      %dma_wait3A_60 = tpu.memref_squeeze %dma_wait3A_59 : memref<1x128xi32, #tpu.memory_space<vmem>> -> memref<128xi32, #tpu.memory_space<vmem>>
      %dma_wait3A_61 = arith.constant 0 : i32
      %dma_wait3A_62 = arith.constant 0 : i32
      %dma_wait3A_63 = tpu.memref_slice %arg8[%dma_wait3A_61, %dma_wait3A_62] : memref<10240x128xf32, #tpu.memory_space<vmem_shared>> -> memref<10240x128xf32, #tpu.memory_space<vmem_shared>>
      tpu.wait_indirect_dma semaphore(%arg9 : memref<!tpu.dma_semaphore, #tpu.memory_space<semaphore_mem>>) src(%arg7 : memref<128x128xf32, #tpu.memory_space<vmem>>) dst(%dma_wait3A_63 : memref<10240x128xf32, #tpu.memory_space<vmem_shared>>)
      %dma_wait3A_64 = arith.constant 0 : i32
      %dma_wait3A_65 = tpu.memref_slice %arg6[%add3A_40, %dma_wait3A_64] : memref<80x128xi32, #tpu.memory_space<vmem>> -> memref<1x128xi32, #tpu.memory_space<vmem>>
      %dma_wait3A_66 = tpu.memref_squeeze %dma_wait3A_65 : memref<1x128xi32, #tpu.memory_space<vmem>> -> memref<128xi32, #tpu.memory_space<vmem>>
      %dma_wait3A_67 = arith.constant 0 : i32
      %dma_wait3A_68 = arith.constant 0 : i32
      %dma_wait3A_69 = tpu.memref_slice %arg8[%dma_wait3A_67, %dma_wait3A_68] : memref<10240x128xf32, #tpu.memory_space<vmem_shared>> -> memref<10240x128xf32, #tpu.memory_space<vmem_shared>>
      tpu.wait_indirect_dma semaphore(%arg9 : memref<!tpu.dma_semaphore, #tpu.memory_space<semaphore_mem>>) src(%arg7 : memref<128x128xf32, #tpu.memory_space<vmem>>) dst(%dma_wait3A_69 : memref<10240x128xf32, #tpu.memory_space<vmem_shared>>)
    }
    %scan3A_7 = arith.constant 20 : i32
    %barrier3A_8 = arith.constant 0 : index
    tpu.barrier barrier_id(%barrier3A_8)
    %mul3A_9 = arith.constant 640 : i32
    %mul3A_10 = arith.muli %arg1, %mul3A_9 : i32
    %mul3A_11 = arith.constant 640 : i32
    %mul3A_12 = arith.muli %arg1, %mul3A_11 : i32
    "tpu.region"() ({
      %run_scoped3A = tpu.sem_alloc : memref<!tpu.dma_semaphore, #tpu.memory_space<semaphore_mem>>
      %dma_start3A = arith.constant 0 : i32
      %dma_start3A_13 = tpu.memref_slice %arg5[%arg0, %mul3A_12, %dma_start3A] : memref<2x10240x128xf32, #tpu.memory_space<hbm>> -> memref<1x640x128xf32, #tpu.memory_space<hbm>>
      %dma_start3A_14 = tpu.memref_squeeze %dma_start3A_13 : memref<1x640x128xf32, #tpu.memory_space<hbm>> -> memref<640x128xf32, #tpu.memory_space<hbm>>
      %dma_start3A_15 = arith.constant 0 : i32
      %dma_start3A_16 = tpu.memref_slice %arg8[%mul3A_10, %dma_start3A_15] : memref<10240x128xf32, #tpu.memory_space<vmem_shared>> -> memref<640x128xf32, #tpu.memory_space<vmem_shared>>
      tpu.enqueue_dma source(%dma_start3A_16 : memref<640x128xf32, #tpu.memory_space<vmem_shared>>) target(%dma_start3A_14 : memref<640x128xf32, #tpu.memory_space<hbm>>) target_semaphore(%run_scoped3A : memref<!tpu.dma_semaphore, #tpu.memory_space<semaphore_mem>>)
      %dma_wait3A = arith.constant 0 : i32
      %dma_wait3A_17 = tpu.memref_slice %arg5[%arg0, %mul3A_12, %dma_wait3A] : memref<2x10240x128xf32, #tpu.memory_space<hbm>> -> memref<1x640x128xf32, #tpu.memory_space<hbm>>
      %dma_wait3A_18 = tpu.memref_squeeze %dma_wait3A_17 : memref<1x640x128xf32, #tpu.memory_space<hbm>> -> memref<640x128xf32, #tpu.memory_space<hbm>>
      %dma_wait3A_19 = arith.constant 0 : i32
      %dma_wait3A_20 = tpu.memref_slice %arg8[%mul3A_10, %dma_wait3A_19] : memref<10240x128xf32, #tpu.memory_space<vmem_shared>> -> memref<640x128xf32, #tpu.memory_space<vmem_shared>>
      tpu.wait_dma2 semaphore(%run_scoped3A : memref<!tpu.dma_semaphore, #tpu.memory_space<semaphore_mem>>) src(%dma_wait3A_20 : memref<640x128xf32, #tpu.memory_space<vmem_shared>>) dst(%dma_wait3A_18 : memref<640x128xf32, #tpu.memory_space<hbm>>)
      tpu.yield
    }) : () -> ()
    return
  }
}

#map = affine_map<(d0, d1) -> (0, 0, 0, 0)>
#map1 = affine_map<(d0, d1) -> (0, 0)>
#map2 = affine_map<(d0, d1) -> (0, 0, 0)>
module attributes {stable_mosaic.version = 14 : i64} {
  func.func @sc_pass(%arg0: i32, %arg1: i32, %arg2: memref<32x15x6x112xi32, #tpu.memory_space<hbm>>, %arg3: memref<32x15x6x112xi32, #tpu.memory_space<hbm>>, %arg4: memref<10240x128xf32, #tpu.memory_space<hbm>>, %arg5: memref<640x128xf32, #tpu.memory_space<hbm>>, %arg6: memref<2x10240x128xf32, #tpu.memory_space<hbm>>, %arg7: memref<2x6x112xi32, #tpu.memory_space<vmem>>, %arg8: memref<2x6x112xi32, #tpu.memory_space<vmem>>, %arg9: memref<3x112x128xf32, #tpu.memory_space<vmem>>, %arg10: memref<10240x128xf32, #tpu.memory_space<vmem_shared>>, %arg11: memref<!tpu.dma_semaphore, #tpu.memory_space<semaphore_mem>>, %arg12: memref<!tpu.dma_semaphore, #tpu.memory_space<semaphore_mem>>, %arg13: memref<!tpu.dma_semaphore, #tpu.memory_space<semaphore_mem>>, %arg14: memref<!tpu.dma_semaphore, #tpu.memory_space<semaphore_mem>>) attributes {dimension_semantics = [#tpu.dimension_semantics<core_parallel>, #tpu.dimension_semantics<subcore_parallel>], iteration_bounds = array<i64: 2, 16>, scalar_prefetch = 0 : i64, scratch_operands = 8 : i64, tpu.core_type = #tpu.core_type<sc_vector_subcore>, window_params = [{transform_indices = #map}, {transform_indices = #map}, {transform_indices = #map1}, {transform_indices = #map1}, {transform_indices = #map2}]} {
    %mul3A = arith.constant 16 : i32
    %mul3A_0 = arith.muli %arg0, %mul3A : i32
    %add3A = arith.addi %mul3A_0, %arg1 : i32
    %run_scoped3A = arith.constant 0 : i32
    %run_scoped3A_1 = arith.constant 0 : i32
    "tpu.region"() ({
      %run_scoped3A_54 = tpu.sem_alloc : memref<!tpu.dma_semaphore, #tpu.memory_space<semaphore_mem>>
      %dma_start3A_55 = arith.constant 0 : i32
      %dma_start3A_56 = arith.constant 0 : i32
      %dma_start3A_57 = tpu.memref_slice %arg7[%run_scoped3A_1, %dma_start3A_55, %dma_start3A_56] : memref<2x6x112xi32, #tpu.memory_space<vmem>> -> memref<1x6x112xi32, #tpu.memory_space<vmem>>
      %dma_start3A_58 = tpu.memref_squeeze %dma_start3A_57 : memref<1x6x112xi32, #tpu.memory_space<vmem>> -> memref<6x112xi32, #tpu.memory_space<vmem>>
      %dma_start3A_59 = arith.constant 0 : i32
      %dma_start3A_60 = arith.constant 0 : i32
      %dma_start3A_61 = tpu.memref_slice %arg2[%add3A, %run_scoped3A, %dma_start3A_59, %dma_start3A_60] : memref<32x15x6x112xi32, #tpu.memory_space<hbm>> -> memref<1x1x6x112xi32, #tpu.memory_space<hbm>>
      %dma_start3A_62 = tpu.memref_squeeze %dma_start3A_61 : memref<1x1x6x112xi32, #tpu.memory_space<hbm>> -> memref<6x112xi32, #tpu.memory_space<hbm>>
      %dma_start3A_63 = arith.constant 0 : i32
      %dma_start3A_64 = arith.constant 0 : i32
      %dma_start3A_65 = tpu.memref_slice %arg7[%run_scoped3A_1, %dma_start3A_63, %dma_start3A_64] : memref<2x6x112xi32, #tpu.memory_space<vmem>> -> memref<1x6x112xi32, #tpu.memory_space<vmem>>
      %dma_start3A_66 = tpu.memref_squeeze %dma_start3A_65 : memref<1x6x112xi32, #tpu.memory_space<vmem>> -> memref<6x112xi32, #tpu.memory_space<vmem>>
      %dma_start3A_67 = arith.constant 0 : i32
      %dma_start3A_68 = arith.constant 0 : i32
      %dma_start3A_69 = tpu.memref_slice %arg2[%add3A, %run_scoped3A, %dma_start3A_67, %dma_start3A_68] : memref<32x15x6x112xi32, #tpu.memory_space<hbm>> -> memref<1x1x6x112xi32, #tpu.memory_space<hbm>>
      %dma_start3A_70 = tpu.memref_squeeze %dma_start3A_69 : memref<1x1x6x112xi32, #tpu.memory_space<hbm>> -> memref<6x112xi32, #tpu.memory_space<hbm>>
      tpu.enqueue_dma source(%dma_start3A_70 : memref<6x112xi32, #tpu.memory_space<hbm>>) target(%dma_start3A_66 : memref<6x112xi32, #tpu.memory_space<vmem>>) target_semaphore(%run_scoped3A_54 : memref<!tpu.dma_semaphore, #tpu.memory_space<semaphore_mem>>)
      %dma_wait3A_71 = arith.constant 0 : i32
      %dma_wait3A_72 = arith.constant 0 : i32
      %dma_wait3A_73 = tpu.memref_slice %arg7[%run_scoped3A_1, %dma_wait3A_71, %dma_wait3A_72] : memref<2x6x112xi32, #tpu.memory_space<vmem>> -> memref<1x6x112xi32, #tpu.memory_space<vmem>>
      %dma_wait3A_74 = tpu.memref_squeeze %dma_wait3A_73 : memref<1x6x112xi32, #tpu.memory_space<vmem>> -> memref<6x112xi32, #tpu.memory_space<vmem>>
      %dma_wait3A_75 = arith.constant 0 : i32
      %dma_wait3A_76 = arith.constant 0 : i32
      %dma_wait3A_77 = tpu.memref_slice %arg2[%add3A, %run_scoped3A, %dma_wait3A_75, %dma_wait3A_76] : memref<32x15x6x112xi32, #tpu.memory_space<hbm>> -> memref<1x1x6x112xi32, #tpu.memory_space<hbm>>
      %dma_wait3A_78 = tpu.memref_squeeze %dma_wait3A_77 : memref<1x1x6x112xi32, #tpu.memory_space<hbm>> -> memref<6x112xi32, #tpu.memory_space<hbm>>
      %dma_wait3A_79 = arith.constant 0 : i32
      %dma_wait3A_80 = arith.constant 0 : i32
      %dma_wait3A_81 = tpu.memref_slice %arg7[%run_scoped3A_1, %dma_wait3A_79, %dma_wait3A_80] : memref<2x6x112xi32, #tpu.memory_space<vmem>> -> memref<1x6x112xi32, #tpu.memory_space<vmem>>
      %dma_wait3A_82 = tpu.memref_squeeze %dma_wait3A_81 : memref<1x6x112xi32, #tpu.memory_space<vmem>> -> memref<6x112xi32, #tpu.memory_space<vmem>>
      %dma_wait3A_83 = arith.constant 0 : i32
      %dma_wait3A_84 = arith.constant 0 : i32
      %dma_wait3A_85 = tpu.memref_slice %arg2[%add3A, %run_scoped3A, %dma_wait3A_83, %dma_wait3A_84] : memref<32x15x6x112xi32, #tpu.memory_space<hbm>> -> memref<1x1x6x112xi32, #tpu.memory_space<hbm>>
      %dma_wait3A_86 = tpu.memref_squeeze %dma_wait3A_85 : memref<1x1x6x112xi32, #tpu.memory_space<hbm>> -> memref<6x112xi32, #tpu.memory_space<hbm>>
      tpu.wait_dma2 semaphore(%run_scoped3A_54 : memref<!tpu.dma_semaphore, #tpu.memory_space<semaphore_mem>>) src(%dma_wait3A_86 : memref<6x112xi32, #tpu.memory_space<hbm>>) dst(%dma_wait3A_82 : memref<6x112xi32, #tpu.memory_space<vmem>>)
      tpu.yield
    }) : () -> ()
    %run_scoped3A_2 = arith.constant 0 : i32
    %run_scoped3A_3 = arith.constant 0 : i32
    "tpu.region"() ({
      %run_scoped3A_54 = tpu.sem_alloc : memref<!tpu.dma_semaphore, #tpu.memory_space<semaphore_mem>>
      %dma_start3A_55 = arith.constant 0 : i32
      %dma_start3A_56 = arith.constant 0 : i32
      %dma_start3A_57 = tpu.memref_slice %arg8[%run_scoped3A_3, %dma_start3A_55, %dma_start3A_56] : memref<2x6x112xi32, #tpu.memory_space<vmem>> -> memref<1x6x112xi32, #tpu.memory_space<vmem>>
      %dma_start3A_58 = tpu.memref_squeeze %dma_start3A_57 : memref<1x6x112xi32, #tpu.memory_space<vmem>> -> memref<6x112xi32, #tpu.memory_space<vmem>>
      %dma_start3A_59 = arith.constant 0 : i32
      %dma_start3A_60 = arith.constant 0 : i32
      %dma_start3A_61 = tpu.memref_slice %arg3[%add3A, %run_scoped3A_2, %dma_start3A_59, %dma_start3A_60] : memref<32x15x6x112xi32, #tpu.memory_space<hbm>> -> memref<1x1x6x112xi32, #tpu.memory_space<hbm>>
      %dma_start3A_62 = tpu.memref_squeeze %dma_start3A_61 : memref<1x1x6x112xi32, #tpu.memory_space<hbm>> -> memref<6x112xi32, #tpu.memory_space<hbm>>
      %dma_start3A_63 = arith.constant 0 : i32
      %dma_start3A_64 = arith.constant 0 : i32
      %dma_start3A_65 = tpu.memref_slice %arg8[%run_scoped3A_3, %dma_start3A_63, %dma_start3A_64] : memref<2x6x112xi32, #tpu.memory_space<vmem>> -> memref<1x6x112xi32, #tpu.memory_space<vmem>>
      %dma_start3A_66 = tpu.memref_squeeze %dma_start3A_65 : memref<1x6x112xi32, #tpu.memory_space<vmem>> -> memref<6x112xi32, #tpu.memory_space<vmem>>
      %dma_start3A_67 = arith.constant 0 : i32
      %dma_start3A_68 = arith.constant 0 : i32
      %dma_start3A_69 = tpu.memref_slice %arg3[%add3A, %run_scoped3A_2, %dma_start3A_67, %dma_start3A_68] : memref<32x15x6x112xi32, #tpu.memory_space<hbm>> -> memref<1x1x6x112xi32, #tpu.memory_space<hbm>>
      %dma_start3A_70 = tpu.memref_squeeze %dma_start3A_69 : memref<1x1x6x112xi32, #tpu.memory_space<hbm>> -> memref<6x112xi32, #tpu.memory_space<hbm>>
      tpu.enqueue_dma source(%dma_start3A_70 : memref<6x112xi32, #tpu.memory_space<hbm>>) target(%dma_start3A_66 : memref<6x112xi32, #tpu.memory_space<vmem>>) target_semaphore(%run_scoped3A_54 : memref<!tpu.dma_semaphore, #tpu.memory_space<semaphore_mem>>)
      %dma_wait3A_71 = arith.constant 0 : i32
      %dma_wait3A_72 = arith.constant 0 : i32
      %dma_wait3A_73 = tpu.memref_slice %arg8[%run_scoped3A_3, %dma_wait3A_71, %dma_wait3A_72] : memref<2x6x112xi32, #tpu.memory_space<vmem>> -> memref<1x6x112xi32, #tpu.memory_space<vmem>>
      %dma_wait3A_74 = tpu.memref_squeeze %dma_wait3A_73 : memref<1x6x112xi32, #tpu.memory_space<vmem>> -> memref<6x112xi32, #tpu.memory_space<vmem>>
      %dma_wait3A_75 = arith.constant 0 : i32
      %dma_wait3A_76 = arith.constant 0 : i32
      %dma_wait3A_77 = tpu.memref_slice %arg3[%add3A, %run_scoped3A_2, %dma_wait3A_75, %dma_wait3A_76] : memref<32x15x6x112xi32, #tpu.memory_space<hbm>> -> memref<1x1x6x112xi32, #tpu.memory_space<hbm>>
      %dma_wait3A_78 = tpu.memref_squeeze %dma_wait3A_77 : memref<1x1x6x112xi32, #tpu.memory_space<hbm>> -> memref<6x112xi32, #tpu.memory_space<hbm>>
      %dma_wait3A_79 = arith.constant 0 : i32
      %dma_wait3A_80 = arith.constant 0 : i32
      %dma_wait3A_81 = tpu.memref_slice %arg8[%run_scoped3A_3, %dma_wait3A_79, %dma_wait3A_80] : memref<2x6x112xi32, #tpu.memory_space<vmem>> -> memref<1x6x112xi32, #tpu.memory_space<vmem>>
      %dma_wait3A_82 = tpu.memref_squeeze %dma_wait3A_81 : memref<1x6x112xi32, #tpu.memory_space<vmem>> -> memref<6x112xi32, #tpu.memory_space<vmem>>
      %dma_wait3A_83 = arith.constant 0 : i32
      %dma_wait3A_84 = arith.constant 0 : i32
      %dma_wait3A_85 = tpu.memref_slice %arg3[%add3A, %run_scoped3A_2, %dma_wait3A_83, %dma_wait3A_84] : memref<32x15x6x112xi32, #tpu.memory_space<hbm>> -> memref<1x1x6x112xi32, #tpu.memory_space<hbm>>
      %dma_wait3A_86 = tpu.memref_squeeze %dma_wait3A_85 : memref<1x1x6x112xi32, #tpu.memory_space<hbm>> -> memref<6x112xi32, #tpu.memory_space<hbm>>
      tpu.wait_dma2 semaphore(%run_scoped3A_54 : memref<!tpu.dma_semaphore, #tpu.memory_space<semaphore_mem>>) src(%dma_wait3A_86 : memref<6x112xi32, #tpu.memory_space<hbm>>) dst(%dma_wait3A_82 : memref<6x112xi32, #tpu.memory_space<vmem>>)
      tpu.yield
    }) : () -> ()
    %mul3A_4 = arith.constant 640 : i32
    %mul3A_5 = arith.muli %arg1, %mul3A_4 : i32
    "tpu.region"() ({
      %run_scoped3A_54 = tpu.sem_alloc : memref<!tpu.dma_semaphore, #tpu.memory_space<semaphore_mem>>
      %dma_start3A_55 = arith.constant 0 : i32
      %dma_start3A_56 = tpu.memref_slice %arg10[%mul3A_5, %dma_start3A_55] : memref<10240x128xf32, #tpu.memory_space<vmem_shared>> -> memref<640x128xf32, #tpu.memory_space<vmem_shared>>
      tpu.enqueue_dma source(%arg5 : memref<640x128xf32, #tpu.memory_space<hbm>>) target(%dma_start3A_56 : memref<640x128xf32, #tpu.memory_space<vmem_shared>>) target_semaphore(%run_scoped3A_54 : memref<!tpu.dma_semaphore, #tpu.memory_space<semaphore_mem>>)
      %dma_wait3A_57 = arith.constant 0 : i32
      %dma_wait3A_58 = tpu.memref_slice %arg10[%mul3A_5, %dma_wait3A_57] : memref<10240x128xf32, #tpu.memory_space<vmem_shared>> -> memref<640x128xf32, #tpu.memory_space<vmem_shared>>
      tpu.wait_dma2 semaphore(%run_scoped3A_54 : memref<!tpu.dma_semaphore, #tpu.memory_space<semaphore_mem>>) src(%arg5 : memref<640x128xf32, #tpu.memory_space<hbm>>) dst(%dma_wait3A_58 : memref<640x128xf32, #tpu.memory_space<vmem_shared>>)
      tpu.yield
    }) : () -> ()
    %barrier3A = arith.constant 0 : index
    tpu.barrier barrier_id(%barrier3A)
    %dma_start3A = arith.constant 0 : i32
    %dma_start3A_6 = arith.constant 0 : i32
    %dma_start3A_7 = arith.constant 0 : i32
    %dma_start3A_8 = arith.constant 0 : i32
    %dma_start3A_9 = arith.constant 0 : i32
    %dma_start3A_10 = tpu.memref_slice %arg9[%dma_start3A_7, %dma_start3A_8, %dma_start3A_9] : memref<3x112x128xf32, #tpu.memory_space<vmem>> -> memref<1x112x128xf32, #tpu.memory_space<vmem>>
    %dma_start3A_11 = tpu.memref_squeeze %dma_start3A_10 : memref<1x112x128xf32, #tpu.memory_space<vmem>> -> memref<112x128xf32, #tpu.memory_space<vmem>>
    %dma_start3A_12 = arith.constant 0 : i32
    %dma_start3A_13 = tpu.memref_slice %arg7[%dma_start3A, %dma_start3A_6, %dma_start3A_12] : memref<2x6x112xi32, #tpu.memory_space<vmem>> -> memref<1x1x112xi32, #tpu.memory_space<vmem>>
    %dma_start3A_14 = tpu.memref_squeeze %dma_start3A_13 : memref<1x1x112xi32, #tpu.memory_space<vmem>> -> memref<112xi32, #tpu.memory_space<vmem>>
    %dma_start3A_15 = arith.constant 0 : i32
    %dma_start3A_16 = arith.constant 0 : i32
    %dma_start3A_17 = tpu.memref_slice %arg4[%dma_start3A_15, %dma_start3A_16] : memref<10240x128xf32, #tpu.memory_space<hbm>> -> memref<10240x128xf32, #tpu.memory_space<hbm>>
    tpu.enqueue_indirect_dma source(%dma_start3A_17 : memref<10240x128xf32, #tpu.memory_space<hbm>>) target(%dma_start3A_11 : memref<112x128xf32, #tpu.memory_space<vmem>>) offsets(%dma_start3A_14 : memref<112xi32, #tpu.memory_space<vmem>>) semaphore(%arg11 : memref<!tpu.dma_semaphore, #tpu.memory_space<semaphore_mem>>)
    %dma_start3A_18 = arith.constant 0 : i32
    %dma_start3A_19 = arith.constant 1 : i32
    %dma_start3A_20 = arith.constant 1 : i32
    %dma_start3A_21 = arith.constant 0 : i32
    %dma_start3A_22 = arith.constant 0 : i32
    %dma_start3A_23 = tpu.memref_slice %arg9[%dma_start3A_20, %dma_start3A_21, %dma_start3A_22] : memref<3x112x128xf32, #tpu.memory_space<vmem>> -> memref<1x112x128xf32, #tpu.memory_space<vmem>>
    %dma_start3A_24 = tpu.memref_squeeze %dma_start3A_23 : memref<1x112x128xf32, #tpu.memory_space<vmem>> -> memref<112x128xf32, #tpu.memory_space<vmem>>
    %dma_start3A_25 = arith.constant 0 : i32
    %dma_start3A_26 = tpu.memref_slice %arg7[%dma_start3A_18, %dma_start3A_19, %dma_start3A_25] : memref<2x6x112xi32, #tpu.memory_space<vmem>> -> memref<1x1x112xi32, #tpu.memory_space<vmem>>
    %dma_start3A_27 = tpu.memref_squeeze %dma_start3A_26 : memref<1x1x112xi32, #tpu.memory_space<vmem>> -> memref<112xi32, #tpu.memory_space<vmem>>
    %dma_start3A_28 = arith.constant 0 : i32
    %dma_start3A_29 = arith.constant 0 : i32
    %dma_start3A_30 = tpu.memref_slice %arg4[%dma_start3A_28, %dma_start3A_29] : memref<10240x128xf32, #tpu.memory_space<hbm>> -> memref<10240x128xf32, #tpu.memory_space<hbm>>
    tpu.enqueue_indirect_dma source(%dma_start3A_30 : memref<10240x128xf32, #tpu.memory_space<hbm>>) target(%dma_start3A_24 : memref<112x128xf32, #tpu.memory_space<vmem>>) offsets(%dma_start3A_27 : memref<112xi32, #tpu.memory_space<vmem>>) semaphore(%arg12 : memref<!tpu.dma_semaphore, #tpu.memory_space<semaphore_mem>>)
    %scan3A = arith.constant 0 : i32
    %scan3A_31 = arith.constant 0 : i32
    %scan3A_32 = arith.constant 15 : i32
    %scan3A_33 = arith.addi %scan3A_31, %scan3A_32 : i32
    %scan3A_34 = arith.constant 1 : i32
    scf.for %scan3A_54 = %scan3A_31 to %scan3A_33 step %scan3A_34  : i32 {
      %rem3A_55 = arith.constant 2 : i32
      %rem3A_56 = arith.remsi %scan3A_54, %rem3A_55 : i32
      %add3A_57 = arith.constant 1 : i32
      %add3A_58 = arith.addi %scan3A_54, %add3A_57 : i32
      %rem3A_59 = arith.constant 2 : i32
      %rem3A_60 = arith.remsi %add3A_58, %rem3A_59 : i32
      %add3A_61 = arith.constant 1 : i32
      %add3A_62 = arith.addi %scan3A_54, %add3A_61 : i32
      %lt3A = arith.constant 15 : i32
      %lt3A_63 = arith.cmpi slt, %add3A_62, %lt3A : i32
      %convert_element_type3A = arith.extui %lt3A_63 : i1 to i32
      %cond3A = arith.constant 0 : i32
      %cond3A_64 = arith.cmpi ne, %convert_element_type3A, %cond3A : i32
      scf.if %cond3A_64 {
        %add3A_342 = arith.constant 1 : i32
        %add3A_343 = arith.addi %scan3A_54, %add3A_342 : i32
        %dma_start3A_344 = arith.constant 0 : i32
        %dma_start3A_345 = arith.constant 0 : i32
        %dma_start3A_346 = tpu.memref_slice %arg7[%rem3A_60, %dma_start3A_344, %dma_start3A_345] : memref<2x6x112xi32, #tpu.memory_space<vmem>> -> memref<1x6x112xi32, #tpu.memory_space<vmem>>
        %dma_start3A_347 = tpu.memref_squeeze %dma_start3A_346 : memref<1x6x112xi32, #tpu.memory_space<vmem>> -> memref<6x112xi32, #tpu.memory_space<vmem>>
        %dma_start3A_348 = arith.constant 0 : i32
        %dma_start3A_349 = arith.constant 0 : i32
        %dma_start3A_350 = tpu.memref_slice %arg2[%add3A, %add3A_343, %dma_start3A_348, %dma_start3A_349] : memref<32x15x6x112xi32, #tpu.memory_space<hbm>> -> memref<1x1x6x112xi32, #tpu.memory_space<hbm>>
        %dma_start3A_351 = tpu.memref_squeeze %dma_start3A_350 : memref<1x1x6x112xi32, #tpu.memory_space<hbm>> -> memref<6x112xi32, #tpu.memory_space<hbm>>
        %dma_start3A_352 = arith.constant 0 : i32
        %dma_start3A_353 = arith.constant 0 : i32
        %dma_start3A_354 = tpu.memref_slice %arg7[%rem3A_60, %dma_start3A_352, %dma_start3A_353] : memref<2x6x112xi32, #tpu.memory_space<vmem>> -> memref<1x6x112xi32, #tpu.memory_space<vmem>>
        %dma_start3A_355 = tpu.memref_squeeze %dma_start3A_354 : memref<1x6x112xi32, #tpu.memory_space<vmem>> -> memref<6x112xi32, #tpu.memory_space<vmem>>
        %dma_start3A_356 = arith.constant 0 : i32
        %dma_start3A_357 = arith.constant 0 : i32
        %dma_start3A_358 = tpu.memref_slice %arg2[%add3A, %add3A_343, %dma_start3A_356, %dma_start3A_357] : memref<32x15x6x112xi32, #tpu.memory_space<hbm>> -> memref<1x1x6x112xi32, #tpu.memory_space<hbm>>
        %dma_start3A_359 = tpu.memref_squeeze %dma_start3A_358 : memref<1x1x6x112xi32, #tpu.memory_space<hbm>> -> memref<6x112xi32, #tpu.memory_space<hbm>>
        tpu.enqueue_dma source(%dma_start3A_359 : memref<6x112xi32, #tpu.memory_space<hbm>>) target(%dma_start3A_355 : memref<6x112xi32, #tpu.memory_space<vmem>>) target_semaphore(%arg14 : memref<!tpu.dma_semaphore, #tpu.memory_space<semaphore_mem>>)
        %add3A_360 = arith.constant 1 : i32
        %add3A_361 = arith.addi %scan3A_54, %add3A_360 : i32
        %dma_start3A_362 = arith.constant 0 : i32
        %dma_start3A_363 = arith.constant 0 : i32
        %dma_start3A_364 = tpu.memref_slice %arg8[%rem3A_60, %dma_start3A_362, %dma_start3A_363] : memref<2x6x112xi32, #tpu.memory_space<vmem>> -> memref<1x6x112xi32, #tpu.memory_space<vmem>>
        %dma_start3A_365 = tpu.memref_squeeze %dma_start3A_364 : memref<1x6x112xi32, #tpu.memory_space<vmem>> -> memref<6x112xi32, #tpu.memory_space<vmem>>
        %dma_start3A_366 = arith.constant 0 : i32
        %dma_start3A_367 = arith.constant 0 : i32
        %dma_start3A_368 = tpu.memref_slice %arg3[%add3A, %add3A_361, %dma_start3A_366, %dma_start3A_367] : memref<32x15x6x112xi32, #tpu.memory_space<hbm>> -> memref<1x1x6x112xi32, #tpu.memory_space<hbm>>
        %dma_start3A_369 = tpu.memref_squeeze %dma_start3A_368 : memref<1x1x6x112xi32, #tpu.memory_space<hbm>> -> memref<6x112xi32, #tpu.memory_space<hbm>>
        %dma_start3A_370 = arith.constant 0 : i32
        %dma_start3A_371 = arith.constant 0 : i32
        %dma_start3A_372 = tpu.memref_slice %arg8[%rem3A_60, %dma_start3A_370, %dma_start3A_371] : memref<2x6x112xi32, #tpu.memory_space<vmem>> -> memref<1x6x112xi32, #tpu.memory_space<vmem>>
        %dma_start3A_373 = tpu.memref_squeeze %dma_start3A_372 : memref<1x6x112xi32, #tpu.memory_space<vmem>> -> memref<6x112xi32, #tpu.memory_space<vmem>>
        %dma_start3A_374 = arith.constant 0 : i32
        %dma_start3A_375 = arith.constant 0 : i32
        %dma_start3A_376 = tpu.memref_slice %arg3[%add3A, %add3A_361, %dma_start3A_374, %dma_start3A_375] : memref<32x15x6x112xi32, #tpu.memory_space<hbm>> -> memref<1x1x6x112xi32, #tpu.memory_space<hbm>>
        %dma_start3A_377 = tpu.memref_squeeze %dma_start3A_376 : memref<1x1x6x112xi32, #tpu.memory_space<hbm>> -> memref<6x112xi32, #tpu.memory_space<hbm>>
        tpu.enqueue_dma source(%dma_start3A_377 : memref<6x112xi32, #tpu.memory_space<hbm>>) target(%dma_start3A_373 : memref<6x112xi32, #tpu.memory_space<vmem>>) target_semaphore(%arg14 : memref<!tpu.dma_semaphore, #tpu.memory_space<semaphore_mem>>)
      } else {
      }
      %dma_wait3A_65 = arith.constant 0 : i32
      %dma_wait3A_66 = arith.constant 0 : i32
      %dma_wait3A_67 = arith.constant 0 : i32
      %dma_wait3A_68 = arith.constant 0 : i32
      %dma_wait3A_69 = tpu.memref_slice %arg9[%dma_wait3A_66, %dma_wait3A_67, %dma_wait3A_68] : memref<3x112x128xf32, #tpu.memory_space<vmem>> -> memref<1x112x128xf32, #tpu.memory_space<vmem>>
      %dma_wait3A_70 = tpu.memref_squeeze %dma_wait3A_69 : memref<1x112x128xf32, #tpu.memory_space<vmem>> -> memref<112x128xf32, #tpu.memory_space<vmem>>
      %dma_wait3A_71 = arith.constant 0 : i32
      %dma_wait3A_72 = tpu.memref_slice %arg7[%rem3A_56, %dma_wait3A_65, %dma_wait3A_71] : memref<2x6x112xi32, #tpu.memory_space<vmem>> -> memref<1x1x112xi32, #tpu.memory_space<vmem>>
      %dma_wait3A_73 = tpu.memref_squeeze %dma_wait3A_72 : memref<1x1x112xi32, #tpu.memory_space<vmem>> -> memref<112xi32, #tpu.memory_space<vmem>>
      %dma_wait3A_74 = arith.constant 0 : i32
      %dma_wait3A_75 = arith.constant 0 : i32
      %dma_wait3A_76 = tpu.memref_slice %arg4[%dma_wait3A_74, %dma_wait3A_75] : memref<10240x128xf32, #tpu.memory_space<hbm>> -> memref<10240x128xf32, #tpu.memory_space<hbm>>
      tpu.wait_indirect_dma semaphore(%arg11 : memref<!tpu.dma_semaphore, #tpu.memory_space<semaphore_mem>>) src(%dma_wait3A_76 : memref<10240x128xf32, #tpu.memory_space<hbm>>) dst(%dma_wait3A_70 : memref<112x128xf32, #tpu.memory_space<vmem>>)
      %dma_start3A_77 = arith.constant 0 : i32
      %dma_start3A_78 = arith.constant 0 : i32
      %dma_start3A_79 = arith.constant 0 : i32
      %dma_start3A_80 = arith.constant 0 : i32
      %dma_start3A_81 = tpu.memref_slice %arg9[%dma_start3A_77, %dma_start3A_79, %dma_start3A_80] : memref<3x112x128xf32, #tpu.memory_space<vmem>> -> memref<1x112x128xf32, #tpu.memory_space<vmem>>
      %dma_start3A_82 = tpu.memref_squeeze %dma_start3A_81 : memref<1x112x128xf32, #tpu.memory_space<vmem>> -> memref<112x128xf32, #tpu.memory_space<vmem>>
      %dma_start3A_83 = arith.constant 0 : i32
      %dma_start3A_84 = tpu.memref_slice %arg8[%rem3A_56, %dma_start3A_78, %dma_start3A_83] : memref<2x6x112xi32, #tpu.memory_space<vmem>> -> memref<1x1x112xi32, #tpu.memory_space<vmem>>
      %dma_start3A_85 = tpu.memref_squeeze %dma_start3A_84 : memref<1x1x112xi32, #tpu.memory_space<vmem>> -> memref<112xi32, #tpu.memory_space<vmem>>
      %dma_start3A_86 = arith.constant 0 : i32
      %dma_start3A_87 = arith.constant 0 : i32
      %dma_start3A_88 = tpu.memref_slice %arg10[%dma_start3A_86, %dma_start3A_87] : memref<10240x128xf32, #tpu.memory_space<vmem_shared>> -> memref<10240x128xf32, #tpu.memory_space<vmem_shared>>
      tpu.enqueue_indirect_dma source(%dma_start3A_82 : memref<112x128xf32, #tpu.memory_space<vmem>>) target(%dma_start3A_88 : memref<10240x128xf32, #tpu.memory_space<vmem_shared>>) offsets(%dma_start3A_85 : memref<112xi32, #tpu.memory_space<vmem>>) semaphore(%arg11 : memref<!tpu.dma_semaphore, #tpu.memory_space<semaphore_mem>>) {add = true}
      %gt3A = arith.constant 0 : i32
      %gt3A_89 = arith.cmpi sgt, %scan3A_54, %gt3A : i32
      %convert_element_type3A_90 = arith.extui %gt3A_89 : i1 to i32
      %cond3A_91 = arith.constant 0 : i32
      %cond3A_92 = arith.cmpi ne, %convert_element_type3A_90, %cond3A_91 : i32
      scf.if %cond3A_92 {
        %dma_wait3A_342 = arith.constant 2 : i32
        %dma_wait3A_343 = arith.constant 0 : i32
        %dma_wait3A_344 = arith.constant 0 : i32
        %dma_wait3A_345 = arith.constant 0 : i32
        %dma_wait3A_346 = tpu.memref_slice %arg9[%dma_wait3A_342, %dma_wait3A_344, %dma_wait3A_345] : memref<3x112x128xf32, #tpu.memory_space<vmem>> -> memref<1x112x128xf32, #tpu.memory_space<vmem>>
        %dma_wait3A_347 = tpu.memref_squeeze %dma_wait3A_346 : memref<1x112x128xf32, #tpu.memory_space<vmem>> -> memref<112x128xf32, #tpu.memory_space<vmem>>
        %dma_wait3A_348 = arith.constant 0 : i32
        %dma_wait3A_349 = tpu.memref_slice %arg8[%rem3A_56, %dma_wait3A_343, %dma_wait3A_348] : memref<2x6x112xi32, #tpu.memory_space<vmem>> -> memref<1x1x112xi32, #tpu.memory_space<vmem>>
        %dma_wait3A_350 = tpu.memref_squeeze %dma_wait3A_349 : memref<1x1x112xi32, #tpu.memory_space<vmem>> -> memref<112xi32, #tpu.memory_space<vmem>>
        %dma_wait3A_351 = arith.constant 0 : i32
        %dma_wait3A_352 = arith.constant 0 : i32
        %dma_wait3A_353 = tpu.memref_slice %arg10[%dma_wait3A_351, %dma_wait3A_352] : memref<10240x128xf32, #tpu.memory_space<vmem_shared>> -> memref<10240x128xf32, #tpu.memory_space<vmem_shared>>
        tpu.wait_indirect_dma semaphore(%arg13 : memref<!tpu.dma_semaphore, #tpu.memory_space<semaphore_mem>>) src(%dma_wait3A_347 : memref<112x128xf32, #tpu.memory_space<vmem>>) dst(%dma_wait3A_353 : memref<10240x128xf32, #tpu.memory_space<vmem_shared>>)
      } else {
      }
      %dma_start3A_93 = arith.constant 2 : i32
      %dma_start3A_94 = arith.constant 2 : i32
      %dma_start3A_95 = arith.constant 0 : i32
      %dma_start3A_96 = arith.constant 0 : i32
      %dma_start3A_97 = tpu.memref_slice %arg9[%dma_start3A_94, %dma_start3A_95, %dma_start3A_96] : memref<3x112x128xf32, #tpu.memory_space<vmem>> -> memref<1x112x128xf32, #tpu.memory_space<vmem>>
      %dma_start3A_98 = tpu.memref_squeeze %dma_start3A_97 : memref<1x112x128xf32, #tpu.memory_space<vmem>> -> memref<112x128xf32, #tpu.memory_space<vmem>>
      %dma_start3A_99 = arith.constant 0 : i32
      %dma_start3A_100 = tpu.memref_slice %arg7[%rem3A_56, %dma_start3A_93, %dma_start3A_99] : memref<2x6x112xi32, #tpu.memory_space<vmem>> -> memref<1x1x112xi32, #tpu.memory_space<vmem>>
      %dma_start3A_101 = tpu.memref_squeeze %dma_start3A_100 : memref<1x1x112xi32, #tpu.memory_space<vmem>> -> memref<112xi32, #tpu.memory_space<vmem>>
      %dma_start3A_102 = arith.constant 0 : i32
      %dma_start3A_103 = arith.constant 0 : i32
      %dma_start3A_104 = tpu.memref_slice %arg4[%dma_start3A_102, %dma_start3A_103] : memref<10240x128xf32, #tpu.memory_space<hbm>> -> memref<10240x128xf32, #tpu.memory_space<hbm>>
      tpu.enqueue_indirect_dma source(%dma_start3A_104 : memref<10240x128xf32, #tpu.memory_space<hbm>>) target(%dma_start3A_98 : memref<112x128xf32, #tpu.memory_space<vmem>>) offsets(%dma_start3A_101 : memref<112xi32, #tpu.memory_space<vmem>>) semaphore(%arg13 : memref<!tpu.dma_semaphore, #tpu.memory_space<semaphore_mem>>)
      %dma_wait3A_105 = arith.constant 1 : i32
      %dma_wait3A_106 = arith.constant 1 : i32
      %dma_wait3A_107 = arith.constant 0 : i32
      %dma_wait3A_108 = arith.constant 0 : i32
      %dma_wait3A_109 = tpu.memref_slice %arg9[%dma_wait3A_106, %dma_wait3A_107, %dma_wait3A_108] : memref<3x112x128xf32, #tpu.memory_space<vmem>> -> memref<1x112x128xf32, #tpu.memory_space<vmem>>
      %dma_wait3A_110 = tpu.memref_squeeze %dma_wait3A_109 : memref<1x112x128xf32, #tpu.memory_space<vmem>> -> memref<112x128xf32, #tpu.memory_space<vmem>>
      %dma_wait3A_111 = arith.constant 0 : i32
      %dma_wait3A_112 = tpu.memref_slice %arg7[%rem3A_56, %dma_wait3A_105, %dma_wait3A_111] : memref<2x6x112xi32, #tpu.memory_space<vmem>> -> memref<1x1x112xi32, #tpu.memory_space<vmem>>
      %dma_wait3A_113 = tpu.memref_squeeze %dma_wait3A_112 : memref<1x1x112xi32, #tpu.memory_space<vmem>> -> memref<112xi32, #tpu.memory_space<vmem>>
      %dma_wait3A_114 = arith.constant 0 : i32
      %dma_wait3A_115 = arith.constant 0 : i32
      %dma_wait3A_116 = tpu.memref_slice %arg4[%dma_wait3A_114, %dma_wait3A_115] : memref<10240x128xf32, #tpu.memory_space<hbm>> -> memref<10240x128xf32, #tpu.memory_space<hbm>>
      tpu.wait_indirect_dma semaphore(%arg12 : memref<!tpu.dma_semaphore, #tpu.memory_space<semaphore_mem>>) src(%dma_wait3A_116 : memref<10240x128xf32, #tpu.memory_space<hbm>>) dst(%dma_wait3A_110 : memref<112x128xf32, #tpu.memory_space<vmem>>)
      %dma_start3A_117 = arith.constant 1 : i32
      %dma_start3A_118 = arith.constant 1 : i32
      %dma_start3A_119 = arith.constant 0 : i32
      %dma_start3A_120 = arith.constant 0 : i32
      %dma_start3A_121 = tpu.memref_slice %arg9[%dma_start3A_117, %dma_start3A_119, %dma_start3A_120] : memref<3x112x128xf32, #tpu.memory_space<vmem>> -> memref<1x112x128xf32, #tpu.memory_space<vmem>>
      %dma_start3A_122 = tpu.memref_squeeze %dma_start3A_121 : memref<1x112x128xf32, #tpu.memory_space<vmem>> -> memref<112x128xf32, #tpu.memory_space<vmem>>
      %dma_start3A_123 = arith.constant 0 : i32
      %dma_start3A_124 = tpu.memref_slice %arg8[%rem3A_56, %dma_start3A_118, %dma_start3A_123] : memref<2x6x112xi32, #tpu.memory_space<vmem>> -> memref<1x1x112xi32, #tpu.memory_space<vmem>>
      %dma_start3A_125 = tpu.memref_squeeze %dma_start3A_124 : memref<1x1x112xi32, #tpu.memory_space<vmem>> -> memref<112xi32, #tpu.memory_space<vmem>>
      %dma_start3A_126 = arith.constant 0 : i32
      %dma_start3A_127 = arith.constant 0 : i32
      %dma_start3A_128 = tpu.memref_slice %arg10[%dma_start3A_126, %dma_start3A_127] : memref<10240x128xf32, #tpu.memory_space<vmem_shared>> -> memref<10240x128xf32, #tpu.memory_space<vmem_shared>>
      tpu.enqueue_indirect_dma source(%dma_start3A_122 : memref<112x128xf32, #tpu.memory_space<vmem>>) target(%dma_start3A_128 : memref<10240x128xf32, #tpu.memory_space<vmem_shared>>) offsets(%dma_start3A_125 : memref<112xi32, #tpu.memory_space<vmem>>) semaphore(%arg12 : memref<!tpu.dma_semaphore, #tpu.memory_space<semaphore_mem>>) {add = true}
      %dma_wait3A_129 = arith.constant 0 : i32
      %dma_wait3A_130 = arith.constant 1 : i32
      %dma_wait3A_131 = arith.constant 0 : i32
      %dma_wait3A_132 = arith.constant 0 : i32
      %dma_wait3A_133 = tpu.memref_slice %arg9[%dma_wait3A_129, %dma_wait3A_131, %dma_wait3A_132] : memref<3x112x128xf32, #tpu.memory_space<vmem>> -> memref<1x112x128xf32, #tpu.memory_space<vmem>>
      %dma_wait3A_134 = tpu.memref_squeeze %dma_wait3A_133 : memref<1x112x128xf32, #tpu.memory_space<vmem>> -> memref<112x128xf32, #tpu.memory_space<vmem>>
      %dma_wait3A_135 = arith.constant 0 : i32
      %dma_wait3A_136 = tpu.memref_slice %arg8[%rem3A_56, %dma_wait3A_130, %dma_wait3A_135] : memref<2x6x112xi32, #tpu.memory_space<vmem>> -> memref<1x1x112xi32, #tpu.memory_space<vmem>>
      %dma_wait3A_137 = tpu.memref_squeeze %dma_wait3A_136 : memref<1x1x112xi32, #tpu.memory_space<vmem>> -> memref<112xi32, #tpu.memory_space<vmem>>
      %dma_wait3A_138 = arith.constant 0 : i32
      %dma_wait3A_139 = arith.constant 0 : i32
      %dma_wait3A_140 = tpu.memref_slice %arg10[%dma_wait3A_138, %dma_wait3A_139] : memref<10240x128xf32, #tpu.memory_space<vmem_shared>> -> memref<10240x128xf32, #tpu.memory_space<vmem_shared>>
      tpu.wait_indirect_dma semaphore(%arg11 : memref<!tpu.dma_semaphore, #tpu.memory_space<semaphore_mem>>) src(%dma_wait3A_134 : memref<112x128xf32, #tpu.memory_space<vmem>>) dst(%dma_wait3A_140 : memref<10240x128xf32, #tpu.memory_space<vmem_shared>>)
      %dma_start3A_141 = arith.constant 3 : i32
      %dma_start3A_142 = arith.constant 0 : i32
      %dma_start3A_143 = arith.constant 0 : i32
      %dma_start3A_144 = arith.constant 0 : i32
      %dma_start3A_145 = tpu.memref_slice %arg9[%dma_start3A_142, %dma_start3A_143, %dma_start3A_144] : memref<3x112x128xf32, #tpu.memory_space<vmem>> -> memref<1x112x128xf32, #tpu.memory_space<vmem>>
      %dma_start3A_146 = tpu.memref_squeeze %dma_start3A_145 : memref<1x112x128xf32, #tpu.memory_space<vmem>> -> memref<112x128xf32, #tpu.memory_space<vmem>>
      %dma_start3A_147 = arith.constant 0 : i32
      %dma_start3A_148 = tpu.memref_slice %arg7[%rem3A_56, %dma_start3A_141, %dma_start3A_147] : memref<2x6x112xi32, #tpu.memory_space<vmem>> -> memref<1x1x112xi32, #tpu.memory_space<vmem>>
      %dma_start3A_149 = tpu.memref_squeeze %dma_start3A_148 : memref<1x1x112xi32, #tpu.memory_space<vmem>> -> memref<112xi32, #tpu.memory_space<vmem>>
      %dma_start3A_150 = arith.constant 0 : i32
      %dma_start3A_151 = arith.constant 0 : i32
      %dma_start3A_152 = tpu.memref_slice %arg4[%dma_start3A_150, %dma_start3A_151] : memref<10240x128xf32, #tpu.memory_space<hbm>> -> memref<10240x128xf32, #tpu.memory_space<hbm>>
      tpu.enqueue_indirect_dma source(%dma_start3A_152 : memref<10240x128xf32, #tpu.memory_space<hbm>>) target(%dma_start3A_146 : memref<112x128xf32, #tpu.memory_space<vmem>>) offsets(%dma_start3A_149 : memref<112xi32, #tpu.memory_space<vmem>>) semaphore(%arg11 : memref<!tpu.dma_semaphore, #tpu.memory_space<semaphore_mem>>)
      %dma_wait3A_153 = arith.constant 2 : i32
      %dma_wait3A_154 = arith.constant 2 : i32
      %dma_wait3A_155 = arith.constant 0 : i32
      %dma_wait3A_156 = arith.constant 0 : i32
      %dma_wait3A_157 = tpu.memref_slice %arg9[%dma_wait3A_154, %dma_wait3A_155, %dma_wait3A_156] : memref<3x112x128xf32, #tpu.memory_space<vmem>> -> memref<1x112x128xf32, #tpu.memory_space<vmem>>
      %dma_wait3A_158 = tpu.memref_squeeze %dma_wait3A_157 : memref<1x112x128xf32, #tpu.memory_space<vmem>> -> memref<112x128xf32, #tpu.memory_space<vmem>>
      %dma_wait3A_159 = arith.constant 0 : i32
      %dma_wait3A_160 = tpu.memref_slice %arg7[%rem3A_56, %dma_wait3A_153, %dma_wait3A_159] : memref<2x6x112xi32, #tpu.memory_space<vmem>> -> memref<1x1x112xi32, #tpu.memory_space<vmem>>
      %dma_wait3A_161 = tpu.memref_squeeze %dma_wait3A_160 : memref<1x1x112xi32, #tpu.memory_space<vmem>> -> memref<112xi32, #tpu.memory_space<vmem>>
      %dma_wait3A_162 = arith.constant 0 : i32
      %dma_wait3A_163 = arith.constant 0 : i32
      %dma_wait3A_164 = tpu.memref_slice %arg4[%dma_wait3A_162, %dma_wait3A_163] : memref<10240x128xf32, #tpu.memory_space<hbm>> -> memref<10240x128xf32, #tpu.memory_space<hbm>>
      tpu.wait_indirect_dma semaphore(%arg13 : memref<!tpu.dma_semaphore, #tpu.memory_space<semaphore_mem>>) src(%dma_wait3A_164 : memref<10240x128xf32, #tpu.memory_space<hbm>>) dst(%dma_wait3A_158 : memref<112x128xf32, #tpu.memory_space<vmem>>)
      %dma_start3A_165 = arith.constant 2 : i32
      %dma_start3A_166 = arith.constant 2 : i32
      %dma_start3A_167 = arith.constant 0 : i32
      %dma_start3A_168 = arith.constant 0 : i32
      %dma_start3A_169 = tpu.memref_slice %arg9[%dma_start3A_165, %dma_start3A_167, %dma_start3A_168] : memref<3x112x128xf32, #tpu.memory_space<vmem>> -> memref<1x112x128xf32, #tpu.memory_space<vmem>>
      %dma_start3A_170 = tpu.memref_squeeze %dma_start3A_169 : memref<1x112x128xf32, #tpu.memory_space<vmem>> -> memref<112x128xf32, #tpu.memory_space<vmem>>
      %dma_start3A_171 = arith.constant 0 : i32
      %dma_start3A_172 = tpu.memref_slice %arg8[%rem3A_56, %dma_start3A_166, %dma_start3A_171] : memref<2x6x112xi32, #tpu.memory_space<vmem>> -> memref<1x1x112xi32, #tpu.memory_space<vmem>>
      %dma_start3A_173 = tpu.memref_squeeze %dma_start3A_172 : memref<1x1x112xi32, #tpu.memory_space<vmem>> -> memref<112xi32, #tpu.memory_space<vmem>>
      %dma_start3A_174 = arith.constant 0 : i32
      %dma_start3A_175 = arith.constant 0 : i32
      %dma_start3A_176 = tpu.memref_slice %arg10[%dma_start3A_174, %dma_start3A_175] : memref<10240x128xf32, #tpu.memory_space<vmem_shared>> -> memref<10240x128xf32, #tpu.memory_space<vmem_shared>>
      tpu.enqueue_indirect_dma source(%dma_start3A_170 : memref<112x128xf32, #tpu.memory_space<vmem>>) target(%dma_start3A_176 : memref<10240x128xf32, #tpu.memory_space<vmem_shared>>) offsets(%dma_start3A_173 : memref<112xi32, #tpu.memory_space<vmem>>) semaphore(%arg13 : memref<!tpu.dma_semaphore, #tpu.memory_space<semaphore_mem>>) {add = true}
      %dma_wait3A_177 = arith.constant 1 : i32
      %dma_wait3A_178 = arith.constant 2 : i32
      %dma_wait3A_179 = arith.constant 0 : i32
      %dma_wait3A_180 = arith.constant 0 : i32
      %dma_wait3A_181 = tpu.memref_slice %arg9[%dma_wait3A_177, %dma_wait3A_179, %dma_wait3A_180] : memref<3x112x128xf32, #tpu.memory_space<vmem>> -> memref<1x112x128xf32, #tpu.memory_space<vmem>>
      %dma_wait3A_182 = tpu.memref_squeeze %dma_wait3A_181 : memref<1x112x128xf32, #tpu.memory_space<vmem>> -> memref<112x128xf32, #tpu.memory_space<vmem>>
      %dma_wait3A_183 = arith.constant 0 : i32
      %dma_wait3A_184 = tpu.memref_slice %arg8[%rem3A_56, %dma_wait3A_178, %dma_wait3A_183] : memref<2x6x112xi32, #tpu.memory_space<vmem>> -> memref<1x1x112xi32, #tpu.memory_space<vmem>>
      %dma_wait3A_185 = tpu.memref_squeeze %dma_wait3A_184 : memref<1x1x112xi32, #tpu.memory_space<vmem>> -> memref<112xi32, #tpu.memory_space<vmem>>
      %dma_wait3A_186 = arith.constant 0 : i32
      %dma_wait3A_187 = arith.constant 0 : i32
      %dma_wait3A_188 = tpu.memref_slice %arg10[%dma_wait3A_186, %dma_wait3A_187] : memref<10240x128xf32, #tpu.memory_space<vmem_shared>> -> memref<10240x128xf32, #tpu.memory_space<vmem_shared>>
      tpu.wait_indirect_dma semaphore(%arg12 : memref<!tpu.dma_semaphore, #tpu.memory_space<semaphore_mem>>) src(%dma_wait3A_182 : memref<112x128xf32, #tpu.memory_space<vmem>>) dst(%dma_wait3A_188 : memref<10240x128xf32, #tpu.memory_space<vmem_shared>>)
      %dma_start3A_189 = arith.constant 4 : i32
      %dma_start3A_190 = arith.constant 1 : i32
      %dma_start3A_191 = arith.constant 0 : i32
      %dma_start3A_192 = arith.constant 0 : i32
      %dma_start3A_193 = tpu.memref_slice %arg9[%dma_start3A_190, %dma_start3A_191, %dma_start3A_192] : memref<3x112x128xf32, #tpu.memory_space<vmem>> -> memref<1x112x128xf32, #tpu.memory_space<vmem>>
      %dma_start3A_194 = tpu.memref_squeeze %dma_start3A_193 : memref<1x112x128xf32, #tpu.memory_space<vmem>> -> memref<112x128xf32, #tpu.memory_space<vmem>>
      %dma_start3A_195 = arith.constant 0 : i32
      %dma_start3A_196 = tpu.memref_slice %arg7[%rem3A_56, %dma_start3A_189, %dma_start3A_195] : memref<2x6x112xi32, #tpu.memory_space<vmem>> -> memref<1x1x112xi32, #tpu.memory_space<vmem>>
      %dma_start3A_197 = tpu.memref_squeeze %dma_start3A_196 : memref<1x1x112xi32, #tpu.memory_space<vmem>> -> memref<112xi32, #tpu.memory_space<vmem>>
      %dma_start3A_198 = arith.constant 0 : i32
      %dma_start3A_199 = arith.constant 0 : i32
      %dma_start3A_200 = tpu.memref_slice %arg4[%dma_start3A_198, %dma_start3A_199] : memref<10240x128xf32, #tpu.memory_space<hbm>> -> memref<10240x128xf32, #tpu.memory_space<hbm>>
      tpu.enqueue_indirect_dma source(%dma_start3A_200 : memref<10240x128xf32, #tpu.memory_space<hbm>>) target(%dma_start3A_194 : memref<112x128xf32, #tpu.memory_space<vmem>>) offsets(%dma_start3A_197 : memref<112xi32, #tpu.memory_space<vmem>>) semaphore(%arg12 : memref<!tpu.dma_semaphore, #tpu.memory_space<semaphore_mem>>)
      %dma_wait3A_201 = arith.constant 3 : i32
      %dma_wait3A_202 = arith.constant 0 : i32
      %dma_wait3A_203 = arith.constant 0 : i32
      %dma_wait3A_204 = arith.constant 0 : i32
      %dma_wait3A_205 = tpu.memref_slice %arg9[%dma_wait3A_202, %dma_wait3A_203, %dma_wait3A_204] : memref<3x112x128xf32, #tpu.memory_space<vmem>> -> memref<1x112x128xf32, #tpu.memory_space<vmem>>
      %dma_wait3A_206 = tpu.memref_squeeze %dma_wait3A_205 : memref<1x112x128xf32, #tpu.memory_space<vmem>> -> memref<112x128xf32, #tpu.memory_space<vmem>>
      %dma_wait3A_207 = arith.constant 0 : i32
      %dma_wait3A_208 = tpu.memref_slice %arg7[%rem3A_56, %dma_wait3A_201, %dma_wait3A_207] : memref<2x6x112xi32, #tpu.memory_space<vmem>> -> memref<1x1x112xi32, #tpu.memory_space<vmem>>
      %dma_wait3A_209 = tpu.memref_squeeze %dma_wait3A_208 : memref<1x1x112xi32, #tpu.memory_space<vmem>> -> memref<112xi32, #tpu.memory_space<vmem>>
      %dma_wait3A_210 = arith.constant 0 : i32
      %dma_wait3A_211 = arith.constant 0 : i32
      %dma_wait3A_212 = tpu.memref_slice %arg4[%dma_wait3A_210, %dma_wait3A_211] : memref<10240x128xf32, #tpu.memory_space<hbm>> -> memref<10240x128xf32, #tpu.memory_space<hbm>>
      tpu.wait_indirect_dma semaphore(%arg11 : memref<!tpu.dma_semaphore, #tpu.memory_space<semaphore_mem>>) src(%dma_wait3A_212 : memref<10240x128xf32, #tpu.memory_space<hbm>>) dst(%dma_wait3A_206 : memref<112x128xf32, #tpu.memory_space<vmem>>)
      %dma_start3A_213 = arith.constant 0 : i32
      %dma_start3A_214 = arith.constant 3 : i32
      %dma_start3A_215 = arith.constant 0 : i32
      %dma_start3A_216 = arith.constant 0 : i32
      %dma_start3A_217 = tpu.memref_slice %arg9[%dma_start3A_213, %dma_start3A_215, %dma_start3A_216] : memref<3x112x128xf32, #tpu.memory_space<vmem>> -> memref<1x112x128xf32, #tpu.memory_space<vmem>>
      %dma_start3A_218 = tpu.memref_squeeze %dma_start3A_217 : memref<1x112x128xf32, #tpu.memory_space<vmem>> -> memref<112x128xf32, #tpu.memory_space<vmem>>
      %dma_start3A_219 = arith.constant 0 : i32
      %dma_start3A_220 = tpu.memref_slice %arg8[%rem3A_56, %dma_start3A_214, %dma_start3A_219] : memref<2x6x112xi32, #tpu.memory_space<vmem>> -> memref<1x1x112xi32, #tpu.memory_space<vmem>>
      %dma_start3A_221 = tpu.memref_squeeze %dma_start3A_220 : memref<1x1x112xi32, #tpu.memory_space<vmem>> -> memref<112xi32, #tpu.memory_space<vmem>>
      %dma_start3A_222 = arith.constant 0 : i32
      %dma_start3A_223 = arith.constant 0 : i32
      %dma_start3A_224 = tpu.memref_slice %arg10[%dma_start3A_222, %dma_start3A_223] : memref<10240x128xf32, #tpu.memory_space<vmem_shared>> -> memref<10240x128xf32, #tpu.memory_space<vmem_shared>>
      tpu.enqueue_indirect_dma source(%dma_start3A_218 : memref<112x128xf32, #tpu.memory_space<vmem>>) target(%dma_start3A_224 : memref<10240x128xf32, #tpu.memory_space<vmem_shared>>) offsets(%dma_start3A_221 : memref<112xi32, #tpu.memory_space<vmem>>) semaphore(%arg11 : memref<!tpu.dma_semaphore, #tpu.memory_space<semaphore_mem>>) {add = true}
      %dma_wait3A_225 = arith.constant 2 : i32
      %dma_wait3A_226 = arith.constant 3 : i32
      %dma_wait3A_227 = arith.constant 0 : i32
      %dma_wait3A_228 = arith.constant 0 : i32
      %dma_wait3A_229 = tpu.memref_slice %arg9[%dma_wait3A_225, %dma_wait3A_227, %dma_wait3A_228] : memref<3x112x128xf32, #tpu.memory_space<vmem>> -> memref<1x112x128xf32, #tpu.memory_space<vmem>>
      %dma_wait3A_230 = tpu.memref_squeeze %dma_wait3A_229 : memref<1x112x128xf32, #tpu.memory_space<vmem>> -> memref<112x128xf32, #tpu.memory_space<vmem>>
      %dma_wait3A_231 = arith.constant 0 : i32
      %dma_wait3A_232 = tpu.memref_slice %arg8[%rem3A_56, %dma_wait3A_226, %dma_wait3A_231] : memref<2x6x112xi32, #tpu.memory_space<vmem>> -> memref<1x1x112xi32, #tpu.memory_space<vmem>>
      %dma_wait3A_233 = tpu.memref_squeeze %dma_wait3A_232 : memref<1x1x112xi32, #tpu.memory_space<vmem>> -> memref<112xi32, #tpu.memory_space<vmem>>
      %dma_wait3A_234 = arith.constant 0 : i32
      %dma_wait3A_235 = arith.constant 0 : i32
      %dma_wait3A_236 = tpu.memref_slice %arg10[%dma_wait3A_234, %dma_wait3A_235] : memref<10240x128xf32, #tpu.memory_space<vmem_shared>> -> memref<10240x128xf32, #tpu.memory_space<vmem_shared>>
      tpu.wait_indirect_dma semaphore(%arg13 : memref<!tpu.dma_semaphore, #tpu.memory_space<semaphore_mem>>) src(%dma_wait3A_230 : memref<112x128xf32, #tpu.memory_space<vmem>>) dst(%dma_wait3A_236 : memref<10240x128xf32, #tpu.memory_space<vmem_shared>>)
      %dma_start3A_237 = arith.constant 5 : i32
      %dma_start3A_238 = arith.constant 2 : i32
      %dma_start3A_239 = arith.constant 0 : i32
      %dma_start3A_240 = arith.constant 0 : i32
      %dma_start3A_241 = tpu.memref_slice %arg9[%dma_start3A_238, %dma_start3A_239, %dma_start3A_240] : memref<3x112x128xf32, #tpu.memory_space<vmem>> -> memref<1x112x128xf32, #tpu.memory_space<vmem>>
      %dma_start3A_242 = tpu.memref_squeeze %dma_start3A_241 : memref<1x112x128xf32, #tpu.memory_space<vmem>> -> memref<112x128xf32, #tpu.memory_space<vmem>>
      %dma_start3A_243 = arith.constant 0 : i32
      %dma_start3A_244 = tpu.memref_slice %arg7[%rem3A_56, %dma_start3A_237, %dma_start3A_243] : memref<2x6x112xi32, #tpu.memory_space<vmem>> -> memref<1x1x112xi32, #tpu.memory_space<vmem>>
      %dma_start3A_245 = tpu.memref_squeeze %dma_start3A_244 : memref<1x1x112xi32, #tpu.memory_space<vmem>> -> memref<112xi32, #tpu.memory_space<vmem>>
      %dma_start3A_246 = arith.constant 0 : i32
      %dma_start3A_247 = arith.constant 0 : i32
      %dma_start3A_248 = tpu.memref_slice %arg4[%dma_start3A_246, %dma_start3A_247] : memref<10240x128xf32, #tpu.memory_space<hbm>> -> memref<10240x128xf32, #tpu.memory_space<hbm>>
      tpu.enqueue_indirect_dma source(%dma_start3A_248 : memref<10240x128xf32, #tpu.memory_space<hbm>>) target(%dma_start3A_242 : memref<112x128xf32, #tpu.memory_space<vmem>>) offsets(%dma_start3A_245 : memref<112xi32, #tpu.memory_space<vmem>>) semaphore(%arg13 : memref<!tpu.dma_semaphore, #tpu.memory_space<semaphore_mem>>)
      %dma_wait3A_249 = arith.constant 4 : i32
      %dma_wait3A_250 = arith.constant 1 : i32
      %dma_wait3A_251 = arith.constant 0 : i32
      %dma_wait3A_252 = arith.constant 0 : i32
      %dma_wait3A_253 = tpu.memref_slice %arg9[%dma_wait3A_250, %dma_wait3A_251, %dma_wait3A_252] : memref<3x112x128xf32, #tpu.memory_space<vmem>> -> memref<1x112x128xf32, #tpu.memory_space<vmem>>
      %dma_wait3A_254 = tpu.memref_squeeze %dma_wait3A_253 : memref<1x112x128xf32, #tpu.memory_space<vmem>> -> memref<112x128xf32, #tpu.memory_space<vmem>>
      %dma_wait3A_255 = arith.constant 0 : i32
      %dma_wait3A_256 = tpu.memref_slice %arg7[%rem3A_56, %dma_wait3A_249, %dma_wait3A_255] : memref<2x6x112xi32, #tpu.memory_space<vmem>> -> memref<1x1x112xi32, #tpu.memory_space<vmem>>
      %dma_wait3A_257 = tpu.memref_squeeze %dma_wait3A_256 : memref<1x1x112xi32, #tpu.memory_space<vmem>> -> memref<112xi32, #tpu.memory_space<vmem>>
      %dma_wait3A_258 = arith.constant 0 : i32
      %dma_wait3A_259 = arith.constant 0 : i32
      %dma_wait3A_260 = tpu.memref_slice %arg4[%dma_wait3A_258, %dma_wait3A_259] : memref<10240x128xf32, #tpu.memory_space<hbm>> -> memref<10240x128xf32, #tpu.memory_space<hbm>>
      tpu.wait_indirect_dma semaphore(%arg12 : memref<!tpu.dma_semaphore, #tpu.memory_space<semaphore_mem>>) src(%dma_wait3A_260 : memref<10240x128xf32, #tpu.memory_space<hbm>>) dst(%dma_wait3A_254 : memref<112x128xf32, #tpu.memory_space<vmem>>)
      %dma_start3A_261 = arith.constant 1 : i32
      %dma_start3A_262 = arith.constant 4 : i32
      %dma_start3A_263 = arith.constant 0 : i32
      %dma_start3A_264 = arith.constant 0 : i32
      %dma_start3A_265 = tpu.memref_slice %arg9[%dma_start3A_261, %dma_start3A_263, %dma_start3A_264] : memref<3x112x128xf32, #tpu.memory_space<vmem>> -> memref<1x112x128xf32, #tpu.memory_space<vmem>>
      %dma_start3A_266 = tpu.memref_squeeze %dma_start3A_265 : memref<1x112x128xf32, #tpu.memory_space<vmem>> -> memref<112x128xf32, #tpu.memory_space<vmem>>
      %dma_start3A_267 = arith.constant 0 : i32
      %dma_start3A_268 = tpu.memref_slice %arg8[%rem3A_56, %dma_start3A_262, %dma_start3A_267] : memref<2x6x112xi32, #tpu.memory_space<vmem>> -> memref<1x1x112xi32, #tpu.memory_space<vmem>>
      %dma_start3A_269 = tpu.memref_squeeze %dma_start3A_268 : memref<1x1x112xi32, #tpu.memory_space<vmem>> -> memref<112xi32, #tpu.memory_space<vmem>>
      %dma_start3A_270 = arith.constant 0 : i32
      %dma_start3A_271 = arith.constant 0 : i32
      %dma_start3A_272 = tpu.memref_slice %arg10[%dma_start3A_270, %dma_start3A_271] : memref<10240x128xf32, #tpu.memory_space<vmem_shared>> -> memref<10240x128xf32, #tpu.memory_space<vmem_shared>>
      tpu.enqueue_indirect_dma source(%dma_start3A_266 : memref<112x128xf32, #tpu.memory_space<vmem>>) target(%dma_start3A_272 : memref<10240x128xf32, #tpu.memory_space<vmem_shared>>) offsets(%dma_start3A_269 : memref<112xi32, #tpu.memory_space<vmem>>) semaphore(%arg12 : memref<!tpu.dma_semaphore, #tpu.memory_space<semaphore_mem>>) {add = true}
      %dma_wait3A_273 = arith.constant 0 : i32
      %dma_wait3A_274 = arith.constant 4 : i32
      %dma_wait3A_275 = arith.constant 0 : i32
      %dma_wait3A_276 = arith.constant 0 : i32
      %dma_wait3A_277 = tpu.memref_slice %arg9[%dma_wait3A_273, %dma_wait3A_275, %dma_wait3A_276] : memref<3x112x128xf32, #tpu.memory_space<vmem>> -> memref<1x112x128xf32, #tpu.memory_space<vmem>>
      %dma_wait3A_278 = tpu.memref_squeeze %dma_wait3A_277 : memref<1x112x128xf32, #tpu.memory_space<vmem>> -> memref<112x128xf32, #tpu.memory_space<vmem>>
      %dma_wait3A_279 = arith.constant 0 : i32
      %dma_wait3A_280 = tpu.memref_slice %arg8[%rem3A_56, %dma_wait3A_274, %dma_wait3A_279] : memref<2x6x112xi32, #tpu.memory_space<vmem>> -> memref<1x1x112xi32, #tpu.memory_space<vmem>>
      %dma_wait3A_281 = tpu.memref_squeeze %dma_wait3A_280 : memref<1x1x112xi32, #tpu.memory_space<vmem>> -> memref<112xi32, #tpu.memory_space<vmem>>
      %dma_wait3A_282 = arith.constant 0 : i32
      %dma_wait3A_283 = arith.constant 0 : i32
      %dma_wait3A_284 = tpu.memref_slice %arg10[%dma_wait3A_282, %dma_wait3A_283] : memref<10240x128xf32, #tpu.memory_space<vmem_shared>> -> memref<10240x128xf32, #tpu.memory_space<vmem_shared>>
      tpu.wait_indirect_dma semaphore(%arg11 : memref<!tpu.dma_semaphore, #tpu.memory_space<semaphore_mem>>) src(%dma_wait3A_278 : memref<112x128xf32, #tpu.memory_space<vmem>>) dst(%dma_wait3A_284 : memref<10240x128xf32, #tpu.memory_space<vmem_shared>>)
      %add3A_285 = arith.constant 1 : i32
      %add3A_286 = arith.addi %scan3A_54, %add3A_285 : i32
      %lt3A_287 = arith.constant 15 : i32
      %lt3A_288 = arith.cmpi slt, %add3A_286, %lt3A_287 : i32
      %convert_element_type3A_289 = arith.extui %lt3A_288 : i1 to i32
      %cond3A_290 = arith.constant 0 : i32
      %cond3A_291 = arith.cmpi ne, %convert_element_type3A_289, %cond3A_290 : i32
      scf.if %cond3A_291 {
        %add3A_342 = arith.constant 1 : i32
        %add3A_343 = arith.addi %scan3A_54, %add3A_342 : i32
        %dma_wait3A_344 = arith.constant 0 : i32
        %dma_wait3A_345 = arith.constant 0 : i32
        %dma_wait3A_346 = tpu.memref_slice %arg7[%rem3A_60, %dma_wait3A_344, %dma_wait3A_345] : memref<2x6x112xi32, #tpu.memory_space<vmem>> -> memref<1x6x112xi32, #tpu.memory_space<vmem>>
        %dma_wait3A_347 = tpu.memref_squeeze %dma_wait3A_346 : memref<1x6x112xi32, #tpu.memory_space<vmem>> -> memref<6x112xi32, #tpu.memory_space<vmem>>
        %dma_wait3A_348 = arith.constant 0 : i32
        %dma_wait3A_349 = arith.constant 0 : i32
        %dma_wait3A_350 = tpu.memref_slice %arg2[%add3A, %add3A_343, %dma_wait3A_348, %dma_wait3A_349] : memref<32x15x6x112xi32, #tpu.memory_space<hbm>> -> memref<1x1x6x112xi32, #tpu.memory_space<hbm>>
        %dma_wait3A_351 = tpu.memref_squeeze %dma_wait3A_350 : memref<1x1x6x112xi32, #tpu.memory_space<hbm>> -> memref<6x112xi32, #tpu.memory_space<hbm>>
        %dma_wait3A_352 = arith.constant 0 : i32
        %dma_wait3A_353 = arith.constant 0 : i32
        %dma_wait3A_354 = tpu.memref_slice %arg7[%rem3A_60, %dma_wait3A_352, %dma_wait3A_353] : memref<2x6x112xi32, #tpu.memory_space<vmem>> -> memref<1x6x112xi32, #tpu.memory_space<vmem>>
        %dma_wait3A_355 = tpu.memref_squeeze %dma_wait3A_354 : memref<1x6x112xi32, #tpu.memory_space<vmem>> -> memref<6x112xi32, #tpu.memory_space<vmem>>
        %dma_wait3A_356 = arith.constant 0 : i32
        %dma_wait3A_357 = arith.constant 0 : i32
        %dma_wait3A_358 = tpu.memref_slice %arg2[%add3A, %add3A_343, %dma_wait3A_356, %dma_wait3A_357] : memref<32x15x6x112xi32, #tpu.memory_space<hbm>> -> memref<1x1x6x112xi32, #tpu.memory_space<hbm>>
        %dma_wait3A_359 = tpu.memref_squeeze %dma_wait3A_358 : memref<1x1x6x112xi32, #tpu.memory_space<hbm>> -> memref<6x112xi32, #tpu.memory_space<hbm>>
        tpu.wait_dma2 semaphore(%arg14 : memref<!tpu.dma_semaphore, #tpu.memory_space<semaphore_mem>>) src(%dma_wait3A_359 : memref<6x112xi32, #tpu.memory_space<hbm>>) dst(%dma_wait3A_355 : memref<6x112xi32, #tpu.memory_space<vmem>>)
        %add3A_360 = arith.constant 1 : i32
        %add3A_361 = arith.addi %scan3A_54, %add3A_360 : i32
        %dma_wait3A_362 = arith.constant 0 : i32
        %dma_wait3A_363 = arith.constant 0 : i32
        %dma_wait3A_364 = tpu.memref_slice %arg8[%rem3A_60, %dma_wait3A_362, %dma_wait3A_363] : memref<2x6x112xi32, #tpu.memory_space<vmem>> -> memref<1x6x112xi32, #tpu.memory_space<vmem>>
        %dma_wait3A_365 = tpu.memref_squeeze %dma_wait3A_364 : memref<1x6x112xi32, #tpu.memory_space<vmem>> -> memref<6x112xi32, #tpu.memory_space<vmem>>
        %dma_wait3A_366 = arith.constant 0 : i32
        %dma_wait3A_367 = arith.constant 0 : i32
        %dma_wait3A_368 = tpu.memref_slice %arg3[%add3A, %add3A_361, %dma_wait3A_366, %dma_wait3A_367] : memref<32x15x6x112xi32, #tpu.memory_space<hbm>> -> memref<1x1x6x112xi32, #tpu.memory_space<hbm>>
        %dma_wait3A_369 = tpu.memref_squeeze %dma_wait3A_368 : memref<1x1x6x112xi32, #tpu.memory_space<hbm>> -> memref<6x112xi32, #tpu.memory_space<hbm>>
        %dma_wait3A_370 = arith.constant 0 : i32
        %dma_wait3A_371 = arith.constant 0 : i32
        %dma_wait3A_372 = tpu.memref_slice %arg8[%rem3A_60, %dma_wait3A_370, %dma_wait3A_371] : memref<2x6x112xi32, #tpu.memory_space<vmem>> -> memref<1x6x112xi32, #tpu.memory_space<vmem>>
        %dma_wait3A_373 = tpu.memref_squeeze %dma_wait3A_372 : memref<1x6x112xi32, #tpu.memory_space<vmem>> -> memref<6x112xi32, #tpu.memory_space<vmem>>
        %dma_wait3A_374 = arith.constant 0 : i32
        %dma_wait3A_375 = arith.constant 0 : i32
        %dma_wait3A_376 = tpu.memref_slice %arg3[%add3A, %add3A_361, %dma_wait3A_374, %dma_wait3A_375] : memref<32x15x6x112xi32, #tpu.memory_space<hbm>> -> memref<1x1x6x112xi32, #tpu.memory_space<hbm>>
        %dma_wait3A_377 = tpu.memref_squeeze %dma_wait3A_376 : memref<1x1x6x112xi32, #tpu.memory_space<hbm>> -> memref<6x112xi32, #tpu.memory_space<hbm>>
        tpu.wait_dma2 semaphore(%arg14 : memref<!tpu.dma_semaphore, #tpu.memory_space<semaphore_mem>>) src(%dma_wait3A_377 : memref<6x112xi32, #tpu.memory_space<hbm>>) dst(%dma_wait3A_373 : memref<6x112xi32, #tpu.memory_space<vmem>>)
      } else {
      }
      %add3A_292 = arith.constant 1 : i32
      %add3A_293 = arith.addi %scan3A_54, %add3A_292 : i32
      %lt3A_294 = arith.constant 15 : i32
      %lt3A_295 = arith.cmpi slt, %add3A_293, %lt3A_294 : i32
      %convert_element_type3A_296 = arith.extui %lt3A_295 : i1 to i32
      %cond3A_297 = arith.constant 0 : i32
      %cond3A_298 = arith.cmpi ne, %convert_element_type3A_296, %cond3A_297 : i32
      scf.if %cond3A_298 {
        %dma_start3A_342 = arith.constant 0 : i32
        %dma_start3A_343 = arith.constant 0 : i32
        %dma_start3A_344 = arith.constant 0 : i32
        %dma_start3A_345 = arith.constant 0 : i32
        %dma_start3A_346 = tpu.memref_slice %arg9[%dma_start3A_343, %dma_start3A_344, %dma_start3A_345] : memref<3x112x128xf32, #tpu.memory_space<vmem>> -> memref<1x112x128xf32, #tpu.memory_space<vmem>>
        %dma_start3A_347 = tpu.memref_squeeze %dma_start3A_346 : memref<1x112x128xf32, #tpu.memory_space<vmem>> -> memref<112x128xf32, #tpu.memory_space<vmem>>
        %dma_start3A_348 = arith.constant 0 : i32
        %dma_start3A_349 = tpu.memref_slice %arg7[%rem3A_60, %dma_start3A_342, %dma_start3A_348] : memref<2x6x112xi32, #tpu.memory_space<vmem>> -> memref<1x1x112xi32, #tpu.memory_space<vmem>>
        %dma_start3A_350 = tpu.memref_squeeze %dma_start3A_349 : memref<1x1x112xi32, #tpu.memory_space<vmem>> -> memref<112xi32, #tpu.memory_space<vmem>>
        %dma_start3A_351 = arith.constant 0 : i32
        %dma_start3A_352 = arith.constant 0 : i32
        %dma_start3A_353 = tpu.memref_slice %arg4[%dma_start3A_351, %dma_start3A_352] : memref<10240x128xf32, #tpu.memory_space<hbm>> -> memref<10240x128xf32, #tpu.memory_space<hbm>>
        tpu.enqueue_indirect_dma source(%dma_start3A_353 : memref<10240x128xf32, #tpu.memory_space<hbm>>) target(%dma_start3A_347 : memref<112x128xf32, #tpu.memory_space<vmem>>) offsets(%dma_start3A_350 : memref<112xi32, #tpu.memory_space<vmem>>) semaphore(%arg11 : memref<!tpu.dma_semaphore, #tpu.memory_space<semaphore_mem>>)
      } else {
      }
      %dma_wait3A_299 = arith.constant 5 : i32
      %dma_wait3A_300 = arith.constant 2 : i32
      %dma_wait3A_301 = arith.constant 0 : i32
      %dma_wait3A_302 = arith.constant 0 : i32
      %dma_wait3A_303 = tpu.memref_slice %arg9[%dma_wait3A_300, %dma_wait3A_301, %dma_wait3A_302] : memref<3x112x128xf32, #tpu.memory_space<vmem>> -> memref<1x112x128xf32, #tpu.memory_space<vmem>>
      %dma_wait3A_304 = tpu.memref_squeeze %dma_wait3A_303 : memref<1x112x128xf32, #tpu.memory_space<vmem>> -> memref<112x128xf32, #tpu.memory_space<vmem>>
      %dma_wait3A_305 = arith.constant 0 : i32
      %dma_wait3A_306 = tpu.memref_slice %arg7[%rem3A_56, %dma_wait3A_299, %dma_wait3A_305] : memref<2x6x112xi32, #tpu.memory_space<vmem>> -> memref<1x1x112xi32, #tpu.memory_space<vmem>>
      %dma_wait3A_307 = tpu.memref_squeeze %dma_wait3A_306 : memref<1x1x112xi32, #tpu.memory_space<vmem>> -> memref<112xi32, #tpu.memory_space<vmem>>
      %dma_wait3A_308 = arith.constant 0 : i32
      %dma_wait3A_309 = arith.constant 0 : i32
      %dma_wait3A_310 = tpu.memref_slice %arg4[%dma_wait3A_308, %dma_wait3A_309] : memref<10240x128xf32, #tpu.memory_space<hbm>> -> memref<10240x128xf32, #tpu.memory_space<hbm>>
      tpu.wait_indirect_dma semaphore(%arg13 : memref<!tpu.dma_semaphore, #tpu.memory_space<semaphore_mem>>) src(%dma_wait3A_310 : memref<10240x128xf32, #tpu.memory_space<hbm>>) dst(%dma_wait3A_304 : memref<112x128xf32, #tpu.memory_space<vmem>>)
      %dma_start3A_311 = arith.constant 2 : i32
      %dma_start3A_312 = arith.constant 5 : i32
      %dma_start3A_313 = arith.constant 0 : i32
      %dma_start3A_314 = arith.constant 0 : i32
      %dma_start3A_315 = tpu.memref_slice %arg9[%dma_start3A_311, %dma_start3A_313, %dma_start3A_314] : memref<3x112x128xf32, #tpu.memory_space<vmem>> -> memref<1x112x128xf32, #tpu.memory_space<vmem>>
      %dma_start3A_316 = tpu.memref_squeeze %dma_start3A_315 : memref<1x112x128xf32, #tpu.memory_space<vmem>> -> memref<112x128xf32, #tpu.memory_space<vmem>>
      %dma_start3A_317 = arith.constant 0 : i32
      %dma_start3A_318 = tpu.memref_slice %arg8[%rem3A_56, %dma_start3A_312, %dma_start3A_317] : memref<2x6x112xi32, #tpu.memory_space<vmem>> -> memref<1x1x112xi32, #tpu.memory_space<vmem>>
      %dma_start3A_319 = tpu.memref_squeeze %dma_start3A_318 : memref<1x1x112xi32, #tpu.memory_space<vmem>> -> memref<112xi32, #tpu.memory_space<vmem>>
      %dma_start3A_320 = arith.constant 0 : i32
      %dma_start3A_321 = arith.constant 0 : i32
      %dma_start3A_322 = tpu.memref_slice %arg10[%dma_start3A_320, %dma_start3A_321] : memref<10240x128xf32, #tpu.memory_space<vmem_shared>> -> memref<10240x128xf32, #tpu.memory_space<vmem_shared>>
      tpu.enqueue_indirect_dma source(%dma_start3A_316 : memref<112x128xf32, #tpu.memory_space<vmem>>) target(%dma_start3A_322 : memref<10240x128xf32, #tpu.memory_space<vmem_shared>>) offsets(%dma_start3A_319 : memref<112xi32, #tpu.memory_space<vmem>>) semaphore(%arg13 : memref<!tpu.dma_semaphore, #tpu.memory_space<semaphore_mem>>) {add = true}
      %dma_wait3A_323 = arith.constant 1 : i32
      %dma_wait3A_324 = arith.constant 5 : i32
      %dma_wait3A_325 = arith.constant 0 : i32
      %dma_wait3A_326 = arith.constant 0 : i32
      %dma_wait3A_327 = tpu.memref_slice %arg9[%dma_wait3A_323, %dma_wait3A_325, %dma_wait3A_326] : memref<3x112x128xf32, #tpu.memory_space<vmem>> -> memref<1x112x128xf32, #tpu.memory_space<vmem>>
      %dma_wait3A_328 = tpu.memref_squeeze %dma_wait3A_327 : memref<1x112x128xf32, #tpu.memory_space<vmem>> -> memref<112x128xf32, #tpu.memory_space<vmem>>
      %dma_wait3A_329 = arith.constant 0 : i32
      %dma_wait3A_330 = tpu.memref_slice %arg8[%rem3A_56, %dma_wait3A_324, %dma_wait3A_329] : memref<2x6x112xi32, #tpu.memory_space<vmem>> -> memref<1x1x112xi32, #tpu.memory_space<vmem>>
      %dma_wait3A_331 = tpu.memref_squeeze %dma_wait3A_330 : memref<1x1x112xi32, #tpu.memory_space<vmem>> -> memref<112xi32, #tpu.memory_space<vmem>>
      %dma_wait3A_332 = arith.constant 0 : i32
      %dma_wait3A_333 = arith.constant 0 : i32
      %dma_wait3A_334 = tpu.memref_slice %arg10[%dma_wait3A_332, %dma_wait3A_333] : memref<10240x128xf32, #tpu.memory_space<vmem_shared>> -> memref<10240x128xf32, #tpu.memory_space<vmem_shared>>
      tpu.wait_indirect_dma semaphore(%arg12 : memref<!tpu.dma_semaphore, #tpu.memory_space<semaphore_mem>>) src(%dma_wait3A_328 : memref<112x128xf32, #tpu.memory_space<vmem>>) dst(%dma_wait3A_334 : memref<10240x128xf32, #tpu.memory_space<vmem_shared>>)
      %add3A_335 = arith.constant 1 : i32
      %add3A_336 = arith.addi %scan3A_54, %add3A_335 : i32
      %lt3A_337 = arith.constant 15 : i32
      %lt3A_338 = arith.cmpi slt, %add3A_336, %lt3A_337 : i32
      %convert_element_type3A_339 = arith.extui %lt3A_338 : i1 to i32
      %cond3A_340 = arith.constant 0 : i32
      %cond3A_341 = arith.cmpi ne, %convert_element_type3A_339, %cond3A_340 : i32
      scf.if %cond3A_341 {
        %dma_start3A_342 = arith.constant 1 : i32
        %dma_start3A_343 = arith.constant 1 : i32
        %dma_start3A_344 = arith.constant 0 : i32
        %dma_start3A_345 = arith.constant 0 : i32
        %dma_start3A_346 = tpu.memref_slice %arg9[%dma_start3A_343, %dma_start3A_344, %dma_start3A_345] : memref<3x112x128xf32, #tpu.memory_space<vmem>> -> memref<1x112x128xf32, #tpu.memory_space<vmem>>
        %dma_start3A_347 = tpu.memref_squeeze %dma_start3A_346 : memref<1x112x128xf32, #tpu.memory_space<vmem>> -> memref<112x128xf32, #tpu.memory_space<vmem>>
        %dma_start3A_348 = arith.constant 0 : i32
        %dma_start3A_349 = tpu.memref_slice %arg7[%rem3A_60, %dma_start3A_342, %dma_start3A_348] : memref<2x6x112xi32, #tpu.memory_space<vmem>> -> memref<1x1x112xi32, #tpu.memory_space<vmem>>
        %dma_start3A_350 = tpu.memref_squeeze %dma_start3A_349 : memref<1x1x112xi32, #tpu.memory_space<vmem>> -> memref<112xi32, #tpu.memory_space<vmem>>
        %dma_start3A_351 = arith.constant 0 : i32
        %dma_start3A_352 = arith.constant 0 : i32
        %dma_start3A_353 = tpu.memref_slice %arg4[%dma_start3A_351, %dma_start3A_352] : memref<10240x128xf32, #tpu.memory_space<hbm>> -> memref<10240x128xf32, #tpu.memory_space<hbm>>
        tpu.enqueue_indirect_dma source(%dma_start3A_353 : memref<10240x128xf32, #tpu.memory_space<hbm>>) target(%dma_start3A_347 : memref<112x128xf32, #tpu.memory_space<vmem>>) offsets(%dma_start3A_350 : memref<112xi32, #tpu.memory_space<vmem>>) semaphore(%arg12 : memref<!tpu.dma_semaphore, #tpu.memory_space<semaphore_mem>>)
      } else {
      }
    }
    %scan3A_35 = arith.constant 15 : i32
    %rem3A = arith.constant 14 : i32
    %rem3A_36 = arith.constant 2 : i32
    %rem3A_37 = arith.remsi %rem3A, %rem3A_36 : i32
    %dma_wait3A = arith.constant 2 : i32
    %dma_wait3A_38 = arith.constant 5 : i32
    %dma_wait3A_39 = arith.constant 0 : i32
    %dma_wait3A_40 = arith.constant 0 : i32
    %dma_wait3A_41 = tpu.memref_slice %arg9[%dma_wait3A, %dma_wait3A_39, %dma_wait3A_40] : memref<3x112x128xf32, #tpu.memory_space<vmem>> -> memref<1x112x128xf32, #tpu.memory_space<vmem>>
    %dma_wait3A_42 = tpu.memref_squeeze %dma_wait3A_41 : memref<1x112x128xf32, #tpu.memory_space<vmem>> -> memref<112x128xf32, #tpu.memory_space<vmem>>
    %dma_wait3A_43 = arith.constant 0 : i32
    %dma_wait3A_44 = tpu.memref_slice %arg8[%rem3A_37, %dma_wait3A_38, %dma_wait3A_43] : memref<2x6x112xi32, #tpu.memory_space<vmem>> -> memref<1x1x112xi32, #tpu.memory_space<vmem>>
    %dma_wait3A_45 = tpu.memref_squeeze %dma_wait3A_44 : memref<1x1x112xi32, #tpu.memory_space<vmem>> -> memref<112xi32, #tpu.memory_space<vmem>>
    %dma_wait3A_46 = arith.constant 0 : i32
    %dma_wait3A_47 = arith.constant 0 : i32
    %dma_wait3A_48 = tpu.memref_slice %arg10[%dma_wait3A_46, %dma_wait3A_47] : memref<10240x128xf32, #tpu.memory_space<vmem_shared>> -> memref<10240x128xf32, #tpu.memory_space<vmem_shared>>
    tpu.wait_indirect_dma semaphore(%arg13 : memref<!tpu.dma_semaphore, #tpu.memory_space<semaphore_mem>>) src(%dma_wait3A_42 : memref<112x128xf32, #tpu.memory_space<vmem>>) dst(%dma_wait3A_48 : memref<10240x128xf32, #tpu.memory_space<vmem_shared>>)
    %barrier3A_49 = arith.constant 0 : index
    tpu.barrier barrier_id(%barrier3A_49)
    %mul3A_50 = arith.constant 640 : i32
    %mul3A_51 = arith.muli %arg1, %mul3A_50 : i32
    %mul3A_52 = arith.constant 640 : i32
    %mul3A_53 = arith.muli %arg1, %mul3A_52 : i32
    "tpu.region"() ({
      %run_scoped3A_54 = tpu.sem_alloc : memref<!tpu.dma_semaphore, #tpu.memory_space<semaphore_mem>>
      %dma_start3A_55 = arith.constant 0 : i32
      %dma_start3A_56 = tpu.memref_slice %arg6[%arg0, %mul3A_53, %dma_start3A_55] : memref<2x10240x128xf32, #tpu.memory_space<hbm>> -> memref<1x640x128xf32, #tpu.memory_space<hbm>>
      %dma_start3A_57 = tpu.memref_squeeze %dma_start3A_56 : memref<1x640x128xf32, #tpu.memory_space<hbm>> -> memref<640x128xf32, #tpu.memory_space<hbm>>
      %dma_start3A_58 = arith.constant 0 : i32
      %dma_start3A_59 = tpu.memref_slice %arg10[%mul3A_51, %dma_start3A_58] : memref<10240x128xf32, #tpu.memory_space<vmem_shared>> -> memref<640x128xf32, #tpu.memory_space<vmem_shared>>
      tpu.enqueue_dma source(%dma_start3A_59 : memref<640x128xf32, #tpu.memory_space<vmem_shared>>) target(%dma_start3A_57 : memref<640x128xf32, #tpu.memory_space<hbm>>) target_semaphore(%run_scoped3A_54 : memref<!tpu.dma_semaphore, #tpu.memory_space<semaphore_mem>>)
      %dma_wait3A_60 = arith.constant 0 : i32
      %dma_wait3A_61 = tpu.memref_slice %arg6[%arg0, %mul3A_53, %dma_wait3A_60] : memref<2x10240x128xf32, #tpu.memory_space<hbm>> -> memref<1x640x128xf32, #tpu.memory_space<hbm>>
      %dma_wait3A_62 = tpu.memref_squeeze %dma_wait3A_61 : memref<1x640x128xf32, #tpu.memory_space<hbm>> -> memref<640x128xf32, #tpu.memory_space<hbm>>
      %dma_wait3A_63 = arith.constant 0 : i32
      %dma_wait3A_64 = tpu.memref_slice %arg10[%mul3A_51, %dma_wait3A_63] : memref<10240x128xf32, #tpu.memory_space<vmem_shared>> -> memref<640x128xf32, #tpu.memory_space<vmem_shared>>
      tpu.wait_dma2 semaphore(%run_scoped3A_54 : memref<!tpu.dma_semaphore, #tpu.memory_space<semaphore_mem>>) src(%dma_wait3A_64 : memref<640x128xf32, #tpu.memory_space<vmem_shared>>) dst(%dma_wait3A_62 : memref<640x128xf32, #tpu.memory_space<hbm>>)
      tpu.yield
    }) : () -> ()
    return
  }
}

module attributes {stable_mosaic.version = 14 : i64} {
  func.func @body(%arg0: i32, %arg1: memref<2x2048x128xf32, #tpu.memory_space<vmem>>, %arg2: memref<2x2048x128xf32, #tpu.memory_space<vmem>>, %arg3: memref<2048x128xf32, #tpu.memory_space<vmem>>) attributes {dimension_semantics = [#tpu.dimension_semantics<arbitrary>], iteration_bounds = array<i64: 5>, scalar_prefetch = 0 : i64, scratch_operands = 0 : i64, tpu.core_type = #tpu.core_type<tc>, window_params = [{transform_indices = @transform_0, window_bounds = array<i64: 2, 2048, 128>}, {transform_indices = @transform_1, window_bounds = array<i64: 2, 2048, 128>}, {transform_indices = @transform_2, window_bounds = array<i64: 2048, 128>}]} {
    %get3A = arith.constant 0 : index
    %get3A_0 = arith.constant 0 : index
    %get3A_1 = arith.constant 0 : index
    %get3A_2 = vector.load %arg2[%get3A, %get3A_0, %get3A_1] : memref<2x2048x128xf32, #tpu.memory_space<vmem>>, vector<1x2048x1xf32>
    %get3A_3 = vector.shape_cast %get3A_2 : vector<1x2048x1xf32> to vector<2048x1xf32>
    %get3A_4 = arith.constant 1 : index
    %get3A_5 = arith.constant 0 : index
    %get3A_6 = arith.constant 0 : index
    %get3A_7 = vector.load %arg2[%get3A_4, %get3A_5, %get3A_6] : memref<2x2048x128xf32, #tpu.memory_space<vmem>>, vector<1x2048x1xf32>
    %get3A_8 = vector.shape_cast %get3A_7 : vector<1x2048x1xf32> to vector<2048x1xf32>
    %add3A = arith.addf %get3A_3, %get3A_8 : vector<2048x1xf32>
    %get3A_9 = arith.constant 0 : index
    %get3A_10 = arith.constant 0 : index
    %get3A_11 = arith.constant 0 : index
    %get3A_12 = vector.load %arg1[%get3A_9, %get3A_10, %get3A_11] : memref<2x2048x128xf32, #tpu.memory_space<vmem>>, vector<1x2048x128xf32>
    %get3A_13 = vector.shape_cast %get3A_12 : vector<1x2048x128xf32> to vector<2048x128xf32>
    %get3A_14 = arith.constant 1 : index
    %get3A_15 = arith.constant 0 : index
    %get3A_16 = arith.constant 0 : index
    %get3A_17 = vector.load %arg1[%get3A_14, %get3A_15, %get3A_16] : memref<2x2048x128xf32, #tpu.memory_space<vmem>>, vector<1x2048x128xf32>
    %get3A_18 = vector.shape_cast %get3A_17 : vector<1x2048x128xf32> to vector<2048x128xf32>
    %add3A_19 = arith.addf %get3A_13, %get3A_18 : vector<2048x128xf32>
    %max3A = arith.constant 1.000000e+00 : f32
    %max3A_20 = vector.broadcast %max3A : f32 to vector<2048x1xf32>
    %max3A_21 = arith.maximumf %add3A, %max3A_20 : vector<2048x1xf32>
    %div3A = vector.broadcast %max3A_21 : vector<2048x1xf32> to vector<2048x128xf32>
    %div3A_22 = arith.divf %add3A_19, %div3A : vector<2048x128xf32>
    %swap3A = arith.constant 0 : index
    %swap3A_23 = arith.constant 0 : index
    %swap3A_24 = vector.load %arg3[%swap3A, %swap3A_23] : memref<2048x128xf32, #tpu.memory_space<vmem>>, vector<2048x128xf32>
    tpu.vector_store %arg3[%swap3A, %swap3A_23], %div3A_22 {strides = array<i32>} : memref<2048x128xf32, #tpu.memory_space<vmem>>, vector<2048x128xf32>,
    return
  }
  func.func @transform_0(%arg0: i32) -> (i32, i32, i32) {
    %c0_i32 = arith.constant 0 : i32
    %c0_i32_0 = arith.constant 0 : i32
    %c0_i32_1 = arith.constant 0 : i32
    return %c0_i32, %arg0, %c0_i32_0 : i32, i32, i32
  }
  func.func @transform_1(%arg0: i32) -> (i32, i32, i32) {
    %c0_i32 = arith.constant 0 : i32
    %c0_i32_0 = arith.constant 0 : i32
    %c0_i32_1 = arith.constant 0 : i32
    return %c0_i32, %arg0, %c0_i32_0 : i32, i32, i32
  }
  func.func @transform_2(%arg0: i32) -> (i32, i32) {
    %c0_i32 = arith.constant 0 : i32
    %c0_i32_0 = arith.constant 0 : i32
    return %arg0, %c0_i32 : i32, i32
  }
}

module attributes {stable_mosaic.version = 14 : i64} {
  func.func @body(%arg0: i32, %arg1: memref<2x2048x128xf32, #tpu.memory_space<vmem>>, %arg2: memref<2x2048x128xf32, #tpu.memory_space<vmem>>, %arg3: memref<2048x128xf32, #tpu.memory_space<vmem>>, %arg4: memref<2048x128xf32, #tpu.memory_space<vmem>>, %arg5: memref<2048x128xf32, #tpu.memory_space<vmem>>, %arg6: memref<2048x128xf32, #tpu.memory_space<vmem>>) attributes {dimension_semantics = [#tpu.dimension_semantics<arbitrary>], iteration_bounds = array<i64: 5>, scalar_prefetch = 0 : i64, scratch_operands = 0 : i64, tpu.core_type = #tpu.core_type<tc>, window_params = [{transform_indices = @transform_0, window_bounds = array<i64: 2, 2048, 128>}, {transform_indices = @transform_1, window_bounds = array<i64: 2, 2048, 128>}, {transform_indices = @transform_2, window_bounds = array<i64: 2048, 128>}, {transform_indices = @transform_3, window_bounds = array<i64: 2048, 128>}, {transform_indices = @transform_4, window_bounds = array<i64: 2048, 128>}, {transform_indices = @transform_5, window_bounds = array<i64: 2048, 128>}]} {
    %get3A = arith.constant 0 : index
    %get3A_0 = arith.constant 0 : index
    %get3A_1 = arith.constant 0 : index
    %get3A_2 = vector.load %arg2[%get3A, %get3A_0, %get3A_1] : memref<2x2048x128xf32, #tpu.memory_space<vmem>>, vector<1x2048x1xf32>
    %get3A_3 = vector.shape_cast %get3A_2 : vector<1x2048x1xf32> to vector<2048x1xf32>
    %get3A_4 = arith.constant 1 : index
    %get3A_5 = arith.constant 0 : index
    %get3A_6 = arith.constant 0 : index
    %get3A_7 = vector.load %arg2[%get3A_4, %get3A_5, %get3A_6] : memref<2x2048x128xf32, #tpu.memory_space<vmem>>, vector<1x2048x1xf32>
    %get3A_8 = vector.shape_cast %get3A_7 : vector<1x2048x1xf32> to vector<2048x1xf32>
    %add3A = arith.addf %get3A_3, %get3A_8 : vector<2048x1xf32>
    %get3A_9 = arith.constant 0 : index
    %get3A_10 = arith.constant 0 : index
    %get3A_11 = arith.constant 0 : index
    %get3A_12 = vector.load %arg1[%get3A_9, %get3A_10, %get3A_11] : memref<2x2048x128xf32, #tpu.memory_space<vmem>>, vector<1x2048x128xf32>
    %get3A_13 = vector.shape_cast %get3A_12 : vector<1x2048x128xf32> to vector<2048x128xf32>
    %get3A_14 = arith.constant 1 : index
    %get3A_15 = arith.constant 0 : index
    %get3A_16 = arith.constant 0 : index
    %get3A_17 = vector.load %arg1[%get3A_14, %get3A_15, %get3A_16] : memref<2x2048x128xf32, #tpu.memory_space<vmem>>, vector<1x2048x128xf32>
    %get3A_18 = vector.shape_cast %get3A_17 : vector<1x2048x128xf32> to vector<2048x128xf32>
    %add3A_19 = arith.addf %get3A_13, %get3A_18 : vector<2048x128xf32>
    %max3A = arith.constant 1.000000e+00 : f32
    %max3A_20 = vector.broadcast %max3A : f32 to vector<2048x1xf32>
    %max3A_21 = arith.maximumf %add3A, %max3A_20 : vector<2048x1xf32>
    %div3A = vector.broadcast %max3A_21 : vector<2048x1xf32> to vector<2048x128xf32>
    %div3A_22 = arith.divf %add3A_19, %div3A : vector<2048x128xf32>
    %get3A_23 = arith.constant 0 : index
    %get3A_24 = arith.constant 0 : index
    %get3A_25 = vector.load %arg3[%get3A_23, %get3A_24] : memref<2048x128xf32, #tpu.memory_space<vmem>>, vector<2048x128xf32>
    %get3A_26 = arith.constant 0 : index
    %get3A_27 = arith.constant 0 : index
    %get3A_28 = vector.load %arg4[%get3A_26, %get3A_27] : memref<2048x128xf32, #tpu.memory_space<vmem>>, vector<2048x128xf32>
    %add3A_29 = arith.addf %get3A_25, %get3A_28 : vector<2048x128xf32>
    %get3A_30 = arith.constant 0 : index
    %get3A_31 = arith.constant 0 : index
    %get3A_32 = vector.load %arg5[%get3A_30, %get3A_31] : memref<2048x128xf32, #tpu.memory_space<vmem>>, vector<2048x128xf32>
    %add3A_33 = arith.addf %add3A_29, %get3A_32 : vector<2048x128xf32>
    %add3A_34 = arith.addf %add3A_33, %div3A_22 : vector<2048x128xf32>
    %mul3A = arith.constant 2.500000e-01 : f32
    %mul3A_35 = vector.broadcast %mul3A : f32 to vector<2048x128xf32>
    %mul3A_36 = arith.mulf %add3A_34, %mul3A_35 : vector<2048x128xf32>
    %swap3A = arith.constant 0 : index
    %swap3A_37 = arith.constant 0 : index
    %swap3A_38 = vector.load %arg6[%swap3A, %swap3A_37] : memref<2048x128xf32, #tpu.memory_space<vmem>>, vector<2048x128xf32>
    tpu.vector_store %arg6[%swap3A, %swap3A_37], %mul3A_36 {strides = array<i32>} : memref<2048x128xf32, #tpu.memory_space<vmem>>, vector<2048x128xf32>,
    return
  }
  func.func @transform_0(%arg0: i32) -> (i32, i32, i32) {
    %c0_i32 = arith.constant 0 : i32
    %c0_i32_0 = arith.constant 0 : i32
    %c0_i32_1 = arith.constant 0 : i32
    return %c0_i32, %arg0, %c0_i32_0 : i32, i32, i32
  }
  func.func @transform_1(%arg0: i32) -> (i32, i32, i32) {
    %c0_i32 = arith.constant 0 : i32
    %c0_i32_0 = arith.constant 0 : i32
    %c0_i32_1 = arith.constant 0 : i32
    return %c0_i32, %arg0, %c0_i32_0 : i32, i32, i32
  }
  func.func @transform_2(%arg0: i32) -> (i32, i32) {
    %c0_i32 = arith.constant 0 : i32
    %c0_i32_0 = arith.constant 0 : i32
    return %arg0, %c0_i32 : i32, i32
  }
  func.func @transform_3(%arg0: i32) -> (i32, i32) {
    %c0_i32 = arith.constant 0 : i32
    %c0_i32_0 = arith.constant 0 : i32
    return %arg0, %c0_i32 : i32, i32
  }
  func.func @transform_4(%arg0: i32) -> (i32, i32) {
    %c0_i32 = arith.constant 0 : i32
    %c0_i32_0 = arith.constant 0 : i32
    return %arg0, %c0_i32 : i32, i32
  }
  func.func @transform_5(%arg0: i32) -> (i32, i32) {
    %c0_i32 = arith.constant 0 : i32
    %c0_i32_0 = arith.constant 0 : i32
    return %arg0, %c0_i32 : i32, i32
  }
}

</mosaic_0001>

<sc_bundles>
// kernel: kernel.12.cloned.1.call-start
scs
__scs_entry_jumppad:
0x0: {  	(pc) =	sbr.rel $0x88, $3  }
0x1: {  	(tag) =	ssettag $0x0;
	lr =	simm.s32 $0x1  }
0x2: {  	[smem:$0x3F9E] =	sst lr;
	_ =	strace $0xD0000000  }
0x3: {  	_ = 	snop  }
0x4: {  	_ = 	snop  }
0x5: {  	_ = 	snop  }
0x6: {  	_ = 	snop  }
0x7: {  	_ = 	snop  }
__scs_overlays_trampoline_lowered:
0x8: {  	[smem:$0x3FAD] =	sst s0  }
0x9: {  	[smem:$0x3FAE] =	sst s1  }
0xa: {  	[smem:$0x3FAF] =	sst s2  }
0xb: {  	[smem:$0x3FB0] =	sst s3  }
0xc: {  	[smem:$0x3FB1] =	sst s4  }
0xd: {  	[smem:$0x3FB2] =	sst s5  }
0xe: {  	[smem:$0x3FB3] =	sst s6  }
0xf: {  	[smem:$0x3FB4] =	sst s7  }
0x10: {  	[smem:$0x3FB5] =	sst s8  }
0x11: {  	[smem:$0x3FB6] =	sst s9;
	s0 =	simm.s32 @!p0 $0x0  }
0x12: {  	s1 =	sld [smem:$0x3F9C];
	s0 =	simm.s32 @p0 $0x1  }
0x13: {  	[smem:$0x3FB7] =	sst s0;
	s0 =	simm.s32 @!p1 $0x0  }
0x14: {  	s2 =	sld [smem:$0x3F9B];
	s0 =	simm.s32 @p1 $0x1  }
0x15: {  	[smem:$0x3FB8] =	sst s0;
	s0 =	simm.s32 @!p2 $0x0  }
0x16: {  	s3 =	sld [smem:$0x3FDB];
	s0 =	simm.s32 @p2 $0x1  }
0x17: {  	s4 =	simm.s32 $0x1BF5;
	[smem:$0x3FBA] =	sst s0  }
0x18: {  	s0 =	sld [smem:$0x3F9D];
	_ =	swait.ge [sflag:s4], $0x0  }
0x19: {  	s7 =	sld [smem:$0x3F9E]  }
0x1a: {  	s8 =	sadd.s32 $0xFFFFE003, lr  }
0x1b: {  	s9 =	sadd.s32 $0xFFFFFEF7, lr;
	s5 =	simm.s32 $0xFFFFFFFF;
	p2 =	slt.u32 s8, $0xFFFFF086  }
0x1c: {  	p1 =	slt.u32 s9, $0xF7A;
	s5 =	simm.s32 @!p2 $0x0  }
0x1d: {  	s5 =	simm.s32 @p1 $0x1;
	p0 =	seq.s32 s7, s2  }
0x1e: {  	s7 =	smul.u32 @!p0 $0xF7A, s2;
	p2 =	seq.s32 @!p0 s5, $0x0  }
0x1f: {  	s9 =	smul.u32 $0xF7A, s1;
	s8 =	simm.s32 @!p0 $0x1BF5;
	p2 =	por !p2, p0  }
0x20: {  	[sflag:s8] =	ssyncset.s32 @!p0 $0xFFFFF086;
	s6 =	sadd.s32 @!p0 s3, s7;
	s7 =	simm.s32 @!p0 $0x108  }
0x21: {  	s3 =	sadd.s32 s3, s9;
	s6 =	sadd.s32 @!p0 $0x88, s6;
	s7 =	simm.s32 @p2 $0x1082  }
0x22: {  	[simem:s7], [sflag:s8] =	dma.local @!p0 [hbm:s6], $0xF7A  }
0x23: {  	s9 =	sor.u32 $0xD0000000, s2;
	s6 =	simm.s32 $0x108;
	_ =	swait.ge @!p0 [sflag:s8], $0x0  }
0x24: {  	s3 =	sadd.s32 $0x88, s3;
	s6 =	simm.s32 @!p1 $0x1082;
	[sflag:s4] =	ssyncset.s32 $0xFFFFF086  }
0x25: {  	[simem:s6], [sflag:s4] =	dma.local [hbm:s3], $0xF7A  }
0x26: {  	[smem:$0x3F9E] =	sst s1;
	(tag) =	ssettag s2;
	_ =	strace s9  }
0x27: {  	s1 =	sld [smem:$0x3FAE]  }
0x28: {  	s2 =	sld [smem:$0x3FAF]  }
0x29: {  	s4 =	sld [smem:$0x3FB1]  }
0x2a: {  	p0 =	seq.s32 s5, $0x0;
	s5 =	sld [smem:$0x3FB2]  }
0x2b: {  	s6 =	sld [smem:$0x3FB3]  }
0x2c: {  	s7 =	sld [smem:$0x3FB4]  }
0x2d: {  	s3 =	simm.s32 $0x108;
	s8 =	sld [smem:$0x3FB5]  }
0x2e: {  	s3 =	simm.s32 @!p0 $0x1082;
	s9 =	sld [smem:$0x3FB6]  }
0x2f: {  	lr =	sadd.s32 s0, s3;
	s0 =	sld [smem:$0x3FAD]  }
0x30: {  	s3 =	sld [smem:$0x3FB0]  }
0x31: {  	[smem:$0x3FB9] =	sst s10  }
0x32: {  	s10 =	sld [smem:$0x3FB7];
	_ =	sdelay $0x3  }
0x33: {  	p0 =	seq.s32 s10, $0x1;
	s10 =	sld [smem:$0x3FB9];
	_ =	sdelay $0x3  }
0x34: {  	[smem:$0x3FB9] =	sst s10  }
0x35: {  	s10 =	sld [smem:$0x3FB8];
	_ =	sdelay $0x3  }
0x36: {  	p1 =	seq.s32 s10, $0x1;
	s10 =	sld [smem:$0x3FB9];
	_ =	sdelay $0x3  }
0x37: {  	[smem:$0x3FB9] =	sst s10  }
0x38: {  	s10 =	sld [smem:$0x3FBA]  }
0x39: {  	_ = 	snop;
	(pc) =	sbr.ind lr, $3  }
0x3a: {  	_ = 	snop  }
0x3b: {  	_ = 	snop  }
0x3c: {  	p2 =	seq.s32 s10, $0x1;
	s10 =	sld [smem:$0x3FB9]  }
0x3d: {  	_ =	shalt  }
0x3e: {  	_ =	shalt  }
0x3f: {  	_ =	shalt  }
0x40: {  	_ =	shalt  }
0x41: {  	_ =	shalt  }
0x42: {  	_ =	shalt  }
0x43: {  	_ =	shalt  }
0x44: {  	_ =	shalt  }
0x45: {  	_ =	shalt  }
0x46: {  	_ =	shalt  }
0x47: {  	_ =	shalt  }
0x48: {  	_ =	shalt  }
0x49: {  	_ =	shalt  }
0x4a: {  	_ =	shalt  }
0x4b: {  	_ =	shalt  }
0x4c: {  	_ =	shalt  }
0x4d: {  	_ =	shalt  }
0x4e: {  	_ =	shalt  }
0x4f: {  	_ =	shalt  }
0x50: {  	_ =	shalt  }
0x51: {  	_ =	shalt  }
0x52: {  	_ =	shalt  }
0x53: {  	_ =	shalt  }
0x54: {  	_ =	shalt  }
0x55: {  	_ =	shalt  }
0x56: {  	_ =	shalt  }
0x57: {  	_ =	shalt  }
0x58: {  	_ =	shalt  }
0x59: {  	_ =	shalt  }
0x5a: {  	_ =	shalt  }
0x5b: {  	_ =	shalt  }
0x5c: {  	_ =	shalt  }
0x5d: {  	_ =	shalt  }
0x5e: {  	_ =	shalt  }
0x5f: {  	_ =	shalt  }
0x60: {  	_ =	shalt  }
0x61: {  	_ =	shalt  }
0x62: {  	_ =	shalt  }
0x63: {  	_ =	shalt  }
0x64: {  	_ =	shalt  }
0x65: {  	_ =	shalt  }
0x66: {  	_ =	shalt  }
0x67: {  	_ =	shalt  }
0x68: {  	_ =	shalt  }
0x69: {  	_ =	shalt  }
0x6a: {  	_ =	shalt  }
0x6b: {  	_ =	shalt  }
0x6c: {  	_ =	shalt  }
0x6d: {  	_ =	shalt  }
0x6e: {  	_ =	shalt  }
0x6f: {  	_ =	shalt  }
0x70: {  	_ =	shalt  }
0x71: {  	_ =	shalt  }
0x72: {  	_ =	shalt  }
0x73: {  	_ =	shalt  }
0x74: {  	_ =	shalt  }
0x75: {  	_ =	shalt  }
0x76: {  	_ =	shalt  }
0x77: {  	_ =	shalt  }
0x78: {  	_ =	shalt  }
0x79: {  	_ =	shalt  }
0x7a: {  	_ =	shalt  }
0x7b: {  	_ =	shalt  }
0x7c: {  	_ =	shalt  }
0x7d: {  	_ =	shalt  }
0x7e: {  	_ =	shalt  }
0x7f: {  	_ =	shalt  }
0x80: {  	_ =	shalt  }
0x81: {  	_ =	shalt  }
0x82: {  	_ =	shalt  }
0x83: {  	_ =	shalt  }
0x84: {  	_ =	shalt  }
0x85: {  	_ =	shalt  }
0x86: {  	_ =	shalt  }
0x87: {  	_ =	shalt  }
.Lfunc_end0:
.L_simem_size_0:
called_computation.1_lowered:
.L_overlay_start_0:
0x88: {  	s2 =	sld [smem:$0x3FD9]  }
0x89: {  	s3 =	sld [smem:$0x3FFE];
	_ =	sdelay $0x1  }
0x8a: {  	s1 =	srdreg.scid  }
0x8b: {  	s0 =	sand.u32 $0x1, s1  }
0x8c: {  	s14 =	sshll.u32 s0, $0xA;
	s2 =	sadd.s32 s3, s2  }
0x8d: {  	s2 =	sadd.s32 s2, s14  }
0x8e: {  	[smem:$0x3FC5] =	sst s2  }
0x8f: {  	_ = 	snop  }
0x90: {  	s2 =	sld [smem:$0x3FD0];
	_ =	sdelay $0x2  }
0x91: {  	s15 =	simm.s32 $0xA;
	s4 =	simm.s32 $0x10  }
0x92: {  	[smem:s4], [sflag:s15] =	dma.local [hbm:s2], $0x1  }
0x93: {  	_ =	swait.eq [sflag:s15], $0x1  }
0x94: {  	[sflag:s15] =	ssyncset.done $0x0  }
0x95: {  	[sflag:s15] =	ssyncadd.s32 $0xFFFFFFFF  }
0x96: {  	s16 =	sld [smem:$0x11];
	(tm) =	ssettm $0x1  }
0x97: {  	s17 =	sld [smem:$0x3FFB];
	_ =	sdelay $0x3  }
0x98: {  	_ =	strace s17  }
0x99: {  	s3 =	sld [smem:$0x3FFC];
	_ =	sdelay $0x3  }
0x9a: {  	_ =	strace s3  }
0x9b: {  	s3 =	sld [smem:$0x3FFD];
	_ =	sdelay $0x3  }
0x9c: {  	_ =	strace s3  }
0x9d: {  	_ =	strace $0x8FFFFFFF  }
0x9e: {  	s18 =	sld [smem:$0x3FDB];
	_ =	sdelay $0x1  }
0x9f: {  	s19 =	simm.s32 $_scs_section_size  }
0xa0: {  	s5 =	simm.s32 $_size__tile_overlayer_lowered;
	s6 =	simm.s32 $_tile_overlayer_lowered  }
0xa1: {  	s22 =	simm.s32 $0x1BFF;
	s21 =	sshll.u32 s6, $0x1;
	s3 =	sadd.s32 s19, s18  }
0xa2: {  	s7 =	simm.s32 $0x0;
	s20 =	sshll.u32 s5, $0x1;
	s5 =	sadd.s32 s21, s3  }
0xa3: {  	[timem:s7], [sflag:s22] =	dma.local [hbm:s5], s20  }
0xa4: {  	_ =	swait.ge [sflag:s22], s20  }
0xa5: {  	s4 =	ssub.s32 $0x0, s20;
	[sflag:s22] =	ssyncset.done $0x0  }
0xa6: {  	[sflag:s22] =	ssyncadd.s32 s4;
	_ =	sdelay $0x1  }
0xa7: {  	s23 =	simm.s32 $0x1B8B  }
0xa8: {  	_ =	swait.ge [sflag:s23], $0x1  }
0xa9: {  	[sflag:s23] =	ssyncset.done $0x0  }
0xaa: {  	s25 =	simm.s32 $0x1B8E;
	s24 =	sld [smem:$0x3FFE];
	[sflag:s23] =	ssyncadd.s32 $0xFFFFFFFF  }
0xab: {  	s26 =	simm.s32 $execute0_lowered;
	[smem:$0x3FD2] =	sst s25  }
0xac: {  	s5 =	sshll.u32 s26, $0x1;
	_ =	strace $0x80000049;
	[dreg:$0x1] =	wrdreg $0xFFFFFFFF  }
0xad: {  	s28 =	simm.s32 $_size_execute0_lowered;
	s3 =	sadd.s32 s3, s5;
	[dreg:$0x0] =	wrdreg $0x0  }
0xae: {  	s5 =	sshll.u32 s28, $0x1;
	[dreg:$0x2] =	wrdreg s3  }
0xaf: {  	[dreg:$0x3] =	wrdreg s5  }
0xb0: {  	[dreg:$0x4] =	wrdreg $0xC0  }
0xb1: {  	_ =	task [dreg:s7], $0x5FFFF  }
0xb2: {  	[dreg:$0x1] =	wrdreg $0xFFFFFFFF  }
0xb3: {  	[dreg:$0x0] =	wrdreg $0x60  }
0xb4: {  	[dreg:$0x2] =	wrdreg s16  }
0xb5: {  	[dreg:$0x3] =	wrdreg s24  }
0xb6: {  	[dreg:$0x4] =	wrdreg $0xB8000  }
0xb7: {  	[dreg:$0x5] =	wrdreg $0x9  }
0xb8: {  	_ =	task.clear_ibuf [dreg:s7], $0x6FFFF;
	_ =	strace $0x90000049  }
0xb9: {  	s29 =	simm.s32 $0x9;
	_ =	strace $0x8000004B  }
0xba: {  	_ =	swait.ge [sflag:s29], $0x1  }
0xbb: {  	[sflag:s29] =	ssyncadd.s32 $0xFFFFFFFF  }
0xbc: {  	_ =	strace $0x9000004B  }
0xbd: {  	_ =	sfence  }
0xbe: {  	s30 =	sld [smem:$0x0];
	_ =	sdelay $0x2  }
0xbf: {  	s31 =	sshll.u32 s1, $0xD;
	s1 =	sshrl.u32 s1, $0x2  }
0xc0: {  	s3 =	sand.u32 $0x4000, s31;
	s1 =	sadd.s32 s1, s30  }
0xc1: {  	s0 =	sor.u32 s3, s0;
	s1 =	sshll.u32 s1, $0x11  }
0xc2: {  	s0 =	sor.u32 s1, s0  }
0xc3: {  	s0 =	sadd.s32 $0x8F2B, s0  }
0xc4: {  	[sflag:s0] =	ssyncadd.remote.s32 $0x1  }
0xc5: {  	_ =	sfence.sel $0xFFFF  }
0xc6: {  	[dreg:$0x0] =	wrdreg $0xFFFFFFFF;
	(pc) =	sbr.abs _section_cstart, $3  }
0xc7: {  	[dreg:$0x1] =	wrdreg $0xFFFFFFFF  }
0xc8: {  	_ =	task.clear_ibuf [dreg:s7], $0x2FFFF;
	_ =	strace $0x9FFFFFFF  }
0xc9: {  	(tm) =	ssettm $0x7FFFFFFF  }
tec
execute0_lowered:
.L_overlay_start_1:
0x0: {  	(tag) =	ssettag $0x1  }
0x1: {  	s1 =	rddreg [dreg:$0x0]  }
0x2: {  	s8 =	rddreg [dreg:$0x1]  }
0x3: {  	s2 =	rddreg [dreg:$0x2];
	s3 =	srdreg.scid;
	s4 =	simm.s32 $0x0  }
0x4: {  	s0 =	stileid.u32;
	s17 =	simm.s32 $0x70;
	s18 =	simm.s32 $0x1000  }
0x5: {  	s19 =	simm.s32 $0x80;
	s20 =	simm.s32 $0x4800;
	s21 =	simm.s32 $0x1  }
0x6: {  	s22 =	simm.s32 $0x8000;
	s23 =	simm.s32 $0x2;
	s24 =	simm.s32 $0x3  }
0x7: {  	s25 =	simm.s32 $0x4;
	s26 =	simm.s32 $0x0;
	s10 =	smul.u32 $0x14000, s0  }
0x8: {  	s9 =	sand.u32 $0x1, s3;
	[smem:$0x7FF] =	sst s4;
	s12 =	smul.u32 $0x50000, s0  }
0x9: {  	s5 =	sadd.s32 $0x55E00, s8;
	s14 =	smul.u32 $0x3C00, s0;
	s31 =	sshll.u32 s0, $0x6  }
0xa: {  	s7 =	smul.u32 $0x140000, s9;
	s6 =	sshll.u32 s9, $0x4;
	_ =	strace $0x8000004A  }
0xb: {  	s28 =	ssub.s32 $0x2, s9;
	s13 =	smul.u32 $0x3C000, s9;
	s11 =	sor.u32 s0, s6  }
0xc: {  	s6 =	sadd.s32 $0x64E00, s8;
	s29 =	sshrl.u32 s28, $0x1;
	s12 =	sshrl.u32 s12, $0x2  }
0xd: {  	s10 =	sadd.s32 s10, s7;
	s11 =	smul.u32 $0x3C00, s11;
	s7 =	sadd.s32 $0x3600, s8  }
.Ltmp0:
0xe: {  	s15 =	ssub.s32 s28, s29;
	s16 =	sadd.s32 s12, s2;
	(pc) =	sbr.rel .LBB2_1-.Ltmp0, $4  }
0xf: {  	s30 =	sadd.s32 s14, s13;
	s13 =	simm.s32 $0x5;
	s10 =	sshrl.u32 s10, $0x3  }
0x10: {  	s12 =	sadd.s32 $0x400, s30;
	s16 =	sshrl.u32 s16, $0x3;
	s11 =	sshrl.u32 s11, $0x3  }
0x11: {  	s10 =	sadd.s32 s10, s8;
	s8 =	sadd.s32 s1, s11;
	s9 =	sadd.s32 s5, s11  }
0x12: {  	s10 =	sadd.s32 $0x8CE00, s10;
	s11 =	smax.u32 s15, $0x1;
	s15 =	sor.u32 $0x1C05, s31  }
.LBB2_3:
0x13: {  	_ =	swait.ge [sflag:s24], $0x3800  }
0x14: {  	[sflag:s24] =	ssyncset.done $0x0  }
0x15: {  	s0 =	sor.u32 $0x800, s31;
	[sflag:s24] =	ssyncadd.s32 $0xFFFFC800  }
0x16: {  	[spmem:s2] =	stream.indirect.scatter.add.f32 [tilespmem:s22], [sflag:$0x3], $0x80, s0, s17, $0xb8;
	[tilespmem:$0x1F800] =	vst v63  }
0x17: {  	_ =	swait.ge [sflag:s23], $0x3800  }
0x18: {  	[sflag:s23] =	ssyncset.done $0x0  }
0x19: {  	[sflag:s23] =	ssyncadd.s32 $0xFFFFC800  }
.LBB2_5:
0x1a: {  	_ =	swait.ge [sflag:s24], $0x3800  }
0x1b: {  	s26 =	sadd.s32 $0x1, s26;
	[sflag:s24] =	ssyncset.done $0x0  }
0x1c: {  	p0 =	sne.s32 s26, s11;
	[sflag:s24] =	ssyncadd.s32 $0xFFFFC800  }
.Ltmp1:
0x1d: {  	[bflag:$0x0] =	sbarrier.arrive $0xFFFF;
	(pc) =	sbr.rel @!p0 .LBB2_6-.Ltmp1, $4  }
0x1e: {  	[hbm:s10], [sflag:s15] =	dma.local [spmem:s16], $0x2800  }
0x1f: {  	_ =	swait.ge [sflag:s13], $0x2800  }
0x20: {  	[sflag:s13] =	ssyncset.done $0x0  }
0x21: {  	[sflag:s13] =	ssyncadd.s32 $0xFFFFD800  }
.LBB2_1:
0x22: {  	[tilespmem:s4], [sflag:$0x5] =	stream.linear.gather [hbm4b:s8+s4], $0x300, $0x38;
	[tilespmem:$0x1F800] =	vst v63  }
0x23: {  	_ =	swait.ge [sflag:s13], $0x300  }
0x24: {  	[sflag:s13] =	ssyncset.done $0x0  }
0x25: {  	s0 =	simm.s32 $0x800;
	[sflag:s13] =	ssyncadd.s32 $0xFFFFFD00  }
0x26: {  	[tilespmem:s0], [sflag:$0x5] =	stream.linear.gather [hbm4b:s9+s4], $0x300, $0x38;
	[tilespmem:$0x1F800] =	vst v63  }
0x27: {  	_ =	swait.ge [sflag:s13], $0x300  }
0x28: {  	[sflag:s13] =	ssyncset.done $0x0  }
0x29: {  	[sflag:s13] =	ssyncadd.s32 $0xFFFFFD00  }
0x2a: {  	[spmem:s16], [sflag:s15] =	dma.local [hbm:s7], $0x2800  }
0x2b: {  	_ =	swait.ge [sflag:s13], $0x2800  }
0x2c: {  	[sflag:s13] =	ssyncset.done $0x0  }
0x2d: {  	[sflag:s13] =	ssyncadd.s32 $0xFFFFD800  }
0x2e: {  	[bflag:$0x0] =	sbarrier.arrive $0xFFFF  }
0x2f: {  	[tilespmem:s18], [sflag:$0x1] =	stream.indirect.gather [hbm4b:s6+s17], $0x80, s4, s17, $0xb8;
	[tilespmem:$0x1F800] =	vst v63  }
0x30: {  	s28 =	simm.s32 $0x1;
	s29 =	simm.s32 $0x0  }
0x31: {  	[tilespmem:s20], [sflag:$0x2] =	stream.indirect.gather [hbm4b:s6+s17], $0x80, s19, s17, $0xb8;
	[tilespmem:$0x1F800] =	vst v63  }
.LBB2_2:
0x32: {  	p0 =	seq.s32 s29, $0x3800  }
0x33: {  	s31 =	sadd.s32 @!p0 s29, s12  }
0x34: {  	s30 =	sand.u32 $0x1, s28;
	s31 =	sshrl.u32 @!p0 s31, $0x3  }
0x35: {  	s0 =	sshll.u32 @!p0 s30, $0xA;
	s14 =	simm.s32 @!p0 $0x0;
	s3 =	sadd.s32 @!p0 s1, s31  }
0x36: {  	[tilespmem:s0], [sflag:$0x4] =	stream.linear.gather @!p0 [hbm4b:s3+s14], $0x300, $0x38;
	[tilespmem:$0x1F800] =	vst v63  }
0x37: {  	s0 =	sor.u32 @!p0 $0x800, s0;
	s3 =	sadd.s32 @!p0 s5, s31  }
0x38: {  	[tilespmem:s0], [sflag:$0x4] =	stream.linear.gather @!p0 [hbm4b:s3+s14], $0x300, $0x38;
	[tilespmem:$0x1F800] =	vst v63  }
0x39: {  	_ =	swait.ge [sflag:s21], $0x3800  }
0x3a: {  	s0 =	sand.u32 $0x400, s29;
	p0 =	seq.s32 s29, $0x0;
	[sflag:s21] =	ssyncset.done $0x0  }
0x3b: {  	s14 =	sor.u32 $0x800, s0;
	s3 =	simm.s32 @!p0 $0x3;
	[sflag:s21] =	ssyncadd.s32 $0xFFFFC800  }
0x3c: {  	[spmem:s2] =	stream.indirect.scatter.add.f32 [tilespmem:s18], [sflag:$0x1], $0x80, s14, s17, $0xb8;
	[tilespmem:$0x1F800] =	vst v63  }
0x3d: {  	_ =	swait.ge @!p0 [sflag:s3], $0x3800  }
0x3e: {  	[sflag:s3] =	ssyncset.done @!p0 $0x0  }
0x3f: {  	s14 =	sor.u32 $0x100, s0;
	[sflag:s3] =	ssyncadd.s32 @!p0 $0xFFFFC800  }
0x40: {  	[tilespmem:s22], [sflag:$0x3] =	stream.indirect.gather [hbm4b:s6+s17], $0x80, s14, s17, $0xb8;
	[tilespmem:$0x1F800] =	vst v63  }
0x41: {  	_ =	swait.ge [sflag:s23], $0x3800  }
0x42: {  	[sflag:s23] =	ssyncset.done $0x0  }
0x43: {  	s14 =	sadd.s32 $0x880, s0;
	[sflag:s23] =	ssyncadd.s32 $0xFFFFC800  }
0x44: {  	[spmem:s2] =	stream.indirect.scatter.add.f32 [tilespmem:s20], [sflag:$0x2], $0x80, s14, s17, $0xb8;
	[tilespmem:$0x1F800] =	vst v63  }
0x45: {  	_ =	swait.ge [sflag:s21], $0x3800  }
0x46: {  	[sflag:s21] =	ssyncset.done $0x0  }
0x47: {  	s14 =	sor.u32 $0x180, s0;
	[sflag:s21] =	ssyncadd.s32 $0xFFFFC800  }
0x48: {  	[tilespmem:s18], [sflag:$0x1] =	stream.indirect.gather [hbm4b:s6+s17], $0x80, s14, s17, $0xb8;
	[tilespmem:$0x1F800] =	vst v63  }
0x49: {  	_ =	swait.ge [sflag:s24], $0x3800  }
0x4a: {  	[sflag:s24] =	ssyncset.done $0x0  }
0x4b: {  	s14 =	sor.u32 $0x900, s0;
	[sflag:s24] =	ssyncadd.s32 $0xFFFFC800  }
0x4c: {  	[spmem:s2] =	stream.indirect.scatter.add.f32 [tilespmem:s22], [sflag:$0x3], $0x80, s14, s17, $0xb8;
	[tilespmem:$0x1F800] =	vst v63  }
0x4d: {  	_ =	swait.ge [sflag:s23], $0x3800  }
0x4e: {  	[sflag:s23] =	ssyncset.done $0x0  }
0x4f: {  	s14 =	sor.u32 $0x200, s0;
	[sflag:s23] =	ssyncadd.s32 $0xFFFFC800  }
0x50: {  	[tilespmem:s20], [sflag:$0x2] =	stream.indirect.gather [hbm4b:s6+s17], $0x80, s14, s17, $0xb8;
	[tilespmem:$0x1F800] =	vst v63  }
0x51: {  	_ =	swait.ge [sflag:s21], $0x3800  }
0x52: {  	[sflag:s21] =	ssyncset.done $0x0  }
0x53: {  	s14 =	sor.u32 $0x980, s0;
	[sflag:s21] =	ssyncadd.s32 $0xFFFFC800  }
0x54: {  	[spmem:s2] =	stream.indirect.scatter.add.f32 [tilespmem:s18], [sflag:$0x1], $0x80, s14, s17, $0xb8;
	[tilespmem:$0x1F800] =	vst v63  }
0x55: {  	_ =	swait.ge [sflag:s24], $0x3800  }
0x56: {  	[sflag:s24] =	ssyncset.done $0x0  }
0x57: {  	s31 =	sor.u32 $0x280, s0;
	[sflag:s24] =	ssyncadd.s32 $0xFFFFC800  }
0x58: {  	[tilespmem:s22], [sflag:$0x3] =	stream.indirect.gather [hbm4b:s6+s17], $0x80, s31, s17, $0xb8;
	[tilespmem:$0x1F800] =	vst v63  }
0x59: {  	_ =	swait.ge [sflag:s23], $0x3800  }
0x5a: {  	p0 =	sne.s32 s29, $0x3800;
	[sflag:s23] =	ssyncset.done $0x0  }
.Ltmp2:
0x5b: {  	s0 =	sor.u32 $0xA00, s0;
	[sflag:s23] =	ssyncadd.s32 $0xFFFFC800;
	(pc) =	sbr.rel @!p0 .LBB2_3-.Ltmp2, $4  }
0x5c: {  	[spmem:s2] =	stream.indirect.scatter.add.f32 [tilespmem:s20], [sflag:$0x2], $0x80, s0, s17, $0xb8;
	[tilespmem:$0x1F800] =	vst v63  }
0x5d: {  	_ =	swait.ge [sflag:s21], $0x3800  }
0x5e: {  	[sflag:s21] =	ssyncset.done $0x0  }
0x5f: {  	[sflag:s21] =	ssyncadd.s32 $0xFFFFC800  }
0x60: {  	_ =	swait.ge [sflag:s25], $0x300  }
0x61: {  	[sflag:s25] =	ssyncset.done $0x0  }
0x62: {  	[sflag:s25] =	ssyncadd.s32 $0xFFFFFD00  }
0x63: {  	_ =	swait.ge [sflag:s25], $0x300  }
0x64: {  	[sflag:s25] =	ssyncset.done $0x0  }
0x65: {  	s0 =	sshll.u32 s30, $0xA;
	[sflag:s25] =	ssyncadd.s32 $0xFFFFFD00  }
0x66: {  	[tilespmem:s18], [sflag:$0x1] =	stream.indirect.gather [hbm4b:s6+s17], $0x80, s0, s17, $0xb8;
	[tilespmem:$0x1F800] =	vst v63  }
0x67: {  	_ =	swait.ge [sflag:s24], $0x3800  }
0x68: {  	s29 =	sadd.s32 $0x400, s29;
	[sflag:s24] =	ssyncset.done $0x0  }
0x69: {  	s3 =	sor.u32 $0x800, s31;
	p0 =	sne.s32 s29, $0x3C00;
	[sflag:s24] =	ssyncadd.s32 $0xFFFFC800  }
0x6a: {  	[spmem:s2] =	stream.indirect.scatter.add.f32 [tilespmem:s22], [sflag:$0x3], $0x80, s3, s17, $0xb8;
	[tilespmem:$0x1F800] =	vst v63  }
.Ltmp3:
0x6b: {  	_ = 	snop;
	(pc) =	sbr.rel @p0 .LBB2_2-.Ltmp3, $4  }
.Ltmp4:
0x6c: {  	_ =	swait.ge [sflag:s23], $0x3800;
	(pc) =	sbr.rel @!p0 .LBB2_5-.Ltmp4, $4  }
0x6d: {  	[sflag:s23] =	ssyncset.done $0x0  }
0x6e: {  	s28 =	sadd.s32 $0x1, s28;
	s0 =	sor.u32 $0x80, s0;
	[sflag:s23] =	ssyncadd.s32 $0xFFFFC800  }
0x6f: {  	[tilespmem:s20], [sflag:$0x2] =	stream.indirect.gather [hbm4b:s6+s17], $0x80, s0, s17, $0xb8;
	[tilespmem:$0x1F800] =	vst v63  }
0x70: {  	_ = 	snop  }
.LBB2_6:
0x71: {  	_ =	sfence.sel $0x180000  }
0x72: {  	[bflag:$0x0] =	sbarrier.arrive $0xFFFF  }
0x73: {  	_ =	strace $0x9000004A  }
0x74: {  	s0 =	stileid.u32;
	[bflag:$0x2] =	sbarrier.arrive $0xFFFF  }
0x75: {  	p0 =	sne.s32 s0, $0x0;
	s0 =	rddreg [dreg:$0x3]  }
0x76: {  	s0 =	sadd.s32 @!p0 $0x100000, s0  }
0x77: {  	[sflag:s0] =	ssyncadd.tile.s32 @!p0 $0x1;
	_ =	shalt  }
.Lfunc_end2:
_tile_overlayer_lowered:
.L_overlay_start_2:
0x78: {  	(tag) =	ssettag $0x2  }
0x79: {  	s0 =	rddreg [dreg:$0x0];
	s2 =	stileid.u32  }
0x7a: {  	s1 =	rddreg [dreg:$0x1];
	p0 =	sne.s32 s2, $0x0  }
0x7b: {  	s3 =	rddreg [dreg:$0x2];
	[bflag:$0x3] =	sbarrier.arrive $0xFFFF;
	s2 =	simm.s32 @!p0 $0x1C05  }
0x7c: {  	[timem:s3], [sflag:s2] =	dma.local @!p0 [hbm:s0], s1  }
0x7d: {  	s0 =	simm.s32 @!p0 $0x5  }
0x7e: {  	_ =	swait.ge @!p0 [sflag:s0], s1  }
0x7f: {  	s1 =	ssub.s32 @!p0 $0x0, s1;
	[sflag:s0] =	ssyncset.done @!p0 $0x0  }
0x80: {  	[sflag:s0] =	ssyncadd.s32 @!p0 s1  }
0x81: {  	[bflag:$0x3] =	sbarrier.arrive $0xFFFF  }
0x82: {  	_ =	shalt  }

// kernel: kernel.15.cloned.1.call-start
scs
__scs_entry_jumppad:
0x0: {  	(pc) =	sbr.rel $0x88, $3  }
0x1: {  	(tag) =	ssettag $0x0;
	lr =	simm.s32 $0x1  }
0x2: {  	[smem:$0x3F9E] =	sst lr;
	_ =	strace $0xD0000000  }
0x3: {  	_ = 	snop  }
0x4: {  	_ = 	snop  }
0x5: {  	_ = 	snop  }
0x6: {  	_ = 	snop  }
0x7: {  	_ = 	snop  }
__scs_overlays_trampoline_lowered:
0x8: {  	[smem:$0x3FAD] =	sst s0  }
0x9: {  	[smem:$0x3FAE] =	sst s1  }
0xa: {  	[smem:$0x3FAF] =	sst s2  }
0xb: {  	[smem:$0x3FB0] =	sst s3  }
0xc: {  	[smem:$0x3FB1] =	sst s4  }
0xd: {  	[smem:$0x3FB2] =	sst s5  }
0xe: {  	[smem:$0x3FB3] =	sst s6  }
0xf: {  	[smem:$0x3FB4] =	sst s7  }
0x10: {  	[smem:$0x3FB5] =	sst s8  }
0x11: {  	[smem:$0x3FB6] =	sst s9;
	s0 =	simm.s32 @!p0 $0x0  }
0x12: {  	s1 =	sld [smem:$0x3F9C];
	s0 =	simm.s32 @p0 $0x1  }
0x13: {  	[smem:$0x3FB7] =	sst s0;
	s0 =	simm.s32 @!p1 $0x0  }
0x14: {  	s2 =	sld [smem:$0x3F9B];
	s0 =	simm.s32 @p1 $0x1  }
0x15: {  	[smem:$0x3FB8] =	sst s0;
	s0 =	simm.s32 @!p2 $0x0  }
0x16: {  	s3 =	sld [smem:$0x3FDB];
	s0 =	simm.s32 @p2 $0x1  }
0x17: {  	s4 =	simm.s32 $0x1BF5;
	[smem:$0x3FBA] =	sst s0  }
0x18: {  	s0 =	sld [smem:$0x3F9D];
	_ =	swait.ge [sflag:s4], $0x0  }
0x19: {  	s7 =	sld [smem:$0x3F9E]  }
0x1a: {  	s8 =	sadd.s32 $0xFFFFE003, lr  }
0x1b: {  	s9 =	sadd.s32 $0xFFFFFEF7, lr;
	s5 =	simm.s32 $0xFFFFFFFF;
	p2 =	slt.u32 s8, $0xFFFFF086  }
0x1c: {  	p1 =	slt.u32 s9, $0xF7A;
	s5 =	simm.s32 @!p2 $0x0  }
0x1d: {  	s5 =	simm.s32 @p1 $0x1;
	p0 =	seq.s32 s7, s2  }
0x1e: {  	s7 =	smul.u32 @!p0 $0xF7A, s2;
	p2 =	seq.s32 @!p0 s5, $0x0  }
0x1f: {  	s9 =	smul.u32 $0xF7A, s1;
	s8 =	simm.s32 @!p0 $0x1BF5;
	p2 =	por !p2, p0  }
0x20: {  	[sflag:s8] =	ssyncset.s32 @!p0 $0xFFFFF086;
	s6 =	sadd.s32 @!p0 s3, s7;
	s7 =	simm.s32 @!p0 $0x108  }
0x21: {  	s3 =	sadd.s32 s3, s9;
	s6 =	sadd.s32 @!p0 $0x88, s6;
	s7 =	simm.s32 @p2 $0x1082  }
0x22: {  	[simem:s7], [sflag:s8] =	dma.local @!p0 [hbm:s6], $0xF7A  }
0x23: {  	s9 =	sor.u32 $0xD0000000, s2;
	s6 =	simm.s32 $0x108;
	_ =	swait.ge @!p0 [sflag:s8], $0x0  }
0x24: {  	s3 =	sadd.s32 $0x88, s3;
	s6 =	simm.s32 @!p1 $0x1082;
	[sflag:s4] =	ssyncset.s32 $0xFFFFF086  }
0x25: {  	[simem:s6], [sflag:s4] =	dma.local [hbm:s3], $0xF7A  }
0x26: {  	[smem:$0x3F9E] =	sst s1;
	(tag) =	ssettag s2;
	_ =	strace s9  }
0x27: {  	s1 =	sld [smem:$0x3FAE]  }
0x28: {  	s2 =	sld [smem:$0x3FAF]  }
0x29: {  	s4 =	sld [smem:$0x3FB1]  }
0x2a: {  	p0 =	seq.s32 s5, $0x0;
	s5 =	sld [smem:$0x3FB2]  }
0x2b: {  	s6 =	sld [smem:$0x3FB3]  }
0x2c: {  	s7 =	sld [smem:$0x3FB4]  }
0x2d: {  	s3 =	simm.s32 $0x108;
	s8 =	sld [smem:$0x3FB5]  }
0x2e: {  	s3 =	simm.s32 @!p0 $0x1082;
	s9 =	sld [smem:$0x3FB6]  }
0x2f: {  	lr =	sadd.s32 s0, s3;
	s0 =	sld [smem:$0x3FAD]  }
0x30: {  	s3 =	sld [smem:$0x3FB0]  }
0x31: {  	[smem:$0x3FB9] =	sst s10  }
0x32: {  	s10 =	sld [smem:$0x3FB7];
	_ =	sdelay $0x3  }
0x33: {  	p0 =	seq.s32 s10, $0x1;
	s10 =	sld [smem:$0x3FB9];
	_ =	sdelay $0x3  }
0x34: {  	[smem:$0x3FB9] =	sst s10  }
0x35: {  	s10 =	sld [smem:$0x3FB8];
	_ =	sdelay $0x3  }
0x36: {  	p1 =	seq.s32 s10, $0x1;
	s10 =	sld [smem:$0x3FB9];
	_ =	sdelay $0x3  }
0x37: {  	[smem:$0x3FB9] =	sst s10  }
0x38: {  	s10 =	sld [smem:$0x3FBA]  }
0x39: {  	_ = 	snop;
	(pc) =	sbr.ind lr, $3  }
0x3a: {  	_ = 	snop  }
0x3b: {  	_ = 	snop  }
0x3c: {  	p2 =	seq.s32 s10, $0x1;
	s10 =	sld [smem:$0x3FB9]  }
0x3d: {  	_ =	shalt  }
0x3e: {  	_ =	shalt  }
0x3f: {  	_ =	shalt  }
0x40: {  	_ =	shalt  }
0x41: {  	_ =	shalt  }
0x42: {  	_ =	shalt  }
0x43: {  	_ =	shalt  }
0x44: {  	_ =	shalt  }
0x45: {  	_ =	shalt  }
0x46: {  	_ =	shalt  }
0x47: {  	_ =	shalt  }
0x48: {  	_ =	shalt  }
0x49: {  	_ =	shalt  }
0x4a: {  	_ =	shalt  }
0x4b: {  	_ =	shalt  }
0x4c: {  	_ =	shalt  }
0x4d: {  	_ =	shalt  }
0x4e: {  	_ =	shalt  }
0x4f: {  	_ =	shalt  }
0x50: {  	_ =	shalt  }
0x51: {  	_ =	shalt  }
0x52: {  	_ =	shalt  }
0x53: {  	_ =	shalt  }
0x54: {  	_ =	shalt  }
0x55: {  	_ =	shalt  }
0x56: {  	_ =	shalt  }
0x57: {  	_ =	shalt  }
0x58: {  	_ =	shalt  }
0x59: {  	_ =	shalt  }
0x5a: {  	_ =	shalt  }
0x5b: {  	_ =	shalt  }
0x5c: {  	_ =	shalt  }
0x5d: {  	_ =	shalt  }
0x5e: {  	_ =	shalt  }
0x5f: {  	_ =	shalt  }
0x60: {  	_ =	shalt  }
0x61: {  	_ =	shalt  }
0x62: {  	_ =	shalt  }
0x63: {  	_ =	shalt  }
0x64: {  	_ =	shalt  }
0x65: {  	_ =	shalt  }
0x66: {  	_ =	shalt  }
0x67: {  	_ =	shalt  }
0x68: {  	_ =	shalt  }
0x69: {  	_ =	shalt  }
0x6a: {  	_ =	shalt  }
0x6b: {  	_ =	shalt  }
0x6c: {  	_ =	shalt  }
0x6d: {  	_ =	shalt  }
0x6e: {  	_ =	shalt  }
0x6f: {  	_ =	shalt  }
0x70: {  	_ =	shalt  }
0x71: {  	_ =	shalt  }
0x72: {  	_ =	shalt  }
0x73: {  	_ =	shalt  }
0x74: {  	_ =	shalt  }
0x75: {  	_ =	shalt  }
0x76: {  	_ =	shalt  }
0x77: {  	_ =	shalt  }
0x78: {  	_ =	shalt  }
0x79: {  	_ =	shalt  }
0x7a: {  	_ =	shalt  }
0x7b: {  	_ =	shalt  }
0x7c: {  	_ =	shalt  }
0x7d: {  	_ =	shalt  }
0x7e: {  	_ =	shalt  }
0x7f: {  	_ =	shalt  }
0x80: {  	_ =	shalt  }
0x81: {  	_ =	shalt  }
0x82: {  	_ =	shalt  }
0x83: {  	_ =	shalt  }
0x84: {  	_ =	shalt  }
0x85: {  	_ =	shalt  }
0x86: {  	_ =	shalt  }
0x87: {  	_ =	shalt  }
.Lfunc_end0:
.L_simem_size_0:
called_computation.2_lowered:
.L_overlay_start_0:
0x88: {  	s2 =	sld [smem:$0x3FD9]  }
0x89: {  	s3 =	sld [smem:$0x3FFE];
	_ =	sdelay $0x1  }
0x8a: {  	s1 =	srdreg.scid  }
0x8b: {  	s0 =	sand.u32 $0x1, s1  }
0x8c: {  	s14 =	sshll.u32 s0, $0xA;
	s2 =	sadd.s32 s3, s2  }
0x8d: {  	s2 =	sadd.s32 s2, s14  }
0x8e: {  	[smem:$0x3FC5] =	sst s2  }
0x8f: {  	_ = 	snop  }
0x90: {  	s2 =	sld [smem:$0x3FD0];
	_ =	sdelay $0x2  }
0x91: {  	s15 =	simm.s32 $0xA;
	s4 =	simm.s32 $0x10  }
0x92: {  	[smem:s4], [sflag:s15] =	dma.local [hbm:s2], $0x1  }
0x93: {  	_ =	swait.eq [sflag:s15], $0x1  }
0x94: {  	[sflag:s15] =	ssyncset.done $0x0  }
0x95: {  	[sflag:s15] =	ssyncadd.s32 $0xFFFFFFFF  }
0x96: {  	s16 =	sld [smem:$0x11];
	(tm) =	ssettm $0x1  }
0x97: {  	s17 =	sld [smem:$0x3FFB];
	_ =	sdelay $0x3  }
0x98: {  	_ =	strace s17  }
0x99: {  	s3 =	sld [smem:$0x3FFC];
	_ =	sdelay $0x3  }
0x9a: {  	_ =	strace s3  }
0x9b: {  	s3 =	sld [smem:$0x3FFD];
	_ =	sdelay $0x3  }
0x9c: {  	_ =	strace s3  }
0x9d: {  	_ =	strace $0x8FFFFFFF  }
0x9e: {  	s18 =	sld [smem:$0x3FDB];
	_ =	sdelay $0x1  }
0x9f: {  	s19 =	simm.s32 $_scs_section_size  }
0xa0: {  	s5 =	simm.s32 $_size__tile_overlayer_lowered;
	s6 =	simm.s32 $_tile_overlayer_lowered  }
0xa1: {  	s22 =	simm.s32 $0x1BFF;
	s21 =	sshll.u32 s6, $0x1;
	s3 =	sadd.s32 s19, s18  }
0xa2: {  	s7 =	simm.s32 $0x0;
	s20 =	sshll.u32 s5, $0x1;
	s5 =	sadd.s32 s21, s3  }
0xa3: {  	[timem:s7], [sflag:s22] =	dma.local [hbm:s5], s20  }
0xa4: {  	_ =	swait.ge [sflag:s22], s20  }
0xa5: {  	s4 =	ssub.s32 $0x0, s20;
	[sflag:s22] =	ssyncset.done $0x0  }
0xa6: {  	[sflag:s22] =	ssyncadd.s32 s4;
	_ =	sdelay $0x1  }
0xa7: {  	s23 =	simm.s32 $0x1B8B  }
0xa8: {  	_ =	swait.ge [sflag:s23], $0x1  }
0xa9: {  	[sflag:s23] =	ssyncset.done $0x0  }
0xaa: {  	s25 =	simm.s32 $0x1B8E;
	s24 =	sld [smem:$0x3FFE];
	[sflag:s23] =	ssyncadd.s32 $0xFFFFFFFF  }
0xab: {  	s26 =	simm.s32 $execute0_lowered;
	[smem:$0x3FD2] =	sst s25  }
0xac: {  	s5 =	sshll.u32 s26, $0x1;
	_ =	strace $0x8000004C;
	[dreg:$0x1] =	wrdreg $0xFFFFFFFF  }
0xad: {  	s28 =	simm.s32 $_size_execute0_lowered;
	s3 =	sadd.s32 s3, s5;
	[dreg:$0x0] =	wrdreg $0x0  }
0xae: {  	s5 =	sshll.u32 s28, $0x1;
	[dreg:$0x2] =	wrdreg s3  }
0xaf: {  	[dreg:$0x3] =	wrdreg s5  }
0xb0: {  	[dreg:$0x4] =	wrdreg $0xC0  }
0xb1: {  	_ =	task [dreg:s7], $0x5FFFF  }
0xb2: {  	[dreg:$0x1] =	wrdreg $0xFFFFFFFF  }
0xb3: {  	[dreg:$0x0] =	wrdreg $0x60  }
0xb4: {  	[dreg:$0x2] =	wrdreg s16  }
0xb5: {  	[dreg:$0x3] =	wrdreg s24  }
0xb6: {  	[dreg:$0x4] =	wrdreg $0xB8000  }
0xb7: {  	[dreg:$0x5] =	wrdreg $0x9  }
0xb8: {  	_ =	task.clear_ibuf [dreg:s7], $0x6FFFF;
	_ =	strace $0x9000004C  }
0xb9: {  	s29 =	simm.s32 $0x9;
	_ =	strace $0x8000004E  }
0xba: {  	_ =	swait.ge [sflag:s29], $0x1  }
0xbb: {  	[sflag:s29] =	ssyncadd.s32 $0xFFFFFFFF  }
0xbc: {  	_ =	strace $0x9000004E  }
0xbd: {  	_ =	sfence  }
0xbe: {  	s30 =	sld [smem:$0x0];
	_ =	sdelay $0x2  }
0xbf: {  	s31 =	sshll.u32 s1, $0xD;
	s1 =	sshrl.u32 s1, $0x2  }
0xc0: {  	s3 =	sand.u32 $0x4000, s31;
	s1 =	sadd.s32 s1, s30  }
0xc1: {  	s0 =	sor.u32 s3, s0;
	s1 =	sshll.u32 s1, $0x11  }
0xc2: {  	s0 =	sor.u32 s1, s0  }
0xc3: {  	s0 =	sadd.s32 $0x8F2B, s0  }
0xc4: {  	[sflag:s0] =	ssyncadd.remote.s32 $0x1  }
0xc5: {  	_ =	sfence.sel $0xFFFF  }
0xc6: {  	[dreg:$0x0] =	wrdreg $0xFFFFFFFF;
	(pc) =	sbr.abs _section_cstart, $3  }
0xc7: {  	[dreg:$0x1] =	wrdreg $0xFFFFFFFF  }
0xc8: {  	_ =	task.clear_ibuf [dreg:s7], $0x2FFFF;
	_ =	strace $0x9FFFFFFF  }
0xc9: {  	(tm) =	ssettm $0x7FFFFFFF  }
tec
execute0_lowered:
.L_overlay_start_1:
0x0: {  	(tag) =	ssettag $0x1  }
0x1: {  	s1 =	rddreg [dreg:$0x0]  }
0x2: {  	s8 =	rddreg [dreg:$0x1]  }
0x3: {  	s2 =	rddreg [dreg:$0x2];
	s3 =	srdreg.scid;
	s4 =	simm.s32 $0x0  }
0x4: {  	s0 =	stileid.u32;
	s17 =	simm.s32 $0x70;
	s18 =	simm.s32 $0x1000  }
0x5: {  	s19 =	simm.s32 $0x80;
	s20 =	simm.s32 $0x4800;
	s21 =	simm.s32 $0x1  }
0x6: {  	s22 =	simm.s32 $0x8000;
	s23 =	simm.s32 $0x2;
	s24 =	simm.s32 $0x3  }
0x7: {  	s25 =	simm.s32 $0x4;
	s26 =	simm.s32 $0x0;
	s10 =	smul.u32 $0x14000, s0  }
0x8: {  	s9 =	sand.u32 $0x1, s3;
	[smem:$0x7FF] =	sst s4;
	s12 =	smul.u32 $0x50000, s0  }
0x9: {  	s5 =	sadd.s32 $0x55E00, s8;
	s14 =	smul.u32 $0x3C00, s0;
	s31 =	sshll.u32 s0, $0x6  }
0xa: {  	s7 =	smul.u32 $0x140000, s9;
	s6 =	sshll.u32 s9, $0x4;
	_ =	strace $0x8000004D  }
0xb: {  	s28 =	ssub.s32 $0x2, s9;
	s13 =	smul.u32 $0x3C000, s9;
	s11 =	sor.u32 s0, s6  }
0xc: {  	s6 =	sadd.s32 $0x8CE00, s8;
	s29 =	sshrl.u32 s28, $0x1;
	s12 =	sshrl.u32 s12, $0x2  }
0xd: {  	s10 =	sadd.s32 s10, s7;
	s11 =	smul.u32 $0x3C00, s11;
	s7 =	sadd.s32 $0x3600, s8  }
.Ltmp0:
0xe: {  	s15 =	ssub.s32 s28, s29;
	s16 =	sadd.s32 s12, s2;
	(pc) =	sbr.rel .LBB2_1-.Ltmp0, $4  }
0xf: {  	s30 =	sadd.s32 s14, s13;
	s13 =	simm.s32 $0x5;
	s10 =	sshrl.u32 s10, $0x3  }
0x10: {  	s12 =	sadd.s32 $0x400, s30;
	s16 =	sshrl.u32 s16, $0x3;
	s11 =	sshrl.u32 s11, $0x3  }
0x11: {  	s10 =	sadd.s32 s10, s8;
	s8 =	sadd.s32 s1, s11;
	s9 =	sadd.s32 s5, s11  }
0x12: {  	s10 =	sadd.s32 $0xB4E00, s10;
	s11 =	smax.u32 s15, $0x1;
	s15 =	sor.u32 $0x1C05, s31  }
.LBB2_3:
0x13: {  	_ =	swait.ge [sflag:s24], $0x3800  }
0x14: {  	[sflag:s24] =	ssyncset.done $0x0  }
0x15: {  	s0 =	sor.u32 $0x800, s31;
	[sflag:s24] =	ssyncadd.s32 $0xFFFFC800  }
0x16: {  	[spmem:s2] =	stream.indirect.scatter.add.f32 [tilespmem:s22], [sflag:$0x3], $0x80, s0, s17, $0xb8;
	[tilespmem:$0x1F800] =	vst v63  }
0x17: {  	_ =	swait.ge [sflag:s23], $0x3800  }
0x18: {  	[sflag:s23] =	ssyncset.done $0x0  }
0x19: {  	[sflag:s23] =	ssyncadd.s32 $0xFFFFC800  }
.LBB2_5:
0x1a: {  	_ =	swait.ge [sflag:s24], $0x3800  }
0x1b: {  	s26 =	sadd.s32 $0x1, s26;
	[sflag:s24] =	ssyncset.done $0x0  }
0x1c: {  	p0 =	sne.s32 s26, s11;
	[sflag:s24] =	ssyncadd.s32 $0xFFFFC800  }
.Ltmp1:
0x1d: {  	[bflag:$0x0] =	sbarrier.arrive $0xFFFF;
	(pc) =	sbr.rel @!p0 .LBB2_6-.Ltmp1, $4  }
0x1e: {  	[hbm:s10], [sflag:s15] =	dma.local [spmem:s16], $0x2800  }
0x1f: {  	_ =	swait.ge [sflag:s13], $0x2800  }
0x20: {  	[sflag:s13] =	ssyncset.done $0x0  }
0x21: {  	[sflag:s13] =	ssyncadd.s32 $0xFFFFD800  }
.LBB2_1:
0x22: {  	[tilespmem:s4], [sflag:$0x5] =	stream.linear.gather [hbm4b:s8+s4], $0x300, $0x38;
	[tilespmem:$0x1F800] =	vst v63  }
0x23: {  	_ =	swait.ge [sflag:s13], $0x300  }
0x24: {  	[sflag:s13] =	ssyncset.done $0x0  }
0x25: {  	s0 =	simm.s32 $0x800;
	[sflag:s13] =	ssyncadd.s32 $0xFFFFFD00  }
0x26: {  	[tilespmem:s0], [sflag:$0x5] =	stream.linear.gather [hbm4b:s9+s4], $0x300, $0x38;
	[tilespmem:$0x1F800] =	vst v63  }
0x27: {  	_ =	swait.ge [sflag:s13], $0x300  }
0x28: {  	[sflag:s13] =	ssyncset.done $0x0  }
0x29: {  	[sflag:s13] =	ssyncadd.s32 $0xFFFFFD00  }
0x2a: {  	[spmem:s16], [sflag:s15] =	dma.local [hbm:s7], $0x2800  }
0x2b: {  	_ =	swait.ge [sflag:s13], $0x2800  }
0x2c: {  	[sflag:s13] =	ssyncset.done $0x0  }
0x2d: {  	[sflag:s13] =	ssyncadd.s32 $0xFFFFD800  }
0x2e: {  	[bflag:$0x0] =	sbarrier.arrive $0xFFFF  }
0x2f: {  	[tilespmem:s18], [sflag:$0x1] =	stream.indirect.gather [hbm4b:s6+s17], $0x80, s4, s17, $0xb8;
	[tilespmem:$0x1F800] =	vst v63  }
0x30: {  	s28 =	simm.s32 $0x1;
	s29 =	simm.s32 $0x0  }
0x31: {  	[tilespmem:s20], [sflag:$0x2] =	stream.indirect.gather [hbm4b:s6+s17], $0x80, s19, s17, $0xb8;
	[tilespmem:$0x1F800] =	vst v63  }
.LBB2_2:
0x32: {  	p0 =	seq.s32 s29, $0x3800  }
0x33: {  	s31 =	sadd.s32 @!p0 s29, s12  }
0x34: {  	s30 =	sand.u32 $0x1, s28;
	s31 =	sshrl.u32 @!p0 s31, $0x3  }
0x35: {  	s0 =	sshll.u32 @!p0 s30, $0xA;
	s14 =	simm.s32 @!p0 $0x0;
	s3 =	sadd.s32 @!p0 s1, s31  }
0x36: {  	[tilespmem:s0], [sflag:$0x4] =	stream.linear.gather @!p0 [hbm4b:s3+s14], $0x300, $0x38;
	[tilespmem:$0x1F800] =	vst v63  }
0x37: {  	s0 =	sor.u32 @!p0 $0x800, s0;
	s3 =	sadd.s32 @!p0 s5, s31  }
0x38: {  	[tilespmem:s0], [sflag:$0x4] =	stream.linear.gather @!p0 [hbm4b:s3+s14], $0x300, $0x38;
	[tilespmem:$0x1F800] =	vst v63  }
0x39: {  	_ =	swait.ge [sflag:s21], $0x3800  }
0x3a: {  	s0 =	sand.u32 $0x400, s29;
	p0 =	seq.s32 s29, $0x0;
	[sflag:s21] =	ssyncset.done $0x0  }
0x3b: {  	s14 =	sor.u32 $0x800, s0;
	s3 =	simm.s32 @!p0 $0x3;
	[sflag:s21] =	ssyncadd.s32 $0xFFFFC800  }
0x3c: {  	[spmem:s2] =	stream.indirect.scatter.add.f32 [tilespmem:s18], [sflag:$0x1], $0x80, s14, s17, $0xb8;
	[tilespmem:$0x1F800] =	vst v63  }
0x3d: {  	_ =	swait.ge @!p0 [sflag:s3], $0x3800  }
0x3e: {  	[sflag:s3] =	ssyncset.done @!p0 $0x0  }
0x3f: {  	s14 =	sor.u32 $0x100, s0;
	[sflag:s3] =	ssyncadd.s32 @!p0 $0xFFFFC800  }
0x40: {  	[tilespmem:s22], [sflag:$0x3] =	stream.indirect.gather [hbm4b:s6+s17], $0x80, s14, s17, $0xb8;
	[tilespmem:$0x1F800] =	vst v63  }
0x41: {  	_ =	swait.ge [sflag:s23], $0x3800  }
0x42: {  	[sflag:s23] =	ssyncset.done $0x0  }
0x43: {  	s14 =	sadd.s32 $0x880, s0;
	[sflag:s23] =	ssyncadd.s32 $0xFFFFC800  }
0x44: {  	[spmem:s2] =	stream.indirect.scatter.add.f32 [tilespmem:s20], [sflag:$0x2], $0x80, s14, s17, $0xb8;
	[tilespmem:$0x1F800] =	vst v63  }
0x45: {  	_ =	swait.ge [sflag:s21], $0x3800  }
0x46: {  	[sflag:s21] =	ssyncset.done $0x0  }
0x47: {  	s14 =	sor.u32 $0x180, s0;
	[sflag:s21] =	ssyncadd.s32 $0xFFFFC800  }
0x48: {  	[tilespmem:s18], [sflag:$0x1] =	stream.indirect.gather [hbm4b:s6+s17], $0x80, s14, s17, $0xb8;
	[tilespmem:$0x1F800] =	vst v63  }
0x49: {  	_ =	swait.ge [sflag:s24], $0x3800  }
0x4a: {  	[sflag:s24] =	ssyncset.done $0x0  }
0x4b: {  	s14 =	sor.u32 $0x900, s0;
	[sflag:s24] =	ssyncadd.s32 $0xFFFFC800  }
0x4c: {  	[spmem:s2] =	stream.indirect.scatter.add.f32 [tilespmem:s22], [sflag:$0x3], $0x80, s14, s17, $0xb8;
	[tilespmem:$0x1F800] =	vst v63  }
0x4d: {  	_ =	swait.ge [sflag:s23], $0x3800  }
0x4e: {  	[sflag:s23] =	ssyncset.done $0x0  }
0x4f: {  	s14 =	sor.u32 $0x200, s0;
	[sflag:s23] =	ssyncadd.s32 $0xFFFFC800  }
0x50: {  	[tilespmem:s20], [sflag:$0x2] =	stream.indirect.gather [hbm4b:s6+s17], $0x80, s14, s17, $0xb8;
	[tilespmem:$0x1F800] =	vst v63  }
0x51: {  	_ =	swait.ge [sflag:s21], $0x3800  }
0x52: {  	[sflag:s21] =	ssyncset.done $0x0  }
0x53: {  	s14 =	sor.u32 $0x980, s0;
	[sflag:s21] =	ssyncadd.s32 $0xFFFFC800  }
0x54: {  	[spmem:s2] =	stream.indirect.scatter.add.f32 [tilespmem:s18], [sflag:$0x1], $0x80, s14, s17, $0xb8;
	[tilespmem:$0x1F800] =	vst v63  }
0x55: {  	_ =	swait.ge [sflag:s24], $0x3800  }
0x56: {  	[sflag:s24] =	ssyncset.done $0x0  }
0x57: {  	s31 =	sor.u32 $0x280, s0;
	[sflag:s24] =	ssyncadd.s32 $0xFFFFC800  }
0x58: {  	[tilespmem:s22], [sflag:$0x3] =	stream.indirect.gather [hbm4b:s6+s17], $0x80, s31, s17, $0xb8;
	[tilespmem:$0x1F800] =	vst v63  }
0x59: {  	_ =	swait.ge [sflag:s23], $0x3800  }
0x5a: {  	p0 =	sne.s32 s29, $0x3800;
	[sflag:s23] =	ssyncset.done $0x0  }
.Ltmp2:
0x5b: {  	s0 =	sor.u32 $0xA00, s0;
	[sflag:s23] =	ssyncadd.s32 $0xFFFFC800;
	(pc) =	sbr.rel @!p0 .LBB2_3-.Ltmp2, $4  }
0x5c: {  	[spmem:s2] =	stream.indirect.scatter.add.f32 [tilespmem:s20], [sflag:$0x2], $0x80, s0, s17, $0xb8;
	[tilespmem:$0x1F800] =	vst v63  }
0x5d: {  	_ =	swait.ge [sflag:s21], $0x3800  }
0x5e: {  	[sflag:s21] =	ssyncset.done $0x0  }
0x5f: {  	[sflag:s21] =	ssyncadd.s32 $0xFFFFC800  }
0x60: {  	_ =	swait.ge [sflag:s25], $0x300  }
0x61: {  	[sflag:s25] =	ssyncset.done $0x0  }
0x62: {  	[sflag:s25] =	ssyncadd.s32 $0xFFFFFD00  }
0x63: {  	_ =	swait.ge [sflag:s25], $0x300  }
0x64: {  	[sflag:s25] =	ssyncset.done $0x0  }
0x65: {  	s0 =	sshll.u32 s30, $0xA;
	[sflag:s25] =	ssyncadd.s32 $0xFFFFFD00  }
0x66: {  	[tilespmem:s18], [sflag:$0x1] =	stream.indirect.gather [hbm4b:s6+s17], $0x80, s0, s17, $0xb8;
	[tilespmem:$0x1F800] =	vst v63  }
0x67: {  	_ =	swait.ge [sflag:s24], $0x3800  }
0x68: {  	s29 =	sadd.s32 $0x400, s29;
	[sflag:s24] =	ssyncset.done $0x0  }
0x69: {  	s3 =	sor.u32 $0x800, s31;
	p0 =	sne.s32 s29, $0x3C00;
	[sflag:s24] =	ssyncadd.s32 $0xFFFFC800  }
0x6a: {  	[spmem:s2] =	stream.indirect.scatter.add.f32 [tilespmem:s22], [sflag:$0x3], $0x80, s3, s17, $0xb8;
	[tilespmem:$0x1F800] =	vst v63  }
.Ltmp3:
0x6b: {  	_ = 	snop;
	(pc) =	sbr.rel @p0 .LBB2_2-.Ltmp3, $4  }
.Ltmp4:
0x6c: {  	_ =	swait.ge [sflag:s23], $0x3800;
	(pc) =	sbr.rel @!p0 .LBB2_5-.Ltmp4, $4  }
0x6d: {  	[sflag:s23] =	ssyncset.done $0x0  }
0x6e: {  	s28 =	sadd.s32 $0x1, s28;
	s0 =	sor.u32 $0x80, s0;
	[sflag:s23] =	ssyncadd.s32 $0xFFFFC800  }
0x6f: {  	[tilespmem:s20], [sflag:$0x2] =	stream.indirect.gather [hbm4b:s6+s17], $0x80, s0, s17, $0xb8;
	[tilespmem:$0x1F800] =	vst v63  }
0x70: {  	_ = 	snop  }
.LBB2_6:
0x71: {  	_ =	sfence.sel $0x180000  }
0x72: {  	[bflag:$0x0] =	sbarrier.arrive $0xFFFF  }
0x73: {  	_ =	strace $0x9000004D  }
0x74: {  	s0 =	stileid.u32;
	[bflag:$0x2] =	sbarrier.arrive $0xFFFF  }
0x75: {  	p0 =	sne.s32 s0, $0x0;
	s0 =	rddreg [dreg:$0x3]  }
0x76: {  	s0 =	sadd.s32 @!p0 $0x100000, s0  }
0x77: {  	[sflag:s0] =	ssyncadd.tile.s32 @!p0 $0x1;
	_ =	shalt  }
.Lfunc_end2:
_tile_overlayer_lowered:
.L_overlay_start_2:
0x78: {  	(tag) =	ssettag $0x2  }
0x79: {  	s0 =	rddreg [dreg:$0x0];
	s2 =	stileid.u32  }
0x7a: {  	s1 =	rddreg [dreg:$0x1];
	p0 =	sne.s32 s2, $0x0  }
0x7b: {  	s3 =	rddreg [dreg:$0x2];
	[bflag:$0x3] =	sbarrier.arrive $0xFFFF;
	s2 =	simm.s32 @!p0 $0x1C05  }
0x7c: {  	[timem:s3], [sflag:s2] =	dma.local @!p0 [hbm:s0], s1  }
0x7d: {  	s0 =	simm.s32 @!p0 $0x5  }
0x7e: {  	_ =	swait.ge @!p0 [sflag:s0], s1  }
0x7f: {  	s1 =	ssub.s32 @!p0 $0x0, s1;
	[sflag:s0] =	ssyncset.done @!p0 $0x0  }
0x80: {  	[sflag:s0] =	ssyncadd.s32 @!p0 s1  }
0x81: {  	[bflag:$0x3] =	sbarrier.arrive $0xFFFF  }
0x82: {  	_ =	shalt  }

// kernel: kernel.18.cloned.1.call-start
scs
__scs_entry_jumppad:
0x0: {  	(pc) =	sbr.rel $0x88, $3  }
0x1: {  	(tag) =	ssettag $0x0;
	lr =	simm.s32 $0x1  }
0x2: {  	[smem:$0x3F9E] =	sst lr;
	_ =	strace $0xD0000000  }
0x3: {  	_ = 	snop  }
0x4: {  	_ = 	snop  }
0x5: {  	_ = 	snop  }
0x6: {  	_ = 	snop  }
0x7: {  	_ = 	snop  }
__scs_overlays_trampoline_lowered:
0x8: {  	[smem:$0x3FAD] =	sst s0  }
0x9: {  	[smem:$0x3FAE] =	sst s1  }
0xa: {  	[smem:$0x3FAF] =	sst s2  }
0xb: {  	[smem:$0x3FB0] =	sst s3  }
0xc: {  	[smem:$0x3FB1] =	sst s4  }
0xd: {  	[smem:$0x3FB2] =	sst s5  }
0xe: {  	[smem:$0x3FB3] =	sst s6  }
0xf: {  	[smem:$0x3FB4] =	sst s7  }
0x10: {  	[smem:$0x3FB5] =	sst s8  }
0x11: {  	[smem:$0x3FB6] =	sst s9;
	s0 =	simm.s32 @!p0 $0x0  }
0x12: {  	s1 =	sld [smem:$0x3F9C];
	s0 =	simm.s32 @p0 $0x1  }
0x13: {  	[smem:$0x3FB7] =	sst s0;
	s0 =	simm.s32 @!p1 $0x0  }
0x14: {  	s2 =	sld [smem:$0x3F9B];
	s0 =	simm.s32 @p1 $0x1  }
0x15: {  	[smem:$0x3FB8] =	sst s0;
	s0 =	simm.s32 @!p2 $0x0  }
0x16: {  	s3 =	sld [smem:$0x3FDB];
	s0 =	simm.s32 @p2 $0x1  }
0x17: {  	s4 =	simm.s32 $0x1BF5;
	[smem:$0x3FBA] =	sst s0  }
0x18: {  	s0 =	sld [smem:$0x3F9D];
	_ =	swait.ge [sflag:s4], $0x0  }
0x19: {  	s7 =	sld [smem:$0x3F9E]  }
0x1a: {  	s8 =	sadd.s32 $0xFFFFE003, lr  }
0x1b: {  	s9 =	sadd.s32 $0xFFFFFEF7, lr;
	s5 =	simm.s32 $0xFFFFFFFF;
	p2 =	slt.u32 s8, $0xFFFFF086  }
0x1c: {  	p1 =	slt.u32 s9, $0xF7A;
	s5 =	simm.s32 @!p2 $0x0  }
0x1d: {  	s5 =	simm.s32 @p1 $0x1;
	p0 =	seq.s32 s7, s2  }
0x1e: {  	s7 =	smul.u32 @!p0 $0xF7A, s2;
	p2 =	seq.s32 @!p0 s5, $0x0  }
0x1f: {  	s9 =	smul.u32 $0xF7A, s1;
	s8 =	simm.s32 @!p0 $0x1BF5;
	p2 =	por !p2, p0  }
0x20: {  	[sflag:s8] =	ssyncset.s32 @!p0 $0xFFFFF086;
	s6 =	sadd.s32 @!p0 s3, s7;
	s7 =	simm.s32 @!p0 $0x108  }
0x21: {  	s3 =	sadd.s32 s3, s9;
	s6 =	sadd.s32 @!p0 $0x88, s6;
	s7 =	simm.s32 @p2 $0x1082  }
0x22: {  	[simem:s7], [sflag:s8] =	dma.local @!p0 [hbm:s6], $0xF7A  }
0x23: {  	s9 =	sor.u32 $0xD0000000, s2;
	s6 =	simm.s32 $0x108;
	_ =	swait.ge @!p0 [sflag:s8], $0x0  }
0x24: {  	s3 =	sadd.s32 $0x88, s3;
	s6 =	simm.s32 @!p1 $0x1082;
	[sflag:s4] =	ssyncset.s32 $0xFFFFF086  }
0x25: {  	[simem:s6], [sflag:s4] =	dma.local [hbm:s3], $0xF7A  }
0x26: {  	[smem:$0x3F9E] =	sst s1;
	(tag) =	ssettag s2;
	_ =	strace s9  }
0x27: {  	s1 =	sld [smem:$0x3FAE]  }
0x28: {  	s2 =	sld [smem:$0x3FAF]  }
0x29: {  	s4 =	sld [smem:$0x3FB1]  }
0x2a: {  	p0 =	seq.s32 s5, $0x0;
	s5 =	sld [smem:$0x3FB2]  }
0x2b: {  	s6 =	sld [smem:$0x3FB3]  }
0x2c: {  	s7 =	sld [smem:$0x3FB4]  }
0x2d: {  	s3 =	simm.s32 $0x108;
	s8 =	sld [smem:$0x3FB5]  }
0x2e: {  	s3 =	simm.s32 @!p0 $0x1082;
	s9 =	sld [smem:$0x3FB6]  }
0x2f: {  	lr =	sadd.s32 s0, s3;
	s0 =	sld [smem:$0x3FAD]  }
0x30: {  	s3 =	sld [smem:$0x3FB0]  }
0x31: {  	[smem:$0x3FB9] =	sst s10  }
0x32: {  	s10 =	sld [smem:$0x3FB7];
	_ =	sdelay $0x3  }
0x33: {  	p0 =	seq.s32 s10, $0x1;
	s10 =	sld [smem:$0x3FB9];
	_ =	sdelay $0x3  }
0x34: {  	[smem:$0x3FB9] =	sst s10  }
0x35: {  	s10 =	sld [smem:$0x3FB8];
	_ =	sdelay $0x3  }
0x36: {  	p1 =	seq.s32 s10, $0x1;
	s10 =	sld [smem:$0x3FB9];
	_ =	sdelay $0x3  }
0x37: {  	[smem:$0x3FB9] =	sst s10  }
0x38: {  	s10 =	sld [smem:$0x3FBA]  }
0x39: {  	_ = 	snop;
	(pc) =	sbr.ind lr, $3  }
0x3a: {  	_ = 	snop  }
0x3b: {  	_ = 	snop  }
0x3c: {  	p2 =	seq.s32 s10, $0x1;
	s10 =	sld [smem:$0x3FB9]  }
0x3d: {  	_ =	shalt  }
0x3e: {  	_ =	shalt  }
0x3f: {  	_ =	shalt  }
0x40: {  	_ =	shalt  }
0x41: {  	_ =	shalt  }
0x42: {  	_ =	shalt  }
0x43: {  	_ =	shalt  }
0x44: {  	_ =	shalt  }
0x45: {  	_ =	shalt  }
0x46: {  	_ =	shalt  }
0x47: {  	_ =	shalt  }
0x48: {  	_ =	shalt  }
0x49: {  	_ =	shalt  }
0x4a: {  	_ =	shalt  }
0x4b: {  	_ =	shalt  }
0x4c: {  	_ =	shalt  }
0x4d: {  	_ =	shalt  }
0x4e: {  	_ =	shalt  }
0x4f: {  	_ =	shalt  }
0x50: {  	_ =	shalt  }
0x51: {  	_ =	shalt  }
0x52: {  	_ =	shalt  }
0x53: {  	_ =	shalt  }
0x54: {  	_ =	shalt  }
0x55: {  	_ =	shalt  }
0x56: {  	_ =	shalt  }
0x57: {  	_ =	shalt  }
0x58: {  	_ =	shalt  }
0x59: {  	_ =	shalt  }
0x5a: {  	_ =	shalt  }
0x5b: {  	_ =	shalt  }
0x5c: {  	_ =	shalt  }
0x5d: {  	_ =	shalt  }
0x5e: {  	_ =	shalt  }
0x5f: {  	_ =	shalt  }
0x60: {  	_ =	shalt  }
0x61: {  	_ =	shalt  }
0x62: {  	_ =	shalt  }
0x63: {  	_ =	shalt  }
0x64: {  	_ =	shalt  }
0x65: {  	_ =	shalt  }
0x66: {  	_ =	shalt  }
0x67: {  	_ =	shalt  }
0x68: {  	_ =	shalt  }
0x69: {  	_ =	shalt  }
0x6a: {  	_ =	shalt  }
0x6b: {  	_ =	shalt  }
0x6c: {  	_ =	shalt  }
0x6d: {  	_ =	shalt  }
0x6e: {  	_ =	shalt  }
0x6f: {  	_ =	shalt  }
0x70: {  	_ =	shalt  }
0x71: {  	_ =	shalt  }
0x72: {  	_ =	shalt  }
0x73: {  	_ =	shalt  }
0x74: {  	_ =	shalt  }
0x75: {  	_ =	shalt  }
0x76: {  	_ =	shalt  }
0x77: {  	_ =	shalt  }
0x78: {  	_ =	shalt  }
0x79: {  	_ =	shalt  }
0x7a: {  	_ =	shalt  }
0x7b: {  	_ =	shalt  }
0x7c: {  	_ =	shalt  }
0x7d: {  	_ =	shalt  }
0x7e: {  	_ =	shalt  }
0x7f: {  	_ =	shalt  }
0x80: {  	_ =	shalt  }
0x81: {  	_ =	shalt  }
0x82: {  	_ =	shalt  }
0x83: {  	_ =	shalt  }
0x84: {  	_ =	shalt  }
0x85: {  	_ =	shalt  }
0x86: {  	_ =	shalt  }
0x87: {  	_ =	shalt  }
.Lfunc_end0:
.L_simem_size_0:
called_computation.3_lowered:
.L_overlay_start_0:
0x88: {  	s2 =	sld [smem:$0x3FD9]  }
0x89: {  	s3 =	sld [smem:$0x3FFE];
	_ =	sdelay $0x1  }
0x8a: {  	s1 =	srdreg.scid  }
0x8b: {  	s0 =	sand.u32 $0x1, s1  }
0x8c: {  	s14 =	sshll.u32 s0, $0xA;
	s2 =	sadd.s32 s3, s2  }
0x8d: {  	s2 =	sadd.s32 s2, s14  }
0x8e: {  	[smem:$0x3FC5] =	sst s2  }
0x8f: {  	_ = 	snop  }
0x90: {  	s2 =	sld [smem:$0x3FD0];
	_ =	sdelay $0x2  }
0x91: {  	s15 =	simm.s32 $0xA;
	s4 =	simm.s32 $0x10  }
0x92: {  	[smem:s4], [sflag:s15] =	dma.local [hbm:s2], $0x1  }
0x93: {  	_ =	swait.eq [sflag:s15], $0x1  }
0x94: {  	[sflag:s15] =	ssyncset.done $0x0  }
0x95: {  	[sflag:s15] =	ssyncadd.s32 $0xFFFFFFFF  }
0x96: {  	s16 =	sld [smem:$0x11];
	(tm) =	ssettm $0x1  }
0x97: {  	s17 =	sld [smem:$0x3FFB];
	_ =	sdelay $0x3  }
0x98: {  	_ =	strace s17  }
0x99: {  	s3 =	sld [smem:$0x3FFC];
	_ =	sdelay $0x3  }
0x9a: {  	_ =	strace s3  }
0x9b: {  	s3 =	sld [smem:$0x3FFD];
	_ =	sdelay $0x3  }
0x9c: {  	_ =	strace s3  }
0x9d: {  	_ =	strace $0x8FFFFFFF  }
0x9e: {  	s18 =	sld [smem:$0x3FDB];
	_ =	sdelay $0x1  }
0x9f: {  	s19 =	simm.s32 $_scs_section_size  }
0xa0: {  	s5 =	simm.s32 $_size__tile_overlayer_lowered;
	s6 =	simm.s32 $_tile_overlayer_lowered  }
0xa1: {  	s22 =	simm.s32 $0x1BFF;
	s21 =	sshll.u32 s6, $0x1;
	s3 =	sadd.s32 s19, s18  }
0xa2: {  	s7 =	simm.s32 $0x0;
	s20 =	sshll.u32 s5, $0x1;
	s5 =	sadd.s32 s21, s3  }
0xa3: {  	[timem:s7], [sflag:s22] =	dma.local [hbm:s5], s20  }
0xa4: {  	_ =	swait.ge [sflag:s22], s20  }
0xa5: {  	s4 =	ssub.s32 $0x0, s20;
	[sflag:s22] =	ssyncset.done $0x0  }
0xa6: {  	[sflag:s22] =	ssyncadd.s32 s4;
	_ =	sdelay $0x1  }
0xa7: {  	s23 =	simm.s32 $0x1B8B  }
0xa8: {  	_ =	swait.ge [sflag:s23], $0x1  }
0xa9: {  	[sflag:s23] =	ssyncset.done $0x0  }
0xaa: {  	s25 =	simm.s32 $0x1B8E;
	s24 =	sld [smem:$0x3FFE];
	[sflag:s23] =	ssyncadd.s32 $0xFFFFFFFF  }
0xab: {  	s26 =	simm.s32 $execute0_lowered;
	[smem:$0x3FD2] =	sst s25  }
0xac: {  	s5 =	sshll.u32 s26, $0x1;
	_ =	strace $0x8000004F;
	[dreg:$0x1] =	wrdreg $0xFFFFFFFF  }
0xad: {  	s28 =	simm.s32 $_size_execute0_lowered;
	s3 =	sadd.s32 s3, s5;
	[dreg:$0x0] =	wrdreg $0x0  }
0xae: {  	s5 =	sshll.u32 s28, $0x1;
	[dreg:$0x2] =	wrdreg s3  }
0xaf: {  	[dreg:$0x3] =	wrdreg s5  }
0xb0: {  	[dreg:$0x4] =	wrdreg $0xC0  }
0xb1: {  	_ =	task [dreg:s7], $0x5FFFF  }
0xb2: {  	[dreg:$0x1] =	wrdreg $0xFFFFFFFF  }
0xb3: {  	[dreg:$0x0] =	wrdreg $0x60  }
0xb4: {  	[dreg:$0x2] =	wrdreg s16  }
0xb5: {  	[dreg:$0x3] =	wrdreg s24  }
0xb6: {  	[dreg:$0x4] =	wrdreg $0xB8000  }
0xb7: {  	[dreg:$0x5] =	wrdreg $0x9  }
0xb8: {  	_ =	task.clear_ibuf [dreg:s7], $0x6FFFF;
	_ =	strace $0x9000004F  }
0xb9: {  	s29 =	simm.s32 $0x9;
	_ =	strace $0x80000051  }
0xba: {  	_ =	swait.ge [sflag:s29], $0x1  }
0xbb: {  	[sflag:s29] =	ssyncadd.s32 $0xFFFFFFFF  }
0xbc: {  	_ =	strace $0x90000051  }
0xbd: {  	_ =	sfence  }
0xbe: {  	s30 =	sld [smem:$0x0];
	_ =	sdelay $0x2  }
0xbf: {  	s31 =	sshll.u32 s1, $0xD;
	s1 =	sshrl.u32 s1, $0x2  }
0xc0: {  	s3 =	sand.u32 $0x4000, s31;
	s1 =	sadd.s32 s1, s30  }
0xc1: {  	s0 =	sor.u32 s3, s0;
	s1 =	sshll.u32 s1, $0x11  }
0xc2: {  	s0 =	sor.u32 s1, s0  }
0xc3: {  	s0 =	sadd.s32 $0x8F2B, s0  }
0xc4: {  	[sflag:s0] =	ssyncadd.remote.s32 $0x1  }
0xc5: {  	_ =	sfence.sel $0xFFFF  }
0xc6: {  	[dreg:$0x0] =	wrdreg $0xFFFFFFFF;
	(pc) =	sbr.abs _section_cstart, $3  }
0xc7: {  	[dreg:$0x1] =	wrdreg $0xFFFFFFFF  }
0xc8: {  	_ =	task.clear_ibuf [dreg:s7], $0x2FFFF;
	_ =	strace $0x9FFFFFFF  }
0xc9: {  	(tm) =	ssettm $0x7FFFFFFF  }
tec
execute0_lowered:
.L_overlay_start_1:
0x0: {  	(tag) =	ssettag $0x1  }
0x1: {  	s1 =	rddreg [dreg:$0x0]  }
0x2: {  	s8 =	rddreg [dreg:$0x1]  }
0x3: {  	s2 =	rddreg [dreg:$0x2];
	s3 =	srdreg.scid;
	s4 =	simm.s32 $0x0  }
0x4: {  	s0 =	stileid.u32;
	s17 =	simm.s32 $0x70;
	s18 =	simm.s32 $0x1000  }
0x5: {  	s19 =	simm.s32 $0x80;
	s20 =	simm.s32 $0x4800;
	s21 =	simm.s32 $0x1  }
0x6: {  	s22 =	simm.s32 $0x8000;
	s23 =	simm.s32 $0x2;
	s24 =	simm.s32 $0x3  }
0x7: {  	s25 =	simm.s32 $0x4;
	s26 =	simm.s32 $0x0;
	s10 =	smul.u32 $0x14000, s0  }
0x8: {  	s9 =	sand.u32 $0x1, s3;
	[smem:$0x7FF] =	sst s4;
	s12 =	smul.u32 $0x50000, s0  }
0x9: {  	s5 =	sadd.s32 $0x55E00, s8;
	s14 =	smul.u32 $0x3C00, s0;
	s31 =	sshll.u32 s0, $0x6  }
0xa: {  	s7 =	smul.u32 $0x140000, s9;
	s6 =	sshll.u32 s9, $0x4;
	_ =	strace $0x80000050  }
0xb: {  	s28 =	ssub.s32 $0x2, s9;
	s13 =	smul.u32 $0x3C000, s9;
	s11 =	sor.u32 s0, s6  }
0xc: {  	s6 =	sadd.s32 $0xB4E00, s8;
	s29 =	sshrl.u32 s28, $0x1;
	s12 =	sshrl.u32 s12, $0x2  }
0xd: {  	s10 =	sadd.s32 s10, s7;
	s11 =	smul.u32 $0x3C00, s11;
	s7 =	sadd.s32 $0x3600, s8  }
.Ltmp0:
0xe: {  	s15 =	ssub.s32 s28, s29;
	s16 =	sadd.s32 s12, s2;
	(pc) =	sbr.rel .LBB2_1-.Ltmp0, $4  }
0xf: {  	s30 =	sadd.s32 s14, s13;
	s13 =	simm.s32 $0x5;
	s10 =	sshrl.u32 s10, $0x3  }
0x10: {  	s12 =	sadd.s32 $0x400, s30;
	s16 =	sshrl.u32 s16, $0x3;
	s11 =	sshrl.u32 s11, $0x3  }
0x11: {  	s10 =	sadd.s32 s10, s8;
	s8 =	sadd.s32 s1, s11;
	s9 =	sadd.s32 s5, s11  }
0x12: {  	s10 =	sadd.s32 $0xDCE00, s10;
	s11 =	smax.u32 s15, $0x1;
	s15 =	sor.u32 $0x1C05, s31  }
.LBB2_3:
0x13: {  	_ =	swait.ge [sflag:s24], $0x3800  }
0x14: {  	[sflag:s24] =	ssyncset.done $0x0  }
0x15: {  	s0 =	sor.u32 $0x800, s31;
	[sflag:s24] =	ssyncadd.s32 $0xFFFFC800  }
0x16: {  	[spmem:s2] =	stream.indirect.scatter.add.f32 [tilespmem:s22], [sflag:$0x3], $0x80, s0, s17, $0xb8;
	[tilespmem:$0x1F800] =	vst v63  }
0x17: {  	_ =	swait.ge [sflag:s23], $0x3800  }
0x18: {  	[sflag:s23] =	ssyncset.done $0x0  }
0x19: {  	[sflag:s23] =	ssyncadd.s32 $0xFFFFC800  }
.LBB2_5:
0x1a: {  	_ =	swait.ge [sflag:s24], $0x3800  }
0x1b: {  	s26 =	sadd.s32 $0x1, s26;
	[sflag:s24] =	ssyncset.done $0x0  }
0x1c: {  	p0 =	sne.s32 s26, s11;
	[sflag:s24] =	ssyncadd.s32 $0xFFFFC800  }
.Ltmp1:
0x1d: {  	[bflag:$0x0] =	sbarrier.arrive $0xFFFF;
	(pc) =	sbr.rel @!p0 .LBB2_6-.Ltmp1, $4  }
0x1e: {  	[hbm:s10], [sflag:s15] =	dma.local [spmem:s16], $0x2800  }
0x1f: {  	_ =	swait.ge [sflag:s13], $0x2800  }
0x20: {  	[sflag:s13] =	ssyncset.done $0x0  }
0x21: {  	[sflag:s13] =	ssyncadd.s32 $0xFFFFD800  }
.LBB2_1:
0x22: {  	[tilespmem:s4], [sflag:$0x5] =	stream.linear.gather [hbm4b:s8+s4], $0x300, $0x38;
	[tilespmem:$0x1F800] =	vst v63  }
0x23: {  	_ =	swait.ge [sflag:s13], $0x300  }
0x24: {  	[sflag:s13] =	ssyncset.done $0x0  }
0x25: {  	s0 =	simm.s32 $0x800;
	[sflag:s13] =	ssyncadd.s32 $0xFFFFFD00  }
0x26: {  	[tilespmem:s0], [sflag:$0x5] =	stream.linear.gather [hbm4b:s9+s4], $0x300, $0x38;
	[tilespmem:$0x1F800] =	vst v63  }
0x27: {  	_ =	swait.ge [sflag:s13], $0x300  }
0x28: {  	[sflag:s13] =	ssyncset.done $0x0  }
0x29: {  	[sflag:s13] =	ssyncadd.s32 $0xFFFFFD00  }
0x2a: {  	[spmem:s16], [sflag:s15] =	dma.local [hbm:s7], $0x2800  }
0x2b: {  	_ =	swait.ge [sflag:s13], $0x2800  }
0x2c: {  	[sflag:s13] =	ssyncset.done $0x0  }
0x2d: {  	[sflag:s13] =	ssyncadd.s32 $0xFFFFD800  }
0x2e: {  	[bflag:$0x0] =	sbarrier.arrive $0xFFFF  }
0x2f: {  	[tilespmem:s18], [sflag:$0x1] =	stream.indirect.gather [hbm4b:s6+s17], $0x80, s4, s17, $0xb8;
	[tilespmem:$0x1F800] =	vst v63  }
0x30: {  	s28 =	simm.s32 $0x1;
	s29 =	simm.s32 $0x0  }
0x31: {  	[tilespmem:s20], [sflag:$0x2] =	stream.indirect.gather [hbm4b:s6+s17], $0x80, s19, s17, $0xb8;
	[tilespmem:$0x1F800] =	vst v63  }
.LBB2_2:
0x32: {  	p0 =	seq.s32 s29, $0x3800  }
0x33: {  	s31 =	sadd.s32 @!p0 s29, s12  }
0x34: {  	s30 =	sand.u32 $0x1, s28;
	s31 =	sshrl.u32 @!p0 s31, $0x3  }
0x35: {  	s0 =	sshll.u32 @!p0 s30, $0xA;
	s14 =	simm.s32 @!p0 $0x0;
	s3 =	sadd.s32 @!p0 s1, s31  }
0x36: {  	[tilespmem:s0], [sflag:$0x4] =	stream.linear.gather @!p0 [hbm4b:s3+s14], $0x300, $0x38;
	[tilespmem:$0x1F800] =	vst v63  }
0x37: {  	s0 =	sor.u32 @!p0 $0x800, s0;
	s3 =	sadd.s32 @!p0 s5, s31  }
0x38: {  	[tilespmem:s0], [sflag:$0x4] =	stream.linear.gather @!p0 [hbm4b:s3+s14], $0x300, $0x38;
	[tilespmem:$0x1F800] =	vst v63  }
0x39: {  	_ =	swait.ge [sflag:s21], $0x3800  }
0x3a: {  	s0 =	sand.u32 $0x400, s29;
	p0 =	seq.s32 s29, $0x0;
	[sflag:s21] =	ssyncset.done $0x0  }
0x3b: {  	s14 =	sor.u32 $0x800, s0;
	s3 =	simm.s32 @!p0 $0x3;
	[sflag:s21] =	ssyncadd.s32 $0xFFFFC800  }
0x3c: {  	[spmem:s2] =	stream.indirect.scatter.add.f32 [tilespmem:s18], [sflag:$0x1], $0x80, s14, s17, $0xb8;
	[tilespmem:$0x1F800] =	vst v63  }
0x3d: {  	_ =	swait.ge @!p0 [sflag:s3], $0x3800  }
0x3e: {  	[sflag:s3] =	ssyncset.done @!p0 $0x0  }
0x3f: {  	s14 =	sor.u32 $0x100, s0;
	[sflag:s3] =	ssyncadd.s32 @!p0 $0xFFFFC800  }
0x40: {  	[tilespmem:s22], [sflag:$0x3] =	stream.indirect.gather [hbm4b:s6+s17], $0x80, s14, s17, $0xb8;
	[tilespmem:$0x1F800] =	vst v63  }
0x41: {  	_ =	swait.ge [sflag:s23], $0x3800  }
0x42: {  	[sflag:s23] =	ssyncset.done $0x0  }
0x43: {  	s14 =	sadd.s32 $0x880, s0;
	[sflag:s23] =	ssyncadd.s32 $0xFFFFC800  }
0x44: {  	[spmem:s2] =	stream.indirect.scatter.add.f32 [tilespmem:s20], [sflag:$0x2], $0x80, s14, s17, $0xb8;
	[tilespmem:$0x1F800] =	vst v63  }
0x45: {  	_ =	swait.ge [sflag:s21], $0x3800  }
0x46: {  	[sflag:s21] =	ssyncset.done $0x0  }
0x47: {  	s14 =	sor.u32 $0x180, s0;
	[sflag:s21] =	ssyncadd.s32 $0xFFFFC800  }
0x48: {  	[tilespmem:s18], [sflag:$0x1] =	stream.indirect.gather [hbm4b:s6+s17], $0x80, s14, s17, $0xb8;
	[tilespmem:$0x1F800] =	vst v63  }
0x49: {  	_ =	swait.ge [sflag:s24], $0x3800  }
0x4a: {  	[sflag:s24] =	ssyncset.done $0x0  }
0x4b: {  	s14 =	sor.u32 $0x900, s0;
	[sflag:s24] =	ssyncadd.s32 $0xFFFFC800  }
0x4c: {  	[spmem:s2] =	stream.indirect.scatter.add.f32 [tilespmem:s22], [sflag:$0x3], $0x80, s14, s17, $0xb8;
	[tilespmem:$0x1F800] =	vst v63  }
0x4d: {  	_ =	swait.ge [sflag:s23], $0x3800  }
0x4e: {  	[sflag:s23] =	ssyncset.done $0x0  }
0x4f: {  	s14 =	sor.u32 $0x200, s0;
	[sflag:s23] =	ssyncadd.s32 $0xFFFFC800  }
0x50: {  	[tilespmem:s20], [sflag:$0x2] =	stream.indirect.gather [hbm4b:s6+s17], $0x80, s14, s17, $0xb8;
	[tilespmem:$0x1F800] =	vst v63  }
0x51: {  	_ =	swait.ge [sflag:s21], $0x3800  }
0x52: {  	[sflag:s21] =	ssyncset.done $0x0  }
0x53: {  	s14 =	sor.u32 $0x980, s0;
	[sflag:s21] =	ssyncadd.s32 $0xFFFFC800  }
0x54: {  	[spmem:s2] =	stream.indirect.scatter.add.f32 [tilespmem:s18], [sflag:$0x1], $0x80, s14, s17, $0xb8;
	[tilespmem:$0x1F800] =	vst v63  }
0x55: {  	_ =	swait.ge [sflag:s24], $0x3800  }
0x56: {  	[sflag:s24] =	ssyncset.done $0x0  }
0x57: {  	s31 =	sor.u32 $0x280, s0;
	[sflag:s24] =	ssyncadd.s32 $0xFFFFC800  }
0x58: {  	[tilespmem:s22], [sflag:$0x3] =	stream.indirect.gather [hbm4b:s6+s17], $0x80, s31, s17, $0xb8;
	[tilespmem:$0x1F800] =	vst v63  }
0x59: {  	_ =	swait.ge [sflag:s23], $0x3800  }
0x5a: {  	p0 =	sne.s32 s29, $0x3800;
	[sflag:s23] =	ssyncset.done $0x0  }
.Ltmp2:
0x5b: {  	s0 =	sor.u32 $0xA00, s0;
	[sflag:s23] =	ssyncadd.s32 $0xFFFFC800;
	(pc) =	sbr.rel @!p0 .LBB2_3-.Ltmp2, $4  }
0x5c: {  	[spmem:s2] =	stream.indirect.scatter.add.f32 [tilespmem:s20], [sflag:$0x2], $0x80, s0, s17, $0xb8;
	[tilespmem:$0x1F800] =	vst v63  }
0x5d: {  	_ =	swait.ge [sflag:s21], $0x3800  }
0x5e: {  	[sflag:s21] =	ssyncset.done $0x0  }
0x5f: {  	[sflag:s21] =	ssyncadd.s32 $0xFFFFC800  }
0x60: {  	_ =	swait.ge [sflag:s25], $0x300  }
0x61: {  	[sflag:s25] =	ssyncset.done $0x0  }
0x62: {  	[sflag:s25] =	ssyncadd.s32 $0xFFFFFD00  }
0x63: {  	_ =	swait.ge [sflag:s25], $0x300  }
0x64: {  	[sflag:s25] =	ssyncset.done $0x0  }
0x65: {  	s0 =	sshll.u32 s30, $0xA;
	[sflag:s25] =	ssyncadd.s32 $0xFFFFFD00  }
0x66: {  	[tilespmem:s18], [sflag:$0x1] =	stream.indirect.gather [hbm4b:s6+s17], $0x80, s0, s17, $0xb8;
	[tilespmem:$0x1F800] =	vst v63  }
0x67: {  	_ =	swait.ge [sflag:s24], $0x3800  }
0x68: {  	s29 =	sadd.s32 $0x400, s29;
	[sflag:s24] =	ssyncset.done $0x0  }
0x69: {  	s3 =	sor.u32 $0x800, s31;
	p0 =	sne.s32 s29, $0x3C00;
	[sflag:s24] =	ssyncadd.s32 $0xFFFFC800  }
0x6a: {  	[spmem:s2] =	stream.indirect.scatter.add.f32 [tilespmem:s22], [sflag:$0x3], $0x80, s3, s17, $0xb8;
	[tilespmem:$0x1F800] =	vst v63  }
.Ltmp3:
0x6b: {  	_ = 	snop;
	(pc) =	sbr.rel @p0 .LBB2_2-.Ltmp3, $4  }
.Ltmp4:
0x6c: {  	_ =	swait.ge [sflag:s23], $0x3800;
	(pc) =	sbr.rel @!p0 .LBB2_5-.Ltmp4, $4  }
0x6d: {  	[sflag:s23] =	ssyncset.done $0x0  }
0x6e: {  	s28 =	sadd.s32 $0x1, s28;
	s0 =	sor.u32 $0x80, s0;
	[sflag:s23] =	ssyncadd.s32 $0xFFFFC800  }
0x6f: {  	[tilespmem:s20], [sflag:$0x2] =	stream.indirect.gather [hbm4b:s6+s17], $0x80, s0, s17, $0xb8;
	[tilespmem:$0x1F800] =	vst v63  }
0x70: {  	_ = 	snop  }
.LBB2_6:
0x71: {  	_ =	sfence.sel $0x180000  }
0x72: {  	[bflag:$0x0] =	sbarrier.arrive $0xFFFF  }
0x73: {  	_ =	strace $0x90000050  }
0x74: {  	s0 =	stileid.u32;
	[bflag:$0x2] =	sbarrier.arrive $0xFFFF  }
0x75: {  	p0 =	sne.s32 s0, $0x0;
	s0 =	rddreg [dreg:$0x3]  }
0x76: {  	s0 =	sadd.s32 @!p0 $0x100000, s0  }
0x77: {  	[sflag:s0] =	ssyncadd.tile.s32 @!p0 $0x1;
	_ =	shalt  }
.Lfunc_end2:
_tile_overlayer_lowered:
.L_overlay_start_2:
0x78: {  	(tag) =	ssettag $0x2  }
0x79: {  	s0 =	rddreg [dreg:$0x0];
	s2 =	stileid.u32  }
0x7a: {  	s1 =	rddreg [dreg:$0x1];
	p0 =	sne.s32 s2, $0x0  }
0x7b: {  	s3 =	rddreg [dreg:$0x2];
	[bflag:$0x3] =	sbarrier.arrive $0xFFFF;
	s2 =	simm.s32 @!p0 $0x1C05  }
0x7c: {  	[timem:s3], [sflag:s2] =	dma.local @!p0 [hbm:s0], s1  }
0x7d: {  	s0 =	simm.s32 @!p0 $0x5  }
0x7e: {  	_ =	swait.ge @!p0 [sflag:s0], s1  }
0x7f: {  	s1 =	ssub.s32 @!p0 $0x0, s1;
	[sflag:s0] =	ssyncset.done @!p0 $0x0  }
0x80: {  	[sflag:s0] =	ssyncadd.s32 @!p0 s1  }
0x81: {  	[bflag:$0x3] =	sbarrier.arrive $0xFFFF  }
0x82: {  	_ =	shalt  }

// kernel: kernel.9.cloned.1.call-start
scs
__scs_entry_jumppad:
0x0: {  	(pc) =	sbr.rel $0x88, $3  }
0x1: {  	(tag) =	ssettag $0x0;
	lr =	simm.s32 $0x1  }
0x2: {  	[smem:$0x3F9E] =	sst lr;
	_ =	strace $0xD0000000  }
0x3: {  	_ = 	snop  }
0x4: {  	_ = 	snop  }
0x5: {  	_ = 	snop  }
0x6: {  	_ = 	snop  }
0x7: {  	_ = 	snop  }
__scs_overlays_trampoline_lowered:
0x8: {  	[smem:$0x3FAD] =	sst s0  }
0x9: {  	[smem:$0x3FAE] =	sst s1  }
0xa: {  	[smem:$0x3FAF] =	sst s2  }
0xb: {  	[smem:$0x3FB0] =	sst s3  }
0xc: {  	[smem:$0x3FB1] =	sst s4  }
0xd: {  	[smem:$0x3FB2] =	sst s5  }
0xe: {  	[smem:$0x3FB3] =	sst s6  }
0xf: {  	[smem:$0x3FB4] =	sst s7  }
0x10: {  	[smem:$0x3FB5] =	sst s8  }
0x11: {  	[smem:$0x3FB6] =	sst s9;
	s0 =	simm.s32 @!p0 $0x0  }
0x12: {  	s1 =	sld [smem:$0x3F9C];
	s0 =	simm.s32 @p0 $0x1  }
0x13: {  	[smem:$0x3FB7] =	sst s0;
	s0 =	simm.s32 @!p1 $0x0  }
0x14: {  	s2 =	sld [smem:$0x3F9B];
	s0 =	simm.s32 @p1 $0x1  }
0x15: {  	[smem:$0x3FB8] =	sst s0;
	s0 =	simm.s32 @!p2 $0x0  }
0x16: {  	s3 =	sld [smem:$0x3FDB];
	s0 =	simm.s32 @p2 $0x1  }
0x17: {  	s4 =	simm.s32 $0x1BF5;
	[smem:$0x3FBA] =	sst s0  }
0x18: {  	s0 =	sld [smem:$0x3F9D];
	_ =	swait.ge [sflag:s4], $0x0  }
0x19: {  	s7 =	sld [smem:$0x3F9E]  }
0x1a: {  	s8 =	sadd.s32 $0xFFFFE003, lr  }
0x1b: {  	s9 =	sadd.s32 $0xFFFFFEF7, lr;
	s5 =	simm.s32 $0xFFFFFFFF;
	p2 =	slt.u32 s8, $0xFFFFF086  }
0x1c: {  	p1 =	slt.u32 s9, $0xF7A;
	s5 =	simm.s32 @!p2 $0x0  }
0x1d: {  	s5 =	simm.s32 @p1 $0x1;
	p0 =	seq.s32 s7, s2  }
0x1e: {  	s7 =	smul.u32 @!p0 $0xF7A, s2;
	p2 =	seq.s32 @!p0 s5, $0x0  }
0x1f: {  	s9 =	smul.u32 $0xF7A, s1;
	s8 =	simm.s32 @!p0 $0x1BF5;
	p2 =	por !p2, p0  }
0x20: {  	[sflag:s8] =	ssyncset.s32 @!p0 $0xFFFFF086;
	s6 =	sadd.s32 @!p0 s3, s7;
	s7 =	simm.s32 @!p0 $0x108  }
0x21: {  	s3 =	sadd.s32 s3, s9;
	s6 =	sadd.s32 @!p0 $0x88, s6;
	s7 =	simm.s32 @p2 $0x1082  }
0x22: {  	[simem:s7], [sflag:s8] =	dma.local @!p0 [hbm:s6], $0xF7A  }
0x23: {  	s9 =	sor.u32 $0xD0000000, s2;
	s6 =	simm.s32 $0x108;
	_ =	swait.ge @!p0 [sflag:s8], $0x0  }
0x24: {  	s3 =	sadd.s32 $0x88, s3;
	s6 =	simm.s32 @!p1 $0x1082;
	[sflag:s4] =	ssyncset.s32 $0xFFFFF086  }
0x25: {  	[simem:s6], [sflag:s4] =	dma.local [hbm:s3], $0xF7A  }
0x26: {  	[smem:$0x3F9E] =	sst s1;
	(tag) =	ssettag s2;
	_ =	strace s9  }
0x27: {  	s1 =	sld [smem:$0x3FAE]  }
0x28: {  	s2 =	sld [smem:$0x3FAF]  }
0x29: {  	s4 =	sld [smem:$0x3FB1]  }
0x2a: {  	p0 =	seq.s32 s5, $0x0;
	s5 =	sld [smem:$0x3FB2]  }
0x2b: {  	s6 =	sld [smem:$0x3FB3]  }
0x2c: {  	s7 =	sld [smem:$0x3FB4]  }
0x2d: {  	s3 =	simm.s32 $0x108;
	s8 =	sld [smem:$0x3FB5]  }
0x2e: {  	s3 =	simm.s32 @!p0 $0x1082;
	s9 =	sld [smem:$0x3FB6]  }
0x2f: {  	lr =	sadd.s32 s0, s3;
	s0 =	sld [smem:$0x3FAD]  }
0x30: {  	s3 =	sld [smem:$0x3FB0]  }
0x31: {  	[smem:$0x3FB9] =	sst s10  }
0x32: {  	s10 =	sld [smem:$0x3FB7];
	_ =	sdelay $0x3  }
0x33: {  	p0 =	seq.s32 s10, $0x1;
	s10 =	sld [smem:$0x3FB9];
	_ =	sdelay $0x3  }
0x34: {  	[smem:$0x3FB9] =	sst s10  }
0x35: {  	s10 =	sld [smem:$0x3FB8];
	_ =	sdelay $0x3  }
0x36: {  	p1 =	seq.s32 s10, $0x1;
	s10 =	sld [smem:$0x3FB9];
	_ =	sdelay $0x3  }
0x37: {  	[smem:$0x3FB9] =	sst s10  }
0x38: {  	s10 =	sld [smem:$0x3FBA]  }
0x39: {  	_ = 	snop;
	(pc) =	sbr.ind lr, $3  }
0x3a: {  	_ = 	snop  }
0x3b: {  	_ = 	snop  }
0x3c: {  	p2 =	seq.s32 s10, $0x1;
	s10 =	sld [smem:$0x3FB9]  }
0x3d: {  	_ =	shalt  }
0x3e: {  	_ =	shalt  }
0x3f: {  	_ =	shalt  }
0x40: {  	_ =	shalt  }
0x41: {  	_ =	shalt  }
0x42: {  	_ =	shalt  }
0x43: {  	_ =	shalt  }
0x44: {  	_ =	shalt  }
0x45: {  	_ =	shalt  }
0x46: {  	_ =	shalt  }
0x47: {  	_ =	shalt  }
0x48: {  	_ =	shalt  }
0x49: {  	_ =	shalt  }
0x4a: {  	_ =	shalt  }
0x4b: {  	_ =	shalt  }
0x4c: {  	_ =	shalt  }
0x4d: {  	_ =	shalt  }
0x4e: {  	_ =	shalt  }
0x4f: {  	_ =	shalt  }
0x50: {  	_ =	shalt  }
0x51: {  	_ =	shalt  }
0x52: {  	_ =	shalt  }
0x53: {  	_ =	shalt  }
0x54: {  	_ =	shalt  }
0x55: {  	_ =	shalt  }
0x56: {  	_ =	shalt  }
0x57: {  	_ =	shalt  }
0x58: {  	_ =	shalt  }
0x59: {  	_ =	shalt  }
0x5a: {  	_ =	shalt  }
0x5b: {  	_ =	shalt  }
0x5c: {  	_ =	shalt  }
0x5d: {  	_ =	shalt  }
0x5e: {  	_ =	shalt  }
0x5f: {  	_ =	shalt  }
0x60: {  	_ =	shalt  }
0x61: {  	_ =	shalt  }
0x62: {  	_ =	shalt  }
0x63: {  	_ =	shalt  }
0x64: {  	_ =	shalt  }
0x65: {  	_ =	shalt  }
0x66: {  	_ =	shalt  }
0x67: {  	_ =	shalt  }
0x68: {  	_ =	shalt  }
0x69: {  	_ =	shalt  }
0x6a: {  	_ =	shalt  }
0x6b: {  	_ =	shalt  }
0x6c: {  	_ =	shalt  }
0x6d: {  	_ =	shalt  }
0x6e: {  	_ =	shalt  }
0x6f: {  	_ =	shalt  }
0x70: {  	_ =	shalt  }
0x71: {  	_ =	shalt  }
0x72: {  	_ =	shalt  }
0x73: {  	_ =	shalt  }
0x74: {  	_ =	shalt  }
0x75: {  	_ =	shalt  }
0x76: {  	_ =	shalt  }
0x77: {  	_ =	shalt  }
0x78: {  	_ =	shalt  }
0x79: {  	_ =	shalt  }
0x7a: {  	_ =	shalt  }
0x7b: {  	_ =	shalt  }
0x7c: {  	_ =	shalt  }
0x7d: {  	_ =	shalt  }
0x7e: {  	_ =	shalt  }
0x7f: {  	_ =	shalt  }
0x80: {  	_ =	shalt  }
0x81: {  	_ =	shalt  }
0x82: {  	_ =	shalt  }
0x83: {  	_ =	shalt  }
0x84: {  	_ =	shalt  }
0x85: {  	_ =	shalt  }
0x86: {  	_ =	shalt  }
0x87: {  	_ =	shalt  }
.Lfunc_end0:
.L_simem_size_0:
called_computation_lowered:
.L_overlay_start_0:
0x88: {  	s2 =	sld [smem:$0x3FD9]  }
0x89: {  	s3 =	sld [smem:$0x3FFE];
	_ =	sdelay $0x1  }
0x8a: {  	s1 =	srdreg.scid  }
0x8b: {  	s0 =	sand.u32 $0x1, s1  }
0x8c: {  	s14 =	sshll.u32 s0, $0xA;
	s2 =	sadd.s32 s3, s2  }
0x8d: {  	s2 =	sadd.s32 s2, s14  }
0x8e: {  	[smem:$0x3FC5] =	sst s2  }
0x8f: {  	_ = 	snop  }
0x90: {  	s2 =	sld [smem:$0x3FD0];
	_ =	sdelay $0x2  }
0x91: {  	s15 =	simm.s32 $0xA;
	s4 =	simm.s32 $0x10  }
0x92: {  	[smem:s4], [sflag:s15] =	dma.local [hbm:s2], $0x1  }
0x93: {  	_ =	swait.eq [sflag:s15], $0x1  }
0x94: {  	[sflag:s15] =	ssyncset.done $0x0  }
0x95: {  	[sflag:s15] =	ssyncadd.s32 $0xFFFFFFFF  }
0x96: {  	s16 =	sld [smem:$0x10];
	(tm) =	ssettm $0x1  }
0x97: {  	s17 =	sld [smem:$0x3FFB];
	_ =	sdelay $0x3  }
0x98: {  	_ =	strace s17  }
0x99: {  	s3 =	sld [smem:$0x3FFC];
	_ =	sdelay $0x3  }
0x9a: {  	_ =	strace s3  }
0x9b: {  	s3 =	sld [smem:$0x3FFD];
	_ =	sdelay $0x3  }
0x9c: {  	_ =	strace s3  }
0x9d: {  	_ =	strace $0x8FFFFFFF  }
0x9e: {  	s18 =	sld [smem:$0x3FDB];
	_ =	sdelay $0x1  }
0x9f: {  	s19 =	simm.s32 $_scs_section_size  }
0xa0: {  	s5 =	simm.s32 $_size__tile_overlayer_lowered;
	s6 =	simm.s32 $_tile_overlayer_lowered  }
0xa1: {  	s22 =	simm.s32 $0x1BFF;
	s21 =	sshll.u32 s6, $0x1;
	s3 =	sadd.s32 s19, s18  }
0xa2: {  	s7 =	simm.s32 $0x0;
	s20 =	sshll.u32 s5, $0x1;
	s5 =	sadd.s32 s21, s3  }
0xa3: {  	[timem:s7], [sflag:s22] =	dma.local [hbm:s5], s20  }
0xa4: {  	_ =	swait.ge [sflag:s22], s20  }
0xa5: {  	s4 =	ssub.s32 $0x0, s20;
	[sflag:s22] =	ssyncset.done $0x0  }
0xa6: {  	[sflag:s22] =	ssyncadd.s32 s4;
	_ =	sdelay $0x1  }
0xa7: {  	s23 =	simm.s32 $0x1B8B  }
0xa8: {  	_ =	swait.ge [sflag:s23], $0x1  }
0xa9: {  	[sflag:s23] =	ssyncset.done $0x0  }
0xaa: {  	s25 =	simm.s32 $0x1B8E;
	s24 =	sld [smem:$0x3FFE];
	[sflag:s23] =	ssyncadd.s32 $0xFFFFFFFF  }
0xab: {  	s26 =	simm.s32 $execute0_lowered;
	[smem:$0x3FD2] =	sst s25  }
0xac: {  	s5 =	sshll.u32 s26, $0x1;
	_ =	strace $0x80000046;
	[dreg:$0x1] =	wrdreg $0xFFFFFFFF  }
0xad: {  	s28 =	simm.s32 $_size_execute0_lowered;
	s3 =	sadd.s32 s3, s5;
	[dreg:$0x0] =	wrdreg $0x0  }
0xae: {  	s5 =	sshll.u32 s28, $0x1;
	[dreg:$0x2] =	wrdreg s3  }
0xaf: {  	[dreg:$0x3] =	wrdreg s5  }
0xb0: {  	[dreg:$0x4] =	wrdreg $0xC0  }
0xb1: {  	_ =	task [dreg:s7], $0x5FFFF  }
0xb2: {  	[dreg:$0x1] =	wrdreg $0xFFFFFFFF  }
0xb3: {  	[dreg:$0x0] =	wrdreg $0x60  }
0xb4: {  	[dreg:$0x2] =	wrdreg s16  }
0xb5: {  	[dreg:$0x3] =	wrdreg s24  }
0xb6: {  	[dreg:$0x4] =	wrdreg $0x68000  }
0xb7: {  	[dreg:$0x5] =	wrdreg $0x9  }
0xb8: {  	_ =	task.clear_ibuf [dreg:s7], $0x6FFFF;
	_ =	strace $0x90000046  }
0xb9: {  	s29 =	simm.s32 $0x9;
	_ =	strace $0x80000048  }
0xba: {  	_ =	swait.ge [sflag:s29], $0x1  }
0xbb: {  	[sflag:s29] =	ssyncadd.s32 $0xFFFFFFFF  }
0xbc: {  	_ =	strace $0x90000048  }
0xbd: {  	_ =	sfence  }
0xbe: {  	s30 =	sld [smem:$0x0];
	_ =	sdelay $0x2  }
0xbf: {  	s31 =	sshll.u32 s1, $0xD;
	s1 =	sshrl.u32 s1, $0x2  }
0xc0: {  	s3 =	sand.u32 $0x4000, s31;
	s1 =	sadd.s32 s1, s30  }
0xc1: {  	s0 =	sor.u32 s3, s0;
	s1 =	sshll.u32 s1, $0x11  }
0xc2: {  	s0 =	sor.u32 s1, s0  }
0xc3: {  	s0 =	sadd.s32 $0x8F2B, s0  }
0xc4: {  	[sflag:s0] =	ssyncadd.remote.s32 $0x1  }
0xc5: {  	_ =	sfence.sel $0xFFFF  }
0xc6: {  	[dreg:$0x0] =	wrdreg $0xFFFFFFFF;
	(pc) =	sbr.abs _section_cstart, $3  }
0xc7: {  	[dreg:$0x1] =	wrdreg $0xFFFFFFFF  }
0xc8: {  	_ =	task.clear_ibuf [dreg:s7], $0x2FFFF;
	_ =	strace $0x9FFFFFFF  }
0xc9: {  	(tm) =	ssettm $0x7FFFFFFF  }
tec
execute0_lowered:
.L_overlay_start_1:
0x0: {  	(tag) =	ssettag $0x1  }
0x1: {  	s6 =	rddreg [dreg:$0x0]  }
0x2: {  	s7 =	rddreg [dreg:$0x1]  }
0x3: {  	s1 =	rddreg [dreg:$0x2];
	s2 =	srdreg.scid  }
0x4: {  	s0 =	rddreg [dreg:$0x3];
	s3 =	simm.s32 $0x0;
	s13 =	simm.s32 $0x80  }
0x5: {  	s14 =	simm.s32 $0x1;
	s8 =	sand.u32 $0x1, s2;
	s2 =	stileid.u32  }
0x6: {  	s15 =	simm.s32 $0x0;
	[smem:$0x7FF] =	sst s3;
	s9 =	smul.u32 $0x140000, s8  }
0x7: {  	s4 =	sadd.s32 $0x3600, s7;
	s5 =	sadd.s32 $0x2E00, s7;
	s10 =	smul.u32 $0x14000, s2  }
0x8: {  	_ =	strace $0x80000047;
	s28 =	sshll.u32 s8, $0x4;
	s8 =	ssub.s32 $0x2, s8  }
0x9: {  	s11 =	smul.u32 $0x50000, s2;
	s31 =	sshll.u32 s2, $0x6;
	s12 =	sshrl.u32 s8, $0x1  }
0xa: {  	s9 =	sadd.s32 s10, s9;
	s10 =	sor.u32 s2, s28;
	s8 =	ssub.s32 s8, s12  }
0xb: {  	s29 =	sshrl.u32 s11, $0x2;
	s11 =	sor.u32 $0x1C02, s31;
	s9 =	sshrl.u32 s9, $0x3  }
0xc: {  	s10 =	smul.u32 $0x500, s10;
	s30 =	sadd.s32 s29, s1;
	s8 =	smax.u32 s8, $0x1  }
0xd: {  	s7 =	sadd.s32 s9, s7;
	s9 =	simm.s32 $0x2;
	s12 =	sshrl.u32 s30, $0x3  }
0xe: {  	s6 =	sadd.s32 s6, s10;
	s7 =	sadd.s32 $0x5E00, s7;
	s10 =	simm.s32 $0x2800  }
.LBB2_1:
0xf: {  	[tilespmem:s3], [sflag:$0x2] =	stream.linear.gather [hbm4b:s6+s3], $0x2800, $0x38;
	[tilespmem:$0x1A800] =	vst v63  }
0x10: {  	_ =	swait.ge [sflag:s9], $0x2800  }
0x11: {  	[sflag:s9] =	ssyncset.done $0x0  }
0x12: {  	[sflag:s9] =	ssyncadd.s32 $0xFFFFD800  }
0x13: {  	[tilespmem:s10], [sflag:$0x2] =	stream.linear.gather [hbm4b:s5+s3], $0x4000, $0x38;
	[tilespmem:$0x1A800] =	vst v63  }
0x14: {  	_ =	swait.ge [sflag:s9], $0x4000  }
0x15: {  	[sflag:s9] =	ssyncset.done $0x0  }
0x16: {  	[sflag:s9] =	ssyncadd.s32 $0xFFFFC000  }
0x17: {  	[spmem:s12], [sflag:s11] =	dma.local [hbm:s4], $0x2800  }
0x18: {  	_ =	swait.ge [sflag:s9], $0x2800  }
0x19: {  	[sflag:s9] =	ssyncset.done $0x0  }
0x1a: {  	[sflag:s9] =	ssyncadd.s32 $0xFFFFD800  }
0x1b: {  	s16 =	simm.s32 $0x0;
	[bflag:$0x0] =	sbarrier.arrive $0xFFFF  }
0x1c: {  	[spmem:s1] =	stream.indirect.scatter.add.f32 [tilespmem:s10], [sflag:$0x1], $0x80, s16, s13, $0xb8;
	[tilespmem:$0x1A800] =	vst v63  }
0x1d: {  	s29 =	simm.s32 $0x80  }
0x1e: {  	[spmem:s1] =	stream.indirect.scatter.add.f32 [tilespmem:s10], [sflag:$0x1], $0x80, s29, s13, $0xb8;
	[tilespmem:$0x1A800] =	vst v63  }
0x1f: {  	s30 =	simm.s32 $0x100  }
0x20: {  	[spmem:s1] =	stream.indirect.scatter.add.f32 [tilespmem:s10], [sflag:$0x1], $0x80, s30, s13, $0xb8;
	[tilespmem:$0x1A800] =	vst v63  }
0x21: {  	s31 =	simm.s32 $0x180  }
0x22: {  	[spmem:s1] =	stream.indirect.scatter.add.f32 [tilespmem:s10], [sflag:$0x1], $0x80, s31, s13, $0xb8;
	[tilespmem:$0x1A800] =	vst v63  }
0x23: {  	_ =	swait.ge [sflag:s14], $0x4000  }
0x24: {  	[sflag:s14] =	ssyncset.done $0x0  }
0x25: {  	[sflag:s14] =	ssyncadd.s32 $0xFFFFC000  }
0x26: {  	_ =	swait.ge [sflag:s14], $0x4000  }
0x27: {  	[sflag:s14] =	ssyncset.done $0x0  }
0x28: {  	[sflag:s14] =	ssyncadd.s32 $0xFFFFC000  }
0x29: {  	_ =	swait.ge [sflag:s14], $0x4000  }
0x2a: {  	[sflag:s14] =	ssyncset.done $0x0  }
0x2b: {  	[sflag:s14] =	ssyncadd.s32 $0xFFFFC000  }
0x2c: {  	_ =	swait.ge [sflag:s14], $0x4000  }
0x2d: {  	s17 =	simm.s32 $0x1000;
	s16 =	simm.s32 $0x800;
	[sflag:s14] =	ssyncset.done $0x0  }
.LBB2_2:
0x2e: {  	s18 =	sshra.s32 s16, $0x2  }
0x2f: {  	[sflag:s14] =	ssyncadd.s32 $0xFFFFC000;
	s16 =	smov.u32 s17;
	s19 =	sadd.s32 $0x800, s17  }
0x30: {  	[spmem:s1] =	stream.indirect.scatter.add.f32 [tilespmem:s10], [sflag:$0x1], $0x80, s18, s13, $0xb8;
	[tilespmem:$0x1A800] =	vst v63  }
0x31: {  	p0 =	sne.s32 s17, $0x9800;
	s17 =	sadd.s32 $0x80, s18  }
0x32: {  	[spmem:s1] =	stream.indirect.scatter.add.f32 [tilespmem:s10], [sflag:$0x1], $0x80, s17, s13, $0xb8;
	[tilespmem:$0x1A800] =	vst v63  }
0x33: {  	s17 =	sadd.s32 $0x100, s18  }
0x34: {  	[spmem:s1] =	stream.indirect.scatter.add.f32 [tilespmem:s10], [sflag:$0x1], $0x80, s17, s13, $0xb8;
	[tilespmem:$0x1A800] =	vst v63  }
0x35: {  	s17 =	sadd.s32 $0x180, s18  }
0x36: {  	[spmem:s1] =	stream.indirect.scatter.add.f32 [tilespmem:s10], [sflag:$0x1], $0x80, s17, s13, $0xb8;
	[tilespmem:$0x1A800] =	vst v63  }
0x37: {  	_ =	swait.ge [sflag:s14], $0x4000  }
0x38: {  	[sflag:s14] =	ssyncset.done $0x0  }
0x39: {  	[sflag:s14] =	ssyncadd.s32 $0xFFFFC000  }
0x3a: {  	_ =	swait.ge [sflag:s14], $0x4000  }
0x3b: {  	[sflag:s14] =	ssyncset.done $0x0  }
0x3c: {  	[sflag:s14] =	ssyncadd.s32 $0xFFFFC000  }
.Ltmp0:
0x3d: {  	_ =	swait.ge [sflag:s14], $0x4000;
	(pc) =	sbr.rel @p0 .LBB2_2-.Ltmp0, $4  }
0x3e: {  	[sflag:s14] =	ssyncset.done $0x0  }
0x3f: {  	[sflag:s14] =	ssyncadd.s32 $0xFFFFC000  }
0x40: {  	_ =	swait.ge [sflag:s14], $0x4000  }
0x41: {  	s17 =	smov.u32 s19;
	[sflag:s14] =	ssyncset.done $0x0  }
0x42: {  	s16 =	sshra.s32 s16, $0x2;
	[sflag:s14] =	ssyncadd.s32 $0xFFFFC000  }
0x43: {  	[spmem:s1] =	stream.indirect.scatter.add.f32 [tilespmem:s10], [sflag:$0x1], $0x80, s16, s13, $0xb8;
	[tilespmem:$0x1A800] =	vst v63  }
0x44: {  	s17 =	sadd.s32 $0x80, s16  }
0x45: {  	[spmem:s1] =	stream.indirect.scatter.add.f32 [tilespmem:s10], [sflag:$0x1], $0x80, s17, s13, $0xb8;
	[tilespmem:$0x1A800] =	vst v63  }
0x46: {  	s31 =	sadd.s32 $0x100, s16  }
0x47: {  	[spmem:s1] =	stream.indirect.scatter.add.f32 [tilespmem:s10], [sflag:$0x1], $0x80, s31, s13, $0xb8;
	[tilespmem:$0x1A800] =	vst v63  }
0x48: {  	s16 =	sadd.s32 $0x180, s16  }
0x49: {  	[spmem:s1] =	stream.indirect.scatter.add.f32 [tilespmem:s10], [sflag:$0x1], $0x80, s16, s13, $0xb8;
	[tilespmem:$0x1A800] =	vst v63  }
0x4a: {  	_ =	swait.ge [sflag:s14], $0x4000  }
0x4b: {  	[sflag:s14] =	ssyncset.done $0x0  }
0x4c: {  	[sflag:s14] =	ssyncadd.s32 $0xFFFFC000  }
0x4d: {  	_ =	swait.ge [sflag:s14], $0x4000  }
0x4e: {  	[sflag:s14] =	ssyncset.done $0x0  }
0x4f: {  	[sflag:s14] =	ssyncadd.s32 $0xFFFFC000  }
0x50: {  	_ =	swait.ge [sflag:s14], $0x4000  }
0x51: {  	[sflag:s14] =	ssyncset.done $0x0  }
0x52: {  	[sflag:s14] =	ssyncadd.s32 $0xFFFFC000  }
0x53: {  	_ =	swait.ge [sflag:s14], $0x4000  }
0x54: {  	s15 =	sadd.s32 $0x1, s15;
	[sflag:s14] =	ssyncset.done $0x0  }
0x55: {  	p0 =	sne.s32 s15, s8;
	[sflag:s14] =	ssyncadd.s32 $0xFFFFC000  }
.Ltmp1:
0x56: {  	[bflag:$0x0] =	sbarrier.arrive $0xFFFF;
	(pc) =	sbr.rel @p0 .LBB2_1-.Ltmp1, $4  }
0x57: {  	[hbm:s7], [sflag:s11] =	dma.local [spmem:s12], $0x2800  }
0x58: {  	_ =	swait.ge [sflag:s9], $0x2800  }
0x59: {  	[sflag:s9] =	ssyncset.done $0x0  }
0x5a: {  	[sflag:s9] =	ssyncadd.s32 $0xFFFFD800  }
0x5b: {  	_ =	sfence.sel $0x180000  }
0x5c: {  	[bflag:$0x0] =	sbarrier.arrive $0xFFFF  }
0x5d: {  	p0 =	sne.s32 s2, $0x0;
	_ =	strace $0x90000047  }
0x5e: {  	s0 =	sadd.s32 @!p0 $0x100000, s0;
	[bflag:$0x2] =	sbarrier.arrive $0xFFFF  }
0x5f: {  	[sflag:s0] =	ssyncadd.tile.s32 @!p0 $0x1;
	_ =	shalt  }
.Lfunc_end2:
_tile_overlayer_lowered:
.L_overlay_start_2:
0x60: {  	(tag) =	ssettag $0x2  }
0x61: {  	s0 =	rddreg [dreg:$0x0];
	s2 =	stileid.u32  }
0x62: {  	s1 =	rddreg [dreg:$0x1];
	p0 =	sne.s32 s2, $0x0  }
0x63: {  	s3 =	rddreg [dreg:$0x2];
	[bflag:$0x3] =	sbarrier.arrive $0xFFFF;
	s2 =	simm.s32 @!p0 $0x1C02  }
0x64: {  	[timem:s3], [sflag:s2] =	dma.local @!p0 [hbm:s0], s1  }
0x65: {  	s0 =	simm.s32 @!p0 $0x2  }
0x66: {  	_ =	swait.ge @!p0 [sflag:s0], s1  }
0x67: {  	s1 =	ssub.s32 @!p0 $0x0, s1;
	[sflag:s0] =	ssyncset.done @!p0 $0x0  }
0x68: {  	[sflag:s0] =	ssyncadd.s32 @!p0 s1  }
0x69: {  	[bflag:$0x3] =	sbarrier.arrive $0xFFFF  }
0x6a: {  	_ =	shalt  }

</sc_bundles>
